<compile_context>
chip_gen: v7x
topology: tpu7x:2x2x1
jax: 0.10.2.dev20260603
libtpu: 0.0.44.dev20260713+nightly
codegen_flags: <defaults>
</compile_context>

<pallas_src>
import functools

import jax
import jax.numpy as jnp
import numpy as np
from jax import lax
from jax.experimental import pallas as pl
from jax.experimental.pallas import tpu as pltpu
from jax.experimental.pallas import tpu_sc as plsc

N = 10000
E = 2000
H = 256
BK = 1000
W = 128
NTILES = 32
EPT = 64
WPT = W // NTILES
EPAD = NTILES * EPT
CAP = EPT * 16
NCHUNK = WPT * N // 16


def _bf(x):
    return x.astype(jnp.bfloat16)



def _prep_kernel(inc_ref, x_ref, w1_ref, incb_ref, xw1_ref):
    incb_ref[...] = _bf(inc_ref[...])
    xw1_ref[...] = jnp.dot(x_ref[...], w1_ref[...],
                           preferred_element_type=jnp.float32)


def _prep(inc, x, w1):
    nk = N // BK
    return pl.pallas_call(
        _prep_kernel,
        grid=(nk,),
        in_specs=[
            pl.BlockSpec((BK, E), lambda k: (k, 0)),
            pl.BlockSpec((BK, H), lambda k: (k, 0)),
            pl.BlockSpec((H, H), lambda k: (0, 0)),
        ],
        out_specs=[
            pl.BlockSpec((BK, E), lambda k: (k, 0)),
            pl.BlockSpec((BK, H), lambda k: (k, 0)),
        ],
        out_shape=[
            jax.ShapeDtypeStruct((N, E), jnp.bfloat16),
            jax.ShapeDtypeStruct((N, H), jnp.float32),
        ],
    )(inc, x, w1)


def _edge_fin_kernel(intra_ref, w2_ref, x1_ref, xw2_ref):
    x1 = jnp.maximum(intra_ref[...], 0.0)
    x1_ref[...] = x1
    xw2_ref[...] = _bf(jnp.dot(x1, w2_ref[...],
                               preferred_element_type=jnp.float32))


def _edge_fin(intra, w2):
    return pl.pallas_call(
        _edge_fin_kernel,
        grid=(1,),
        in_specs=[
            pl.BlockSpec((E, H), lambda k: (0, 0)),
            pl.BlockSpec((H, H), lambda k: (0, 0)),
        ],
        out_specs=[
            pl.BlockSpec((E, H), lambda k: (0, 0)),
            pl.BlockSpec((E, H), lambda k: (0, 0)),
        ],
        out_shape=[
            jax.ShapeDtypeStruct((E, H), jnp.float32),
            jax.ShapeDtypeStruct((E, H), jnp.bfloat16),
        ],
    )(intra, w2)


def _node0_kernel(inc_ref, xw2_ref, w1_ref, xw1_ref):
    t = jnp.maximum(jnp.dot(inc_ref[...], xw2_ref[...],
                            preferred_element_type=jnp.float32), 0.0)
    xw1_ref[...] = jnp.dot(t, w1_ref[...], preferred_element_type=jnp.float32)


def _node0(inc, xw2, w1):
    nm = N // BK
    return pl.pallas_call(
        _node0_kernel,
        grid=(nm,),
        in_specs=[
            pl.BlockSpec((BK, E), lambda m: (m, 0)),
            pl.BlockSpec((E, H), lambda m: (0, 0)),
            pl.BlockSpec((H, H), lambda m: (0, 0)),
        ],
        out_specs=pl.BlockSpec((BK, H), lambda m: (m, 0)),
        out_shape=jax.ShapeDtypeStruct((N, H), jnp.float32),
    )(inc, xw2, w1)


def _node1_kernel(inc_ref, xw2_ref, out_ref):
    out_ref[...] = jnp.maximum(
        jnp.dot(inc_ref[...], xw2_ref[...], preferred_element_type=jnp.float32),
        0.0)


def _node1(inc, xw2):
    nm = N // BK
    return pl.pallas_call(
        _node1_kernel,
        grid=(nm,),
        in_specs=[
            pl.BlockSpec((BK, E), lambda m: (m, 0)),
            pl.BlockSpec((E, H), lambda m: (0, 0)),
        ],
        out_specs=pl.BlockSpec((BK, H), lambda m: (m, 0)),
        out_shape=jax.ShapeDtypeStruct((N, H), jnp.float32),
    )(inc, xw2)



DEG = 16
NPAD = N + 8


def _sc_gather_body(mtab_ref, xw1_ref, out_ref, midx, gbuf, sem):
    wid = lax.axis_index("s") * 2 + lax.axis_index("c")
    pltpu.sync_copy(mtab_ref.at[wid], midx)
    for g in range(EPT * DEG // 128):
        pltpu.async_copy(xw1_ref.at[midx.at[0, pl.ds(g * 128, 128)]],
                         gbuf, sem).wait()
        pltpu.sync_copy(gbuf, out_ref.at[wid, pl.ds(g * 128, 128)])


def _sc_gather(mtab, xw1):
    mesh = plsc.VectorSubcoreMesh(core_axis_name="c", subcore_axis_name="s")
    kern = pl.kernel(
        _sc_gather_body,
        mesh=mesh,
        out_type=jax.ShapeDtypeStruct((NTILES, EPT * DEG, H), jnp.float32),
        scratch_types=[
            pltpu.VMEM((1, EPT * DEG), jnp.int32),
            pltpu.VMEM((128, H), jnp.float32),
            pltpu.SemaphoreType.DMA,
        ],
    )
    return kern(mtab, xw1).reshape(EPAD * DEG, H)


def _seg_matrix():
    m = np.zeros((EPT, EPT * DEG), np.float32)
    j = np.arange(EPT * DEG)
    m[j // DEG, j] = 1.0
    return jnp.asarray(m, dtype=jnp.bfloat16)


def _seg_reduce_kernel(g_ref, s_ref, out_ref):
    out_ref[...] = jnp.dot(s_ref[...], _bf(g_ref[...]),
                           preferred_element_type=jnp.float32)


def _seg_reduce(gath, s64):
    return pl.pallas_call(
        _seg_reduce_kernel,
        grid=(NTILES,),
        in_specs=[
            pl.BlockSpec((EPT * DEG, H), lambda g: (g, 0)),
            pl.BlockSpec((EPT, EPT * DEG), lambda g: (0, 0)),
        ],
        out_specs=pl.BlockSpec((EPT, H), lambda g: (g, 0)),
        out_shape=jax.ShapeDtypeStruct((EPAD, H), jnp.float32),
    )(gath, s64)



def kernel(x_0, incidence_1, weight1_0, weight2_0, att_weight1_0, att_weight2_0,
           weight1_1, weight2_1, att_weight1_1, att_weight2_1):
    vals, idx = lax.top_k(incidence_1.T, DEG)
    mtab = jnp.where(vals > 0.5, idx, N).astype(jnp.int32)
    mtab = jnp.pad(mtab, ((0, EPAD - E), (0, 0)), constant_values=N)
    mtab = mtab.reshape(NTILES, 1, EPT * DEG)

    inc_bf, xw1_0 = _prep(incidence_1, x_0, weight1_0)
    s64 = _seg_matrix()

    xw1_0p = jnp.pad(xw1_0, ((0, NPAD - N), (0, 0)))
    intra_0 = _seg_reduce(_sc_gather(mtab, xw1_0p), s64)
    _, xw2_0 = _edge_fin(intra_0, weight2_0)
    xw1_1 = _node0(inc_bf, xw2_0, weight1_1)

    xw1_1p = jnp.pad(xw1_1, ((0, NPAD - N), (0, 0)))
    intra_1 = _seg_reduce(_sc_gather(mtab, xw1_1p), s64)
    x1_1, xw2_1 = _edge_fin(intra_1, weight2_1)
    x_out = _node1(inc_bf, xw2_1)
    return (x_out, x1_1)

# --- scband reference (transcript-rebuilt; emitter-appended) ---
"""Pipeline reference for scband-hyper-gat-81587198755061 (READ-ONLY COPY).

The authoritative reference and input builder live on the scoring server;
editing this copy changes nothing except your own understanding.
"""

import jax, jax.numpy as jnp
import numpy as np

N_NODES = 10000
N_EDGES = 2000
EDGE_DEG = 16
IN_CH = 256
HID = 256
N_LAYERS = 2


def _xavier_uniform(key, shape, gain=1.414):
    fan_in, fan_out = shape[0], shape[1]
    a = gain * np.sqrt(6.0 / (fan_in + fan_out))
    return jax.random.uniform(key, shape, minval=-a, maxval=a, dtype=jnp.float32)


def setup_inputs(seed: int = 0):
    key = jax.random.key(seed)
    ks = jax.random.split(key, 2 + 4 * N_LAYERS)
    x_0 = jax.random.normal(ks[0], (N_NODES, IN_CH), dtype=jnp.float32)
    # Binary hypergraph incidence: each hyperedge contains EDGE_DEG random nodes.
    members = jax.random.randint(ks[1], (N_EDGES, EDGE_DEG), 0, N_NODES)
    edge_ids = jnp.repeat(jnp.arange(N_EDGES), EDGE_DEG)
    incidence_1 = jnp.zeros((N_NODES, N_EDGES), dtype=jnp.float32).at[members.reshape(-1), edge_ids].set(1.0)
    inputs = {"x_0": x_0, "incidence_1": incidence_1}
    in_ch = IN_CH
    for l in range(N_LAYERS):
        inputs["weight1_%d" % l] = _xavier_uniform(ks[2 + 4 * l], (in_ch, HID))
        inputs["weight2_%d" % l] = _xavier_uniform(ks[3 + 4 * l], (HID, HID))
        inputs["att_weight1_%d" % l] = _xavier_uniform(ks[4 + 4 * l], (HID, 1))
        inputs["att_weight2_%d" % l] = _xavier_uniform(ks[5 + 4 * l], (2 * HID, 1))
        in_ch = HID
    return inputs


def _hypergat_layer(x, inc, rows, cols, mask, W1, W2, a1, a2):
    # rows: node indices of incidence nonzeros (target_index_i)
    # cols: hyperedge indices of incidence nonzeros (source_index_j)
    vals = inc[rows, cols] * mask
    xw1 = x @ W1
    # intra-edge aggregation: nodes -> hyperedges
    intra = inc.T @ xw1  # [E, H]
    # node-level attention per incidence nonzero (softmax over dim=1 of [nnz,1], faithful to torch)
    att1 = jax.nn.softmax(jax.nn.leaky_relu(intra[cols]) @ a1, axis=1)[:, 0]
    inc_att = jnp.zeros_like(inc).at[rows, cols].add(att1 * vals)
    x_1 = jax.nn.relu(inc_att.T @ xw1)  # hyperedge features [E, H]
    # inter-edge aggregation: hyperedges -> nodes
    xw2 = x_1 @ W2
    inter = inc @ xw2  # [N, H]
    cat = jnp.concatenate([inter[rows], x_1[cols]], axis=1)
    att2 = jax.nn.softmax(jax.nn.leaky_relu(cat) @ a2, axis=1)[:, 0]
    inc_att2 = jnp.zeros_like(inc).at[rows, cols].add(att2 * vals)
    x_0_new = jax.nn.relu(inc_att2 @ xw2)
    return x_0_new, x_1


def reference(x_0, incidence_1, weight1_0, weight2_0, att_weight1_0, att_weight2_0, weight1_1, weight2_1, att_weight1_1, att_weight2_1):
    nnz_cap = incidence_1.shape[1] * EDGE_DEG
    rows, cols = jnp.nonzero(incidence_1, size=nnz_cap, fill_value=0)
    mask = (jnp.arange(nnz_cap) < jnp.count_nonzero(incidence_1)).astype(incidence_1.dtype)
    params = [
        (weight1_0, weight2_0, att_weight1_0, att_weight2_0),
        (weight1_1, weight2_1, att_weight1_1, att_weight2_1),
    ]
    x = x_0
    x_1 = None
    for (W1, W2, a1, a2) in params:
        x, x_1 = _hypergat_layer(x, incidence_1, rows, cols, mask, W1, W2, a1, a2)
        # layer_drop dropout is identity in eval mode
    return (x, x_1)

if __name__ == "__main__":
    import jax
    _d = setup_inputs()
    print(jax.jit(kernel)(*tuple(_d.values())))

</pallas_src>

<mosaic_0001>
#map = affine_map<(d0, d1) -> (0, 0, 0)>
#map1 = affine_map<(d0, d1) -> (0, 0)>
module attributes {stable_mosaic.version = 14 : i64} {
  func.func @_sc_gather_body(%arg0: i32, %arg1: i32, %arg2: memref<32x1x1024xi32, #tpu.memory_space<hbm>>, %arg3: memref<10008x256xf32, #tpu.memory_space<hbm>>, %arg4: memref<32x1024x256xf32, #tpu.memory_space<hbm>>, %arg5: memref<1x1024xi32, #tpu.memory_space<vmem>>, %arg6: memref<128x256xf32, #tpu.memory_space<vmem>>, %arg7: memref<!tpu.dma_semaphore, #tpu.memory_space<semaphore_mem>>) attributes {dimension_semantics = [#tpu.dimension_semantics<core_parallel>, #tpu.dimension_semantics<subcore_parallel>], iteration_bounds = array<i64: 2, 16>, scalar_prefetch = 0 : i64, scratch_operands = 3 : i64, tpu.core_type = #tpu.core_type<sc_vector_subcore>, window_params = [{transform_indices = #map}, {transform_indices = #map1}, {transform_indices = #map}]} {
    %mul3A = arith.constant 2 : i32
    %mul3A_0 = arith.muli %arg1, %mul3A : i32
    %add3A = arith.addi %mul3A_0, %arg0 : i32
    "tpu.region"() ({
      %run_scoped3A = tpu.sem_alloc : memref<!tpu.dma_semaphore, #tpu.memory_space<semaphore_mem>>
      %dma_start3A_111 = arith.constant 0 : i32
      %dma_start3A_112 = arith.constant 0 : i32
      %dma_start3A_113 = tpu.memref_slice %arg2[%add3A, %dma_start3A_111, %dma_start3A_112] : memref<32x1x1024xi32, #tpu.memory_space<hbm>> -> memref<1x1x1024xi32, #tpu.memory_space<hbm>>
      %dma_start3A_114 = tpu.memref_squeeze %dma_start3A_113 : memref<1x1x1024xi32, #tpu.memory_space<hbm>> -> memref<1x1024xi32, #tpu.memory_space<hbm>>
      %dma_start3A_115 = arith.constant 0 : i32
      %dma_start3A_116 = arith.constant 0 : i32
      %dma_start3A_117 = tpu.memref_slice %arg2[%add3A, %dma_start3A_115, %dma_start3A_116] : memref<32x1x1024xi32, #tpu.memory_space<hbm>> -> memref<1x1x1024xi32, #tpu.memory_space<hbm>>
      %dma_start3A_118 = tpu.memref_squeeze %dma_start3A_117 : memref<1x1x1024xi32, #tpu.memory_space<hbm>> -> memref<1x1024xi32, #tpu.memory_space<hbm>>
      tpu.enqueue_dma source(%dma_start3A_118 : memref<1x1024xi32, #tpu.memory_space<hbm>>) target(%arg5 : memref<1x1024xi32, #tpu.memory_space<vmem>>) target_semaphore(%run_scoped3A : memref<!tpu.dma_semaphore, #tpu.memory_space<semaphore_mem>>)
      %dma_wait3A_119 = arith.constant 0 : i32
      %dma_wait3A_120 = arith.constant 0 : i32
      %dma_wait3A_121 = tpu.memref_slice %arg2[%add3A, %dma_wait3A_119, %dma_wait3A_120] : memref<32x1x1024xi32, #tpu.memory_space<hbm>> -> memref<1x1x1024xi32, #tpu.memory_space<hbm>>
      %dma_wait3A_122 = tpu.memref_squeeze %dma_wait3A_121 : memref<1x1x1024xi32, #tpu.memory_space<hbm>> -> memref<1x1024xi32, #tpu.memory_space<hbm>>
      %dma_wait3A_123 = arith.constant 0 : i32
      %dma_wait3A_124 = arith.constant 0 : i32
      %dma_wait3A_125 = tpu.memref_slice %arg2[%add3A, %dma_wait3A_123, %dma_wait3A_124] : memref<32x1x1024xi32, #tpu.memory_space<hbm>> -> memref<1x1x1024xi32, #tpu.memory_space<hbm>>
      %dma_wait3A_126 = tpu.memref_squeeze %dma_wait3A_125 : memref<1x1x1024xi32, #tpu.memory_space<hbm>> -> memref<1x1024xi32, #tpu.memory_space<hbm>>
      tpu.wait_dma2 semaphore(%run_scoped3A : memref<!tpu.dma_semaphore, #tpu.memory_space<semaphore_mem>>) src(%dma_wait3A_126 : memref<1x1024xi32, #tpu.memory_space<hbm>>) dst(%arg5 : memref<1x1024xi32, #tpu.memory_space<vmem>>)
      tpu.yield
    }) : () -> ()
    %dma_start3A = arith.constant 0 : i32
    %dma_start3A_1 = arith.constant 0 : i32
    %dma_start3A_2 = tpu.memref_slice %arg5[%dma_start3A, %dma_start3A_1] : memref<1x1024xi32, #tpu.memory_space<vmem>> -> memref<1x128xi32, #tpu.memory_space<vmem>>
    %dma_start3A_3 = tpu.memref_squeeze %dma_start3A_2 : memref<1x128xi32, #tpu.memory_space<vmem>> -> memref<128xi32, #tpu.memory_space<vmem>>
    %dma_start3A_4 = arith.constant 0 : i32
    %dma_start3A_5 = arith.constant 0 : i32
    %dma_start3A_6 = tpu.memref_slice %arg3[%dma_start3A_4, %dma_start3A_5] : memref<10008x256xf32, #tpu.memory_space<hbm>> -> memref<10008x256xf32, #tpu.memory_space<hbm>>
    tpu.enqueue_indirect_dma source(%dma_start3A_6 : memref<10008x256xf32, #tpu.memory_space<hbm>>) target(%arg6 : memref<128x256xf32, #tpu.memory_space<vmem>>) offsets(%dma_start3A_3 : memref<128xi32, #tpu.memory_space<vmem>>) semaphore(%arg7 : memref<!tpu.dma_semaphore, #tpu.memory_space<semaphore_mem>>)
    %dma_wait3A = arith.constant 0 : i32
    %dma_wait3A_7 = arith.constant 0 : i32
    %dma_wait3A_8 = tpu.memref_slice %arg5[%dma_wait3A, %dma_wait3A_7] : memref<1x1024xi32, #tpu.memory_space<vmem>> -> memref<1x128xi32, #tpu.memory_space<vmem>>
    %dma_wait3A_9 = tpu.memref_squeeze %dma_wait3A_8 : memref<1x128xi32, #tpu.memory_space<vmem>> -> memref<128xi32, #tpu.memory_space<vmem>>
    %dma_wait3A_10 = arith.constant 0 : i32
    %dma_wait3A_11 = arith.constant 0 : i32
    %dma_wait3A_12 = tpu.memref_slice %arg3[%dma_wait3A_10, %dma_wait3A_11] : memref<10008x256xf32, #tpu.memory_space<hbm>> -> memref<10008x256xf32, #tpu.memory_space<hbm>>
    tpu.wait_indirect_dma semaphore(%arg7 : memref<!tpu.dma_semaphore, #tpu.memory_space<semaphore_mem>>) src(%dma_wait3A_12 : memref<10008x256xf32, #tpu.memory_space<hbm>>) dst(%arg6 : memref<128x256xf32, #tpu.memory_space<vmem>>)
    "tpu.region"() ({
      %run_scoped3A = tpu.sem_alloc : memref<!tpu.dma_semaphore, #tpu.memory_space<semaphore_mem>>
      %dma_start3A_111 = arith.constant 0 : i32
      %dma_start3A_112 = arith.constant 0 : i32
      %dma_start3A_113 = tpu.memref_slice %arg4[%add3A, %dma_start3A_111, %dma_start3A_112] : memref<32x1024x256xf32, #tpu.memory_space<hbm>> -> memref<1x128x256xf32, #tpu.memory_space<hbm>>
      %dma_start3A_114 = tpu.memref_squeeze %dma_start3A_113 : memref<1x128x256xf32, #tpu.memory_space<hbm>> -> memref<128x256xf32, #tpu.memory_space<hbm>>
      %dma_start3A_115 = arith.constant 0 : i32
      %dma_start3A_116 = arith.constant 0 : i32
      %dma_start3A_117 = tpu.memref_slice %arg4[%add3A, %dma_start3A_115, %dma_start3A_116] : memref<32x1024x256xf32, #tpu.memory_space<hbm>> -> memref<1x128x256xf32, #tpu.memory_space<hbm>>
      %dma_start3A_118 = tpu.memref_squeeze %dma_start3A_117 : memref<1x128x256xf32, #tpu.memory_space<hbm>> -> memref<128x256xf32, #tpu.memory_space<hbm>>
      tpu.enqueue_dma source(%arg6 : memref<128x256xf32, #tpu.memory_space<vmem>>) target(%dma_start3A_118 : memref<128x256xf32, #tpu.memory_space<hbm>>) target_semaphore(%run_scoped3A : memref<!tpu.dma_semaphore, #tpu.memory_space<semaphore_mem>>)
      %dma_wait3A_119 = arith.constant 0 : i32
      %dma_wait3A_120 = arith.constant 0 : i32
      %dma_wait3A_121 = tpu.memref_slice %arg4[%add3A, %dma_wait3A_119, %dma_wait3A_120] : memref<32x1024x256xf32, #tpu.memory_space<hbm>> -> memref<1x128x256xf32, #tpu.memory_space<hbm>>
      %dma_wait3A_122 = tpu.memref_squeeze %dma_wait3A_121 : memref<1x128x256xf32, #tpu.memory_space<hbm>> -> memref<128x256xf32, #tpu.memory_space<hbm>>
      %dma_wait3A_123 = arith.constant 0 : i32
      %dma_wait3A_124 = arith.constant 0 : i32
      %dma_wait3A_125 = tpu.memref_slice %arg4[%add3A, %dma_wait3A_123, %dma_wait3A_124] : memref<32x1024x256xf32, #tpu.memory_space<hbm>> -> memref<1x128x256xf32, #tpu.memory_space<hbm>>
      %dma_wait3A_126 = tpu.memref_squeeze %dma_wait3A_125 : memref<1x128x256xf32, #tpu.memory_space<hbm>> -> memref<128x256xf32, #tpu.memory_space<hbm>>
      tpu.wait_dma2 semaphore(%run_scoped3A : memref<!tpu.dma_semaphore, #tpu.memory_space<semaphore_mem>>) src(%arg6 : memref<128x256xf32, #tpu.memory_space<vmem>>) dst(%dma_wait3A_126 : memref<128x256xf32, #tpu.memory_space<hbm>>)
      tpu.yield
    }) : () -> ()
    %dma_start3A_13 = arith.constant 0 : i32
    %dma_start3A_14 = arith.constant 128 : i32
    %dma_start3A_15 = tpu.memref_slice %arg5[%dma_start3A_13, %dma_start3A_14] : memref<1x1024xi32, #tpu.memory_space<vmem>> -> memref<1x128xi32, #tpu.memory_space<vmem>>
    %dma_start3A_16 = tpu.memref_squeeze %dma_start3A_15 : memref<1x128xi32, #tpu.memory_space<vmem>> -> memref<128xi32, #tpu.memory_space<vmem>>
    %dma_start3A_17 = arith.constant 0 : i32
    %dma_start3A_18 = arith.constant 0 : i32
    %dma_start3A_19 = tpu.memref_slice %arg3[%dma_start3A_17, %dma_start3A_18] : memref<10008x256xf32, #tpu.memory_space<hbm>> -> memref<10008x256xf32, #tpu.memory_space<hbm>>
    tpu.enqueue_indirect_dma source(%dma_start3A_19 : memref<10008x256xf32, #tpu.memory_space<hbm>>) target(%arg6 : memref<128x256xf32, #tpu.memory_space<vmem>>) offsets(%dma_start3A_16 : memref<128xi32, #tpu.memory_space<vmem>>) semaphore(%arg7 : memref<!tpu.dma_semaphore, #tpu.memory_space<semaphore_mem>>)
    %dma_wait3A_20 = arith.constant 0 : i32
    %dma_wait3A_21 = arith.constant 128 : i32
    %dma_wait3A_22 = tpu.memref_slice %arg5[%dma_wait3A_20, %dma_wait3A_21] : memref<1x1024xi32, #tpu.memory_space<vmem>> -> memref<1x128xi32, #tpu.memory_space<vmem>>
    %dma_wait3A_23 = tpu.memref_squeeze %dma_wait3A_22 : memref<1x128xi32, #tpu.memory_space<vmem>> -> memref<128xi32, #tpu.memory_space<vmem>>
    %dma_wait3A_24 = arith.constant 0 : i32
    %dma_wait3A_25 = arith.constant 0 : i32
    %dma_wait3A_26 = tpu.memref_slice %arg3[%dma_wait3A_24, %dma_wait3A_25] : memref<10008x256xf32, #tpu.memory_space<hbm>> -> memref<10008x256xf32, #tpu.memory_space<hbm>>
    tpu.wait_indirect_dma semaphore(%arg7 : memref<!tpu.dma_semaphore, #tpu.memory_space<semaphore_mem>>) src(%dma_wait3A_26 : memref<10008x256xf32, #tpu.memory_space<hbm>>) dst(%arg6 : memref<128x256xf32, #tpu.memory_space<vmem>>)
    "tpu.region"() ({
      %run_scoped3A = tpu.sem_alloc : memref<!tpu.dma_semaphore, #tpu.memory_space<semaphore_mem>>
      %dma_start3A_111 = arith.constant 128 : i32
      %dma_start3A_112 = arith.constant 0 : i32
      %dma_start3A_113 = tpu.memref_slice %arg4[%add3A, %dma_start3A_111, %dma_start3A_112] : memref<32x1024x256xf32, #tpu.memory_space<hbm>> -> memref<1x128x256xf32, #tpu.memory_space<hbm>>
      %dma_start3A_114 = tpu.memref_squeeze %dma_start3A_113 : memref<1x128x256xf32, #tpu.memory_space<hbm>> -> memref<128x256xf32, #tpu.memory_space<hbm>>
      %dma_start3A_115 = arith.constant 128 : i32
      %dma_start3A_116 = arith.constant 0 : i32
      %dma_start3A_117 = tpu.memref_slice %arg4[%add3A, %dma_start3A_115, %dma_start3A_116] : memref<32x1024x256xf32, #tpu.memory_space<hbm>> -> memref<1x128x256xf32, #tpu.memory_space<hbm>>
      %dma_start3A_118 = tpu.memref_squeeze %dma_start3A_117 : memref<1x128x256xf32, #tpu.memory_space<hbm>> -> memref<128x256xf32, #tpu.memory_space<hbm>>
      tpu.enqueue_dma source(%arg6 : memref<128x256xf32, #tpu.memory_space<vmem>>) target(%dma_start3A_118 : memref<128x256xf32, #tpu.memory_space<hbm>>) target_semaphore(%run_scoped3A : memref<!tpu.dma_semaphore, #tpu.memory_space<semaphore_mem>>)
      %dma_wait3A_119 = arith.constant 128 : i32
      %dma_wait3A_120 = arith.constant 0 : i32
      %dma_wait3A_121 = tpu.memref_slice %arg4[%add3A, %dma_wait3A_119, %dma_wait3A_120] : memref<32x1024x256xf32, #tpu.memory_space<hbm>> -> memref<1x128x256xf32, #tpu.memory_space<hbm>>
      %dma_wait3A_122 = tpu.memref_squeeze %dma_wait3A_121 : memref<1x128x256xf32, #tpu.memory_space<hbm>> -> memref<128x256xf32, #tpu.memory_space<hbm>>
      %dma_wait3A_123 = arith.constant 128 : i32
      %dma_wait3A_124 = arith.constant 0 : i32
      %dma_wait3A_125 = tpu.memref_slice %arg4[%add3A, %dma_wait3A_123, %dma_wait3A_124] : memref<32x1024x256xf32, #tpu.memory_space<hbm>> -> memref<1x128x256xf32, #tpu.memory_space<hbm>>
      %dma_wait3A_126 = tpu.memref_squeeze %dma_wait3A_125 : memref<1x128x256xf32, #tpu.memory_space<hbm>> -> memref<128x256xf32, #tpu.memory_space<hbm>>
      tpu.wait_dma2 semaphore(%run_scoped3A : memref<!tpu.dma_semaphore, #tpu.memory_space<semaphore_mem>>) src(%arg6 : memref<128x256xf32, #tpu.memory_space<vmem>>) dst(%dma_wait3A_126 : memref<128x256xf32, #tpu.memory_space<hbm>>)
      tpu.yield
    }) : () -> ()
    %dma_start3A_27 = arith.constant 0 : i32
    %dma_start3A_28 = arith.constant 256 : i32
    %dma_start3A_29 = tpu.memref_slice %arg5[%dma_start3A_27, %dma_start3A_28] : memref<1x1024xi32, #tpu.memory_space<vmem>> -> memref<1x128xi32, #tpu.memory_space<vmem>>
    %dma_start3A_30 = tpu.memref_squeeze %dma_start3A_29 : memref<1x128xi32, #tpu.memory_space<vmem>> -> memref<128xi32, #tpu.memory_space<vmem>>
    %dma_start3A_31 = arith.constant 0 : i32
    %dma_start3A_32 = arith.constant 0 : i32
    %dma_start3A_33 = tpu.memref_slice %arg3[%dma_start3A_31, %dma_start3A_32] : memref<10008x256xf32, #tpu.memory_space<hbm>> -> memref<10008x256xf32, #tpu.memory_space<hbm>>
    tpu.enqueue_indirect_dma source(%dma_start3A_33 : memref<10008x256xf32, #tpu.memory_space<hbm>>) target(%arg6 : memref<128x256xf32, #tpu.memory_space<vmem>>) offsets(%dma_start3A_30 : memref<128xi32, #tpu.memory_space<vmem>>) semaphore(%arg7 : memref<!tpu.dma_semaphore, #tpu.memory_space<semaphore_mem>>)
    %dma_wait3A_34 = arith.constant 0 : i32
    %dma_wait3A_35 = arith.constant 256 : i32
    %dma_wait3A_36 = tpu.memref_slice %arg5[%dma_wait3A_34, %dma_wait3A_35] : memref<1x1024xi32, #tpu.memory_space<vmem>> -> memref<1x128xi32, #tpu.memory_space<vmem>>
    %dma_wait3A_37 = tpu.memref_squeeze %dma_wait3A_36 : memref<1x128xi32, #tpu.memory_space<vmem>> -> memref<128xi32, #tpu.memory_space<vmem>>
    %dma_wait3A_38 = arith.constant 0 : i32
    %dma_wait3A_39 = arith.constant 0 : i32
    %dma_wait3A_40 = tpu.memref_slice %arg3[%dma_wait3A_38, %dma_wait3A_39] : memref<10008x256xf32, #tpu.memory_space<hbm>> -> memref<10008x256xf32, #tpu.memory_space<hbm>>
    tpu.wait_indirect_dma semaphore(%arg7 : memref<!tpu.dma_semaphore, #tpu.memory_space<semaphore_mem>>) src(%dma_wait3A_40 : memref<10008x256xf32, #tpu.memory_space<hbm>>) dst(%arg6 : memref<128x256xf32, #tpu.memory_space<vmem>>)
    "tpu.region"() ({
      %run_scoped3A = tpu.sem_alloc : memref<!tpu.dma_semaphore, #tpu.memory_space<semaphore_mem>>
      %dma_start3A_111 = arith.constant 256 : i32
      %dma_start3A_112 = arith.constant 0 : i32
      %dma_start3A_113 = tpu.memref_slice %arg4[%add3A, %dma_start3A_111, %dma_start3A_112] : memref<32x1024x256xf32, #tpu.memory_space<hbm>> -> memref<1x128x256xf32, #tpu.memory_space<hbm>>
      %dma_start3A_114 = tpu.memref_squeeze %dma_start3A_113 : memref<1x128x256xf32, #tpu.memory_space<hbm>> -> memref<128x256xf32, #tpu.memory_space<hbm>>
      %dma_start3A_115 = arith.constant 256 : i32
      %dma_start3A_116 = arith.constant 0 : i32
      %dma_start3A_117 = tpu.memref_slice %arg4[%add3A, %dma_start3A_115, %dma_start3A_116] : memref<32x1024x256xf32, #tpu.memory_space<hbm>> -> memref<1x128x256xf32, #tpu.memory_space<hbm>>
      %dma_start3A_118 = tpu.memref_squeeze %dma_start3A_117 : memref<1x128x256xf32, #tpu.memory_space<hbm>> -> memref<128x256xf32, #tpu.memory_space<hbm>>
      tpu.enqueue_dma source(%arg6 : memref<128x256xf32, #tpu.memory_space<vmem>>) target(%dma_start3A_118 : memref<128x256xf32, #tpu.memory_space<hbm>>) target_semaphore(%run_scoped3A : memref<!tpu.dma_semaphore, #tpu.memory_space<semaphore_mem>>)
      %dma_wait3A_119 = arith.constant 256 : i32
      %dma_wait3A_120 = arith.constant 0 : i32
      %dma_wait3A_121 = tpu.memref_slice %arg4[%add3A, %dma_wait3A_119, %dma_wait3A_120] : memref<32x1024x256xf32, #tpu.memory_space<hbm>> -> memref<1x128x256xf32, #tpu.memory_space<hbm>>
      %dma_wait3A_122 = tpu.memref_squeeze %dma_wait3A_121 : memref<1x128x256xf32, #tpu.memory_space<hbm>> -> memref<128x256xf32, #tpu.memory_space<hbm>>
      %dma_wait3A_123 = arith.constant 256 : i32
      %dma_wait3A_124 = arith.constant 0 : i32
      %dma_wait3A_125 = tpu.memref_slice %arg4[%add3A, %dma_wait3A_123, %dma_wait3A_124] : memref<32x1024x256xf32, #tpu.memory_space<hbm>> -> memref<1x128x256xf32, #tpu.memory_space<hbm>>
      %dma_wait3A_126 = tpu.memref_squeeze %dma_wait3A_125 : memref<1x128x256xf32, #tpu.memory_space<hbm>> -> memref<128x256xf32, #tpu.memory_space<hbm>>
      tpu.wait_dma2 semaphore(%run_scoped3A : memref<!tpu.dma_semaphore, #tpu.memory_space<semaphore_mem>>) src(%arg6 : memref<128x256xf32, #tpu.memory_space<vmem>>) dst(%dma_wait3A_126 : memref<128x256xf32, #tpu.memory_space<hbm>>)
      tpu.yield
    }) : () -> ()
    %dma_start3A_41 = arith.constant 0 : i32
    %dma_start3A_42 = arith.constant 384 : i32
    %dma_start3A_43 = tpu.memref_slice %arg5[%dma_start3A_41, %dma_start3A_42] : memref<1x1024xi32, #tpu.memory_space<vmem>> -> memref<1x128xi32, #tpu.memory_space<vmem>>
    %dma_start3A_44 = tpu.memref_squeeze %dma_start3A_43 : memref<1x128xi32, #tpu.memory_space<vmem>> -> memref<128xi32, #tpu.memory_space<vmem>>
    %dma_start3A_45 = arith.constant 0 : i32
    %dma_start3A_46 = arith.constant 0 : i32
    %dma_start3A_47 = tpu.memref_slice %arg3[%dma_start3A_45, %dma_start3A_46] : memref<10008x256xf32, #tpu.memory_space<hbm>> -> memref<10008x256xf32, #tpu.memory_space<hbm>>
    tpu.enqueue_indirect_dma source(%dma_start3A_47 : memref<10008x256xf32, #tpu.memory_space<hbm>>) target(%arg6 : memref<128x256xf32, #tpu.memory_space<vmem>>) offsets(%dma_start3A_44 : memref<128xi32, #tpu.memory_space<vmem>>) semaphore(%arg7 : memref<!tpu.dma_semaphore, #tpu.memory_space<semaphore_mem>>)
    %dma_wait3A_48 = arith.constant 0 : i32
    %dma_wait3A_49 = arith.constant 384 : i32
    %dma_wait3A_50 = tpu.memref_slice %arg5[%dma_wait3A_48, %dma_wait3A_49] : memref<1x1024xi32, #tpu.memory_space<vmem>> -> memref<1x128xi32, #tpu.memory_space<vmem>>
    %dma_wait3A_51 = tpu.memref_squeeze %dma_wait3A_50 : memref<1x128xi32, #tpu.memory_space<vmem>> -> memref<128xi32, #tpu.memory_space<vmem>>
    %dma_wait3A_52 = arith.constant 0 : i32
    %dma_wait3A_53 = arith.constant 0 : i32
    %dma_wait3A_54 = tpu.memref_slice %arg3[%dma_wait3A_52, %dma_wait3A_53] : memref<10008x256xf32, #tpu.memory_space<hbm>> -> memref<10008x256xf32, #tpu.memory_space<hbm>>
    tpu.wait_indirect_dma semaphore(%arg7 : memref<!tpu.dma_semaphore, #tpu.memory_space<semaphore_mem>>) src(%dma_wait3A_54 : memref<10008x256xf32, #tpu.memory_space<hbm>>) dst(%arg6 : memref<128x256xf32, #tpu.memory_space<vmem>>)
    "tpu.region"() ({
      %run_scoped3A = tpu.sem_alloc : memref<!tpu.dma_semaphore, #tpu.memory_space<semaphore_mem>>
      %dma_start3A_111 = arith.constant 384 : i32
      %dma_start3A_112 = arith.constant 0 : i32
      %dma_start3A_113 = tpu.memref_slice %arg4[%add3A, %dma_start3A_111, %dma_start3A_112] : memref<32x1024x256xf32, #tpu.memory_space<hbm>> -> memref<1x128x256xf32, #tpu.memory_space<hbm>>
      %dma_start3A_114 = tpu.memref_squeeze %dma_start3A_113 : memref<1x128x256xf32, #tpu.memory_space<hbm>> -> memref<128x256xf32, #tpu.memory_space<hbm>>
      %dma_start3A_115 = arith.constant 384 : i32
      %dma_start3A_116 = arith.constant 0 : i32
      %dma_start3A_117 = tpu.memref_slice %arg4[%add3A, %dma_start3A_115, %dma_start3A_116] : memref<32x1024x256xf32, #tpu.memory_space<hbm>> -> memref<1x128x256xf32, #tpu.memory_space<hbm>>
      %dma_start3A_118 = tpu.memref_squeeze %dma_start3A_117 : memref<1x128x256xf32, #tpu.memory_space<hbm>> -> memref<128x256xf32, #tpu.memory_space<hbm>>
      tpu.enqueue_dma source(%arg6 : memref<128x256xf32, #tpu.memory_space<vmem>>) target(%dma_start3A_118 : memref<128x256xf32, #tpu.memory_space<hbm>>) target_semaphore(%run_scoped3A : memref<!tpu.dma_semaphore, #tpu.memory_space<semaphore_mem>>)
      %dma_wait3A_119 = arith.constant 384 : i32
      %dma_wait3A_120 = arith.constant 0 : i32
      %dma_wait3A_121 = tpu.memref_slice %arg4[%add3A, %dma_wait3A_119, %dma_wait3A_120] : memref<32x1024x256xf32, #tpu.memory_space<hbm>> -> memref<1x128x256xf32, #tpu.memory_space<hbm>>
      %dma_wait3A_122 = tpu.memref_squeeze %dma_wait3A_121 : memref<1x128x256xf32, #tpu.memory_space<hbm>> -> memref<128x256xf32, #tpu.memory_space<hbm>>
      %dma_wait3A_123 = arith.constant 384 : i32
      %dma_wait3A_124 = arith.constant 0 : i32
      %dma_wait3A_125 = tpu.memref_slice %arg4[%add3A, %dma_wait3A_123, %dma_wait3A_124] : memref<32x1024x256xf32, #tpu.memory_space<hbm>> -> memref<1x128x256xf32, #tpu.memory_space<hbm>>
      %dma_wait3A_126 = tpu.memref_squeeze %dma_wait3A_125 : memref<1x128x256xf32, #tpu.memory_space<hbm>> -> memref<128x256xf32, #tpu.memory_space<hbm>>
      tpu.wait_dma2 semaphore(%run_scoped3A : memref<!tpu.dma_semaphore, #tpu.memory_space<semaphore_mem>>) src(%arg6 : memref<128x256xf32, #tpu.memory_space<vmem>>) dst(%dma_wait3A_126 : memref<128x256xf32, #tpu.memory_space<hbm>>)
      tpu.yield
    }) : () -> ()
    %dma_start3A_55 = arith.constant 0 : i32
    %dma_start3A_56 = arith.constant 512 : i32
    %dma_start3A_57 = tpu.memref_slice %arg5[%dma_start3A_55, %dma_start3A_56] : memref<1x1024xi32, #tpu.memory_space<vmem>> -> memref<1x128xi32, #tpu.memory_space<vmem>>
    %dma_start3A_58 = tpu.memref_squeeze %dma_start3A_57 : memref<1x128xi32, #tpu.memory_space<vmem>> -> memref<128xi32, #tpu.memory_space<vmem>>
    %dma_start3A_59 = arith.constant 0 : i32
    %dma_start3A_60 = arith.constant 0 : i32
    %dma_start3A_61 = tpu.memref_slice %arg3[%dma_start3A_59, %dma_start3A_60] : memref<10008x256xf32, #tpu.memory_space<hbm>> -> memref<10008x256xf32, #tpu.memory_space<hbm>>
    tpu.enqueue_indirect_dma source(%dma_start3A_61 : memref<10008x256xf32, #tpu.memory_space<hbm>>) target(%arg6 : memref<128x256xf32, #tpu.memory_space<vmem>>) offsets(%dma_start3A_58 : memref<128xi32, #tpu.memory_space<vmem>>) semaphore(%arg7 : memref<!tpu.dma_semaphore, #tpu.memory_space<semaphore_mem>>)
    %dma_wait3A_62 = arith.constant 0 : i32
    %dma_wait3A_63 = arith.constant 512 : i32
    %dma_wait3A_64 = tpu.memref_slice %arg5[%dma_wait3A_62, %dma_wait3A_63] : memref<1x1024xi32, #tpu.memory_space<vmem>> -> memref<1x128xi32, #tpu.memory_space<vmem>>
    %dma_wait3A_65 = tpu.memref_squeeze %dma_wait3A_64 : memref<1x128xi32, #tpu.memory_space<vmem>> -> memref<128xi32, #tpu.memory_space<vmem>>
    %dma_wait3A_66 = arith.constant 0 : i32
    %dma_wait3A_67 = arith.constant 0 : i32
    %dma_wait3A_68 = tpu.memref_slice %arg3[%dma_wait3A_66, %dma_wait3A_67] : memref<10008x256xf32, #tpu.memory_space<hbm>> -> memref<10008x256xf32, #tpu.memory_space<hbm>>
    tpu.wait_indirect_dma semaphore(%arg7 : memref<!tpu.dma_semaphore, #tpu.memory_space<semaphore_mem>>) src(%dma_wait3A_68 : memref<10008x256xf32, #tpu.memory_space<hbm>>) dst(%arg6 : memref<128x256xf32, #tpu.memory_space<vmem>>)
    "tpu.region"() ({
      %run_scoped3A = tpu.sem_alloc : memref<!tpu.dma_semaphore, #tpu.memory_space<semaphore_mem>>
      %dma_start3A_111 = arith.constant 512 : i32
      %dma_start3A_112 = arith.constant 0 : i32
      %dma_start3A_113 = tpu.memref_slice %arg4[%add3A, %dma_start3A_111, %dma_start3A_112] : memref<32x1024x256xf32, #tpu.memory_space<hbm>> -> memref<1x128x256xf32, #tpu.memory_space<hbm>>
      %dma_start3A_114 = tpu.memref_squeeze %dma_start3A_113 : memref<1x128x256xf32, #tpu.memory_space<hbm>> -> memref<128x256xf32, #tpu.memory_space<hbm>>
      %dma_start3A_115 = arith.constant 512 : i32
      %dma_start3A_116 = arith.constant 0 : i32
      %dma_start3A_117 = tpu.memref_slice %arg4[%add3A, %dma_start3A_115, %dma_start3A_116] : memref<32x1024x256xf32, #tpu.memory_space<hbm>> -> memref<1x128x256xf32, #tpu.memory_space<hbm>>
      %dma_start3A_118 = tpu.memref_squeeze %dma_start3A_117 : memref<1x128x256xf32, #tpu.memory_space<hbm>> -> memref<128x256xf32, #tpu.memory_space<hbm>>
      tpu.enqueue_dma source(%arg6 : memref<128x256xf32, #tpu.memory_space<vmem>>) target(%dma_start3A_118 : memref<128x256xf32, #tpu.memory_space<hbm>>) target_semaphore(%run_scoped3A : memref<!tpu.dma_semaphore, #tpu.memory_space<semaphore_mem>>)
      %dma_wait3A_119 = arith.constant 512 : i32
      %dma_wait3A_120 = arith.constant 0 : i32
      %dma_wait3A_121 = tpu.memref_slice %arg4[%add3A, %dma_wait3A_119, %dma_wait3A_120] : memref<32x1024x256xf32, #tpu.memory_space<hbm>> -> memref<1x128x256xf32, #tpu.memory_space<hbm>>
      %dma_wait3A_122 = tpu.memref_squeeze %dma_wait3A_121 : memref<1x128x256xf32, #tpu.memory_space<hbm>> -> memref<128x256xf32, #tpu.memory_space<hbm>>
      %dma_wait3A_123 = arith.constant 512 : i32
      %dma_wait3A_124 = arith.constant 0 : i32
      %dma_wait3A_125 = tpu.memref_slice %arg4[%add3A, %dma_wait3A_123, %dma_wait3A_124] : memref<32x1024x256xf32, #tpu.memory_space<hbm>> -> memref<1x128x256xf32, #tpu.memory_space<hbm>>
      %dma_wait3A_126 = tpu.memref_squeeze %dma_wait3A_125 : memref<1x128x256xf32, #tpu.memory_space<hbm>> -> memref<128x256xf32, #tpu.memory_space<hbm>>
      tpu.wait_dma2 semaphore(%run_scoped3A : memref<!tpu.dma_semaphore, #tpu.memory_space<semaphore_mem>>) src(%arg6 : memref<128x256xf32, #tpu.memory_space<vmem>>) dst(%dma_wait3A_126 : memref<128x256xf32, #tpu.memory_space<hbm>>)
      tpu.yield
    }) : () -> ()
    %dma_start3A_69 = arith.constant 0 : i32
    %dma_start3A_70 = arith.constant 640 : i32
    %dma_start3A_71 = tpu.memref_slice %arg5[%dma_start3A_69, %dma_start3A_70] : memref<1x1024xi32, #tpu.memory_space<vmem>> -> memref<1x128xi32, #tpu.memory_space<vmem>>
    %dma_start3A_72 = tpu.memref_squeeze %dma_start3A_71 : memref<1x128xi32, #tpu.memory_space<vmem>> -> memref<128xi32, #tpu.memory_space<vmem>>
    %dma_start3A_73 = arith.constant 0 : i32
    %dma_start3A_74 = arith.constant 0 : i32
    %dma_start3A_75 = tpu.memref_slice %arg3[%dma_start3A_73, %dma_start3A_74] : memref<10008x256xf32, #tpu.memory_space<hbm>> -> memref<10008x256xf32, #tpu.memory_space<hbm>>
    tpu.enqueue_indirect_dma source(%dma_start3A_75 : memref<10008x256xf32, #tpu.memory_space<hbm>>) target(%arg6 : memref<128x256xf32, #tpu.memory_space<vmem>>) offsets(%dma_start3A_72 : memref<128xi32, #tpu.memory_space<vmem>>) semaphore(%arg7 : memref<!tpu.dma_semaphore, #tpu.memory_space<semaphore_mem>>)
    %dma_wait3A_76 = arith.constant 0 : i32
    %dma_wait3A_77 = arith.constant 640 : i32
    %dma_wait3A_78 = tpu.memref_slice %arg5[%dma_wait3A_76, %dma_wait3A_77] : memref<1x1024xi32, #tpu.memory_space<vmem>> -> memref<1x128xi32, #tpu.memory_space<vmem>>
    %dma_wait3A_79 = tpu.memref_squeeze %dma_wait3A_78 : memref<1x128xi32, #tpu.memory_space<vmem>> -> memref<128xi32, #tpu.memory_space<vmem>>
    %dma_wait3A_80 = arith.constant 0 : i32
    %dma_wait3A_81 = arith.constant 0 : i32
    %dma_wait3A_82 = tpu.memref_slice %arg3[%dma_wait3A_80, %dma_wait3A_81] : memref<10008x256xf32, #tpu.memory_space<hbm>> -> memref<10008x256xf32, #tpu.memory_space<hbm>>
    tpu.wait_indirect_dma semaphore(%arg7 : memref<!tpu.dma_semaphore, #tpu.memory_space<semaphore_mem>>) src(%dma_wait3A_82 : memref<10008x256xf32, #tpu.memory_space<hbm>>) dst(%arg6 : memref<128x256xf32, #tpu.memory_space<vmem>>)
    "tpu.region"() ({
      %run_scoped3A = tpu.sem_alloc : memref<!tpu.dma_semaphore, #tpu.memory_space<semaphore_mem>>
      %dma_start3A_111 = arith.constant 640 : i32
      %dma_start3A_112 = arith.constant 0 : i32
      %dma_start3A_113 = tpu.memref_slice %arg4[%add3A, %dma_start3A_111, %dma_start3A_112] : memref<32x1024x256xf32, #tpu.memory_space<hbm>> -> memref<1x128x256xf32, #tpu.memory_space<hbm>>
      %dma_start3A_114 = tpu.memref_squeeze %dma_start3A_113 : memref<1x128x256xf32, #tpu.memory_space<hbm>> -> memref<128x256xf32, #tpu.memory_space<hbm>>
      %dma_start3A_115 = arith.constant 640 : i32
      %dma_start3A_116 = arith.constant 0 : i32
      %dma_start3A_117 = tpu.memref_slice %arg4[%add3A, %dma_start3A_115, %dma_start3A_116] : memref<32x1024x256xf32, #tpu.memory_space<hbm>> -> memref<1x128x256xf32, #tpu.memory_space<hbm>>
      %dma_start3A_118 = tpu.memref_squeeze %dma_start3A_117 : memref<1x128x256xf32, #tpu.memory_space<hbm>> -> memref<128x256xf32, #tpu.memory_space<hbm>>
      tpu.enqueue_dma source(%arg6 : memref<128x256xf32, #tpu.memory_space<vmem>>) target(%dma_start3A_118 : memref<128x256xf32, #tpu.memory_space<hbm>>) target_semaphore(%run_scoped3A : memref<!tpu.dma_semaphore, #tpu.memory_space<semaphore_mem>>)
      %dma_wait3A_119 = arith.constant 640 : i32
      %dma_wait3A_120 = arith.constant 0 : i32
      %dma_wait3A_121 = tpu.memref_slice %arg4[%add3A, %dma_wait3A_119, %dma_wait3A_120] : memref<32x1024x256xf32, #tpu.memory_space<hbm>> -> memref<1x128x256xf32, #tpu.memory_space<hbm>>
      %dma_wait3A_122 = tpu.memref_squeeze %dma_wait3A_121 : memref<1x128x256xf32, #tpu.memory_space<hbm>> -> memref<128x256xf32, #tpu.memory_space<hbm>>
      %dma_wait3A_123 = arith.constant 640 : i32
      %dma_wait3A_124 = arith.constant 0 : i32
      %dma_wait3A_125 = tpu.memref_slice %arg4[%add3A, %dma_wait3A_123, %dma_wait3A_124] : memref<32x1024x256xf32, #tpu.memory_space<hbm>> -> memref<1x128x256xf32, #tpu.memory_space<hbm>>
      %dma_wait3A_126 = tpu.memref_squeeze %dma_wait3A_125 : memref<1x128x256xf32, #tpu.memory_space<hbm>> -> memref<128x256xf32, #tpu.memory_space<hbm>>
      tpu.wait_dma2 semaphore(%run_scoped3A : memref<!tpu.dma_semaphore, #tpu.memory_space<semaphore_mem>>) src(%arg6 : memref<128x256xf32, #tpu.memory_space<vmem>>) dst(%dma_wait3A_126 : memref<128x256xf32, #tpu.memory_space<hbm>>)
      tpu.yield
    }) : () -> ()
    %dma_start3A_83 = arith.constant 0 : i32
    %dma_start3A_84 = arith.constant 768 : i32
    %dma_start3A_85 = tpu.memref_slice %arg5[%dma_start3A_83, %dma_start3A_84] : memref<1x1024xi32, #tpu.memory_space<vmem>> -> memref<1x128xi32, #tpu.memory_space<vmem>>
    %dma_start3A_86 = tpu.memref_squeeze %dma_start3A_85 : memref<1x128xi32, #tpu.memory_space<vmem>> -> memref<128xi32, #tpu.memory_space<vmem>>
    %dma_start3A_87 = arith.constant 0 : i32
    %dma_start3A_88 = arith.constant 0 : i32
    %dma_start3A_89 = tpu.memref_slice %arg3[%dma_start3A_87, %dma_start3A_88] : memref<10008x256xf32, #tpu.memory_space<hbm>> -> memref<10008x256xf32, #tpu.memory_space<hbm>>
    tpu.enqueue_indirect_dma source(%dma_start3A_89 : memref<10008x256xf32, #tpu.memory_space<hbm>>) target(%arg6 : memref<128x256xf32, #tpu.memory_space<vmem>>) offsets(%dma_start3A_86 : memref<128xi32, #tpu.memory_space<vmem>>) semaphore(%arg7 : memref<!tpu.dma_semaphore, #tpu.memory_space<semaphore_mem>>)
    %dma_wait3A_90 = arith.constant 0 : i32
    %dma_wait3A_91 = arith.constant 768 : i32
    %dma_wait3A_92 = tpu.memref_slice %arg5[%dma_wait3A_90, %dma_wait3A_91] : memref<1x1024xi32, #tpu.memory_space<vmem>> -> memref<1x128xi32, #tpu.memory_space<vmem>>
    %dma_wait3A_93 = tpu.memref_squeeze %dma_wait3A_92 : memref<1x128xi32, #tpu.memory_space<vmem>> -> memref<128xi32, #tpu.memory_space<vmem>>
    %dma_wait3A_94 = arith.constant 0 : i32
    %dma_wait3A_95 = arith.constant 0 : i32
    %dma_wait3A_96 = tpu.memref_slice %arg3[%dma_wait3A_94, %dma_wait3A_95] : memref<10008x256xf32, #tpu.memory_space<hbm>> -> memref<10008x256xf32, #tpu.memory_space<hbm>>
    tpu.wait_indirect_dma semaphore(%arg7 : memref<!tpu.dma_semaphore, #tpu.memory_space<semaphore_mem>>) src(%dma_wait3A_96 : memref<10008x256xf32, #tpu.memory_space<hbm>>) dst(%arg6 : memref<128x256xf32, #tpu.memory_space<vmem>>)
    "tpu.region"() ({
      %run_scoped3A = tpu.sem_alloc : memref<!tpu.dma_semaphore, #tpu.memory_space<semaphore_mem>>
      %dma_start3A_111 = arith.constant 768 : i32
      %dma_start3A_112 = arith.constant 0 : i32
      %dma_start3A_113 = tpu.memref_slice %arg4[%add3A, %dma_start3A_111, %dma_start3A_112] : memref<32x1024x256xf32, #tpu.memory_space<hbm>> -> memref<1x128x256xf32, #tpu.memory_space<hbm>>
      %dma_start3A_114 = tpu.memref_squeeze %dma_start3A_113 : memref<1x128x256xf32, #tpu.memory_space<hbm>> -> memref<128x256xf32, #tpu.memory_space<hbm>>
      %dma_start3A_115 = arith.constant 768 : i32
      %dma_start3A_116 = arith.constant 0 : i32
      %dma_start3A_117 = tpu.memref_slice %arg4[%add3A, %dma_start3A_115, %dma_start3A_116] : memref<32x1024x256xf32, #tpu.memory_space<hbm>> -> memref<1x128x256xf32, #tpu.memory_space<hbm>>
      %dma_start3A_118 = tpu.memref_squeeze %dma_start3A_117 : memref<1x128x256xf32, #tpu.memory_space<hbm>> -> memref<128x256xf32, #tpu.memory_space<hbm>>
      tpu.enqueue_dma source(%arg6 : memref<128x256xf32, #tpu.memory_space<vmem>>) target(%dma_start3A_118 : memref<128x256xf32, #tpu.memory_space<hbm>>) target_semaphore(%run_scoped3A : memref<!tpu.dma_semaphore, #tpu.memory_space<semaphore_mem>>)
      %dma_wait3A_119 = arith.constant 768 : i32
      %dma_wait3A_120 = arith.constant 0 : i32
      %dma_wait3A_121 = tpu.memref_slice %arg4[%add3A, %dma_wait3A_119, %dma_wait3A_120] : memref<32x1024x256xf32, #tpu.memory_space<hbm>> -> memref<1x128x256xf32, #tpu.memory_space<hbm>>
      %dma_wait3A_122 = tpu.memref_squeeze %dma_wait3A_121 : memref<1x128x256xf32, #tpu.memory_space<hbm>> -> memref<128x256xf32, #tpu.memory_space<hbm>>
      %dma_wait3A_123 = arith.constant 768 : i32
      %dma_wait3A_124 = arith.constant 0 : i32
      %dma_wait3A_125 = tpu.memref_slice %arg4[%add3A, %dma_wait3A_123, %dma_wait3A_124] : memref<32x1024x256xf32, #tpu.memory_space<hbm>> -> memref<1x128x256xf32, #tpu.memory_space<hbm>>
      %dma_wait3A_126 = tpu.memref_squeeze %dma_wait3A_125 : memref<1x128x256xf32, #tpu.memory_space<hbm>> -> memref<128x256xf32, #tpu.memory_space<hbm>>
      tpu.wait_dma2 semaphore(%run_scoped3A : memref<!tpu.dma_semaphore, #tpu.memory_space<semaphore_mem>>) src(%arg6 : memref<128x256xf32, #tpu.memory_space<vmem>>) dst(%dma_wait3A_126 : memref<128x256xf32, #tpu.memory_space<hbm>>)
      tpu.yield
    }) : () -> ()
    %dma_start3A_97 = arith.constant 0 : i32
    %dma_start3A_98 = arith.constant 896 : i32
    %dma_start3A_99 = tpu.memref_slice %arg5[%dma_start3A_97, %dma_start3A_98] : memref<1x1024xi32, #tpu.memory_space<vmem>> -> memref<1x128xi32, #tpu.memory_space<vmem>>
    %dma_start3A_100 = tpu.memref_squeeze %dma_start3A_99 : memref<1x128xi32, #tpu.memory_space<vmem>> -> memref<128xi32, #tpu.memory_space<vmem>>
    %dma_start3A_101 = arith.constant 0 : i32
    %dma_start3A_102 = arith.constant 0 : i32
    %dma_start3A_103 = tpu.memref_slice %arg3[%dma_start3A_101, %dma_start3A_102] : memref<10008x256xf32, #tpu.memory_space<hbm>> -> memref<10008x256xf32, #tpu.memory_space<hbm>>
    tpu.enqueue_indirect_dma source(%dma_start3A_103 : memref<10008x256xf32, #tpu.memory_space<hbm>>) target(%arg6 : memref<128x256xf32, #tpu.memory_space<vmem>>) offsets(%dma_start3A_100 : memref<128xi32, #tpu.memory_space<vmem>>) semaphore(%arg7 : memref<!tpu.dma_semaphore, #tpu.memory_space<semaphore_mem>>)
    %dma_wait3A_104 = arith.constant 0 : i32
    %dma_wait3A_105 = arith.constant 896 : i32
    %dma_wait3A_106 = tpu.memref_slice %arg5[%dma_wait3A_104, %dma_wait3A_105] : memref<1x1024xi32, #tpu.memory_space<vmem>> -> memref<1x128xi32, #tpu.memory_space<vmem>>
    %dma_wait3A_107 = tpu.memref_squeeze %dma_wait3A_106 : memref<1x128xi32, #tpu.memory_space<vmem>> -> memref<128xi32, #tpu.memory_space<vmem>>
    %dma_wait3A_108 = arith.constant 0 : i32
    %dma_wait3A_109 = arith.constant 0 : i32
    %dma_wait3A_110 = tpu.memref_slice %arg3[%dma_wait3A_108, %dma_wait3A_109] : memref<10008x256xf32, #tpu.memory_space<hbm>> -> memref<10008x256xf32, #tpu.memory_space<hbm>>
    tpu.wait_indirect_dma semaphore(%arg7 : memref<!tpu.dma_semaphore, #tpu.memory_space<semaphore_mem>>) src(%dma_wait3A_110 : memref<10008x256xf32, #tpu.memory_space<hbm>>) dst(%arg6 : memref<128x256xf32, #tpu.memory_space<vmem>>)
    "tpu.region"() ({
      %run_scoped3A = tpu.sem_alloc : memref<!tpu.dma_semaphore, #tpu.memory_space<semaphore_mem>>
      %dma_start3A_111 = arith.constant 896 : i32
      %dma_start3A_112 = arith.constant 0 : i32
      %dma_start3A_113 = tpu.memref_slice %arg4[%add3A, %dma_start3A_111, %dma_start3A_112] : memref<32x1024x256xf32, #tpu.memory_space<hbm>> -> memref<1x128x256xf32, #tpu.memory_space<hbm>>
      %dma_start3A_114 = tpu.memref_squeeze %dma_start3A_113 : memref<1x128x256xf32, #tpu.memory_space<hbm>> -> memref<128x256xf32, #tpu.memory_space<hbm>>
      %dma_start3A_115 = arith.constant 896 : i32
      %dma_start3A_116 = arith.constant 0 : i32
      %dma_start3A_117 = tpu.memref_slice %arg4[%add3A, %dma_start3A_115, %dma_start3A_116] : memref<32x1024x256xf32, #tpu.memory_space<hbm>> -> memref<1x128x256xf32, #tpu.memory_space<hbm>>
      %dma_start3A_118 = tpu.memref_squeeze %dma_start3A_117 : memref<1x128x256xf32, #tpu.memory_space<hbm>> -> memref<128x256xf32, #tpu.memory_space<hbm>>
      tpu.enqueue_dma source(%arg6 : memref<128x256xf32, #tpu.memory_space<vmem>>) target(%dma_start3A_118 : memref<128x256xf32, #tpu.memory_space<hbm>>) target_semaphore(%run_scoped3A : memref<!tpu.dma_semaphore, #tpu.memory_space<semaphore_mem>>)
      %dma_wait3A_119 = arith.constant 896 : i32
      %dma_wait3A_120 = arith.constant 0 : i32
      %dma_wait3A_121 = tpu.memref_slice %arg4[%add3A, %dma_wait3A_119, %dma_wait3A_120] : memref<32x1024x256xf32, #tpu.memory_space<hbm>> -> memref<1x128x256xf32, #tpu.memory_space<hbm>>
      %dma_wait3A_122 = tpu.memref_squeeze %dma_wait3A_121 : memref<1x128x256xf32, #tpu.memory_space<hbm>> -> memref<128x256xf32, #tpu.memory_space<hbm>>
      %dma_wait3A_123 = arith.constant 896 : i32
      %dma_wait3A_124 = arith.constant 0 : i32
      %dma_wait3A_125 = tpu.memref_slice %arg4[%add3A, %dma_wait3A_123, %dma_wait3A_124] : memref<32x1024x256xf32, #tpu.memory_space<hbm>> -> memref<1x128x256xf32, #tpu.memory_space<hbm>>
      %dma_wait3A_126 = tpu.memref_squeeze %dma_wait3A_125 : memref<1x128x256xf32, #tpu.memory_space<hbm>> -> memref<128x256xf32, #tpu.memory_space<hbm>>
      tpu.wait_dma2 semaphore(%run_scoped3A : memref<!tpu.dma_semaphore, #tpu.memory_space<semaphore_mem>>) src(%arg6 : memref<128x256xf32, #tpu.memory_space<vmem>>) dst(%dma_wait3A_126 : memref<128x256xf32, #tpu.memory_space<hbm>>)
      tpu.yield
    }) : () -> ()
    return
  }
}

#map = affine_map<(d0, d1) -> (0, 0, 0)>
#map1 = affine_map<(d0, d1) -> (0, 0)>
module attributes {stable_mosaic.version = 14 : i64} {
  func.func @_sc_gather_body(%arg0: i32, %arg1: i32, %arg2: memref<32x1x1024xi32, #tpu.memory_space<hbm>>, %arg3: memref<10008x256xf32, #tpu.memory_space<hbm>>, %arg4: memref<32x1024x256xf32, #tpu.memory_space<hbm>>, %arg5: memref<1x1024xi32, #tpu.memory_space<vmem>>, %arg6: memref<128x256xf32, #tpu.memory_space<vmem>>, %arg7: memref<!tpu.dma_semaphore, #tpu.memory_space<semaphore_mem>>) attributes {dimension_semantics = [#tpu.dimension_semantics<core_parallel>, #tpu.dimension_semantics<subcore_parallel>], iteration_bounds = array<i64: 2, 16>, scalar_prefetch = 0 : i64, scratch_operands = 3 : i64, tpu.core_type = #tpu.core_type<sc_vector_subcore>, window_params = [{transform_indices = #map}, {transform_indices = #map1}, {transform_indices = #map}]} {
    %mul3A = arith.constant 2 : i32
    %mul3A_0 = arith.muli %arg1, %mul3A : i32
    %add3A = arith.addi %mul3A_0, %arg0 : i32
    "tpu.region"() ({
      %run_scoped3A = tpu.sem_alloc : memref<!tpu.dma_semaphore, #tpu.memory_space<semaphore_mem>>
      %dma_start3A_111 = arith.constant 0 : i32
      %dma_start3A_112 = arith.constant 0 : i32
      %dma_start3A_113 = tpu.memref_slice %arg2[%add3A, %dma_start3A_111, %dma_start3A_112] : memref<32x1x1024xi32, #tpu.memory_space<hbm>> -> memref<1x1x1024xi32, #tpu.memory_space<hbm>>
      %dma_start3A_114 = tpu.memref_squeeze %dma_start3A_113 : memref<1x1x1024xi32, #tpu.memory_space<hbm>> -> memref<1x1024xi32, #tpu.memory_space<hbm>>
      %dma_start3A_115 = arith.constant 0 : i32
      %dma_start3A_116 = arith.constant 0 : i32
      %dma_start3A_117 = tpu.memref_slice %arg2[%add3A, %dma_start3A_115, %dma_start3A_116] : memref<32x1x1024xi32, #tpu.memory_space<hbm>> -> memref<1x1x1024xi32, #tpu.memory_space<hbm>>
      %dma_start3A_118 = tpu.memref_squeeze %dma_start3A_117 : memref<1x1x1024xi32, #tpu.memory_space<hbm>> -> memref<1x1024xi32, #tpu.memory_space<hbm>>
      tpu.enqueue_dma source(%dma_start3A_118 : memref<1x1024xi32, #tpu.memory_space<hbm>>) target(%arg5 : memref<1x1024xi32, #tpu.memory_space<vmem>>) target_semaphore(%run_scoped3A : memref<!tpu.dma_semaphore, #tpu.memory_space<semaphore_mem>>)
      %dma_wait3A_119 = arith.constant 0 : i32
      %dma_wait3A_120 = arith.constant 0 : i32
      %dma_wait3A_121 = tpu.memref_slice %arg2[%add3A, %dma_wait3A_119, %dma_wait3A_120] : memref<32x1x1024xi32, #tpu.memory_space<hbm>> -> memref<1x1x1024xi32, #tpu.memory_space<hbm>>
      %dma_wait3A_122 = tpu.memref_squeeze %dma_wait3A_121 : memref<1x1x1024xi32, #tpu.memory_space<hbm>> -> memref<1x1024xi32, #tpu.memory_space<hbm>>
      %dma_wait3A_123 = arith.constant 0 : i32
      %dma_wait3A_124 = arith.constant 0 : i32
      %dma_wait3A_125 = tpu.memref_slice %arg2[%add3A, %dma_wait3A_123, %dma_wait3A_124] : memref<32x1x1024xi32, #tpu.memory_space<hbm>> -> memref<1x1x1024xi32, #tpu.memory_space<hbm>>
      %dma_wait3A_126 = tpu.memref_squeeze %dma_wait3A_125 : memref<1x1x1024xi32, #tpu.memory_space<hbm>> -> memref<1x1024xi32, #tpu.memory_space<hbm>>
      tpu.wait_dma2 semaphore(%run_scoped3A : memref<!tpu.dma_semaphore, #tpu.memory_space<semaphore_mem>>) src(%dma_wait3A_126 : memref<1x1024xi32, #tpu.memory_space<hbm>>) dst(%arg5 : memref<1x1024xi32, #tpu.memory_space<vmem>>)
      tpu.yield
    }) : () -> ()
    %dma_start3A = arith.constant 0 : i32
    %dma_start3A_1 = arith.constant 0 : i32
    %dma_start3A_2 = tpu.memref_slice %arg5[%dma_start3A, %dma_start3A_1] : memref<1x1024xi32, #tpu.memory_space<vmem>> -> memref<1x128xi32, #tpu.memory_space<vmem>>
    %dma_start3A_3 = tpu.memref_squeeze %dma_start3A_2 : memref<1x128xi32, #tpu.memory_space<vmem>> -> memref<128xi32, #tpu.memory_space<vmem>>
    %dma_start3A_4 = arith.constant 0 : i32
    %dma_start3A_5 = arith.constant 0 : i32
    %dma_start3A_6 = tpu.memref_slice %arg3[%dma_start3A_4, %dma_start3A_5] : memref<10008x256xf32, #tpu.memory_space<hbm>> -> memref<10008x256xf32, #tpu.memory_space<hbm>>
    tpu.enqueue_indirect_dma source(%dma_start3A_6 : memref<10008x256xf32, #tpu.memory_space<hbm>>) target(%arg6 : memref<128x256xf32, #tpu.memory_space<vmem>>) offsets(%dma_start3A_3 : memref<128xi32, #tpu.memory_space<vmem>>) semaphore(%arg7 : memref<!tpu.dma_semaphore, #tpu.memory_space<semaphore_mem>>)
    %dma_wait3A = arith.constant 0 : i32
    %dma_wait3A_7 = arith.constant 0 : i32
    %dma_wait3A_8 = tpu.memref_slice %arg5[%dma_wait3A, %dma_wait3A_7] : memref<1x1024xi32, #tpu.memory_space<vmem>> -> memref<1x128xi32, #tpu.memory_space<vmem>>
    %dma_wait3A_9 = tpu.memref_squeeze %dma_wait3A_8 : memref<1x128xi32, #tpu.memory_space<vmem>> -> memref<128xi32, #tpu.memory_space<vmem>>
    %dma_wait3A_10 = arith.constant 0 : i32
    %dma_wait3A_11 = arith.constant 0 : i32
    %dma_wait3A_12 = tpu.memref_slice %arg3[%dma_wait3A_10, %dma_wait3A_11] : memref<10008x256xf32, #tpu.memory_space<hbm>> -> memref<10008x256xf32, #tpu.memory_space<hbm>>
    tpu.wait_indirect_dma semaphore(%arg7 : memref<!tpu.dma_semaphore, #tpu.memory_space<semaphore_mem>>) src(%dma_wait3A_12 : memref<10008x256xf32, #tpu.memory_space<hbm>>) dst(%arg6 : memref<128x256xf32, #tpu.memory_space<vmem>>)
    "tpu.region"() ({
      %run_scoped3A = tpu.sem_alloc : memref<!tpu.dma_semaphore, #tpu.memory_space<semaphore_mem>>
      %dma_start3A_111 = arith.constant 0 : i32
      %dma_start3A_112 = arith.constant 0 : i32
      %dma_start3A_113 = tpu.memref_slice %arg4[%add3A, %dma_start3A_111, %dma_start3A_112] : memref<32x1024x256xf32, #tpu.memory_space<hbm>> -> memref<1x128x256xf32, #tpu.memory_space<hbm>>
      %dma_start3A_114 = tpu.memref_squeeze %dma_start3A_113 : memref<1x128x256xf32, #tpu.memory_space<hbm>> -> memref<128x256xf32, #tpu.memory_space<hbm>>
      %dma_start3A_115 = arith.constant 0 : i32
      %dma_start3A_116 = arith.constant 0 : i32
      %dma_start3A_117 = tpu.memref_slice %arg4[%add3A, %dma_start3A_115, %dma_start3A_116] : memref<32x1024x256xf32, #tpu.memory_space<hbm>> -> memref<1x128x256xf32, #tpu.memory_space<hbm>>
      %dma_start3A_118 = tpu.memref_squeeze %dma_start3A_117 : memref<1x128x256xf32, #tpu.memory_space<hbm>> -> memref<128x256xf32, #tpu.memory_space<hbm>>
      tpu.enqueue_dma source(%arg6 : memref<128x256xf32, #tpu.memory_space<vmem>>) target(%dma_start3A_118 : memref<128x256xf32, #tpu.memory_space<hbm>>) target_semaphore(%run_scoped3A : memref<!tpu.dma_semaphore, #tpu.memory_space<semaphore_mem>>)
      %dma_wait3A_119 = arith.constant 0 : i32
      %dma_wait3A_120 = arith.constant 0 : i32
      %dma_wait3A_121 = tpu.memref_slice %arg4[%add3A, %dma_wait3A_119, %dma_wait3A_120] : memref<32x1024x256xf32, #tpu.memory_space<hbm>> -> memref<1x128x256xf32, #tpu.memory_space<hbm>>
      %dma_wait3A_122 = tpu.memref_squeeze %dma_wait3A_121 : memref<1x128x256xf32, #tpu.memory_space<hbm>> -> memref<128x256xf32, #tpu.memory_space<hbm>>
      %dma_wait3A_123 = arith.constant 0 : i32
      %dma_wait3A_124 = arith.constant 0 : i32
      %dma_wait3A_125 = tpu.memref_slice %arg4[%add3A, %dma_wait3A_123, %dma_wait3A_124] : memref<32x1024x256xf32, #tpu.memory_space<hbm>> -> memref<1x128x256xf32, #tpu.memory_space<hbm>>
      %dma_wait3A_126 = tpu.memref_squeeze %dma_wait3A_125 : memref<1x128x256xf32, #tpu.memory_space<hbm>> -> memref<128x256xf32, #tpu.memory_space<hbm>>
      tpu.wait_dma2 semaphore(%run_scoped3A : memref<!tpu.dma_semaphore, #tpu.memory_space<semaphore_mem>>) src(%arg6 : memref<128x256xf32, #tpu.memory_space<vmem>>) dst(%dma_wait3A_126 : memref<128x256xf32, #tpu.memory_space<hbm>>)
      tpu.yield
    }) : () -> ()
    %dma_start3A_13 = arith.constant 0 : i32
    %dma_start3A_14 = arith.constant 128 : i32
    %dma_start3A_15 = tpu.memref_slice %arg5[%dma_start3A_13, %dma_start3A_14] : memref<1x1024xi32, #tpu.memory_space<vmem>> -> memref<1x128xi32, #tpu.memory_space<vmem>>
    %dma_start3A_16 = tpu.memref_squeeze %dma_start3A_15 : memref<1x128xi32, #tpu.memory_space<vmem>> -> memref<128xi32, #tpu.memory_space<vmem>>
    %dma_start3A_17 = arith.constant 0 : i32
    %dma_start3A_18 = arith.constant 0 : i32
    %dma_start3A_19 = tpu.memref_slice %arg3[%dma_start3A_17, %dma_start3A_18] : memref<10008x256xf32, #tpu.memory_space<hbm>> -> memref<10008x256xf32, #tpu.memory_space<hbm>>
    tpu.enqueue_indirect_dma source(%dma_start3A_19 : memref<10008x256xf32, #tpu.memory_space<hbm>>) target(%arg6 : memref<128x256xf32, #tpu.memory_space<vmem>>) offsets(%dma_start3A_16 : memref<128xi32, #tpu.memory_space<vmem>>) semaphore(%arg7 : memref<!tpu.dma_semaphore, #tpu.memory_space<semaphore_mem>>)
    %dma_wait3A_20 = arith.constant 0 : i32
    %dma_wait3A_21 = arith.constant 128 : i32
    %dma_wait3A_22 = tpu.memref_slice %arg5[%dma_wait3A_20, %dma_wait3A_21] : memref<1x1024xi32, #tpu.memory_space<vmem>> -> memref<1x128xi32, #tpu.memory_space<vmem>>
    %dma_wait3A_23 = tpu.memref_squeeze %dma_wait3A_22 : memref<1x128xi32, #tpu.memory_space<vmem>> -> memref<128xi32, #tpu.memory_space<vmem>>
    %dma_wait3A_24 = arith.constant 0 : i32
    %dma_wait3A_25 = arith.constant 0 : i32
    %dma_wait3A_26 = tpu.memref_slice %arg3[%dma_wait3A_24, %dma_wait3A_25] : memref<10008x256xf32, #tpu.memory_space<hbm>> -> memref<10008x256xf32, #tpu.memory_space<hbm>>
    tpu.wait_indirect_dma semaphore(%arg7 : memref<!tpu.dma_semaphore, #tpu.memory_space<semaphore_mem>>) src(%dma_wait3A_26 : memref<10008x256xf32, #tpu.memory_space<hbm>>) dst(%arg6 : memref<128x256xf32, #tpu.memory_space<vmem>>)
    "tpu.region"() ({
      %run_scoped3A = tpu.sem_alloc : memref<!tpu.dma_semaphore, #tpu.memory_space<semaphore_mem>>
      %dma_start3A_111 = arith.constant 128 : i32
      %dma_start3A_112 = arith.constant 0 : i32
      %dma_start3A_113 = tpu.memref_slice %arg4[%add3A, %dma_start3A_111, %dma_start3A_112] : memref<32x1024x256xf32, #tpu.memory_space<hbm>> -> memref<1x128x256xf32, #tpu.memory_space<hbm>>
      %dma_start3A_114 = tpu.memref_squeeze %dma_start3A_113 : memref<1x128x256xf32, #tpu.memory_space<hbm>> -> memref<128x256xf32, #tpu.memory_space<hbm>>
      %dma_start3A_115 = arith.constant 128 : i32
      %dma_start3A_116 = arith.constant 0 : i32
      %dma_start3A_117 = tpu.memref_slice %arg4[%add3A, %dma_start3A_115, %dma_start3A_116] : memref<32x1024x256xf32, #tpu.memory_space<hbm>> -> memref<1x128x256xf32, #tpu.memory_space<hbm>>
      %dma_start3A_118 = tpu.memref_squeeze %dma_start3A_117 : memref<1x128x256xf32, #tpu.memory_space<hbm>> -> memref<128x256xf32, #tpu.memory_space<hbm>>
      tpu.enqueue_dma source(%arg6 : memref<128x256xf32, #tpu.memory_space<vmem>>) target(%dma_start3A_118 : memref<128x256xf32, #tpu.memory_space<hbm>>) target_semaphore(%run_scoped3A : memref<!tpu.dma_semaphore, #tpu.memory_space<semaphore_mem>>)
      %dma_wait3A_119 = arith.constant 128 : i32
      %dma_wait3A_120 = arith.constant 0 : i32
      %dma_wait3A_121 = tpu.memref_slice %arg4[%add3A, %dma_wait3A_119, %dma_wait3A_120] : memref<32x1024x256xf32, #tpu.memory_space<hbm>> -> memref<1x128x256xf32, #tpu.memory_space<hbm>>
      %dma_wait3A_122 = tpu.memref_squeeze %dma_wait3A_121 : memref<1x128x256xf32, #tpu.memory_space<hbm>> -> memref<128x256xf32, #tpu.memory_space<hbm>>
      %dma_wait3A_123 = arith.constant 128 : i32
      %dma_wait3A_124 = arith.constant 0 : i32
      %dma_wait3A_125 = tpu.memref_slice %arg4[%add3A, %dma_wait3A_123, %dma_wait3A_124] : memref<32x1024x256xf32, #tpu.memory_space<hbm>> -> memref<1x128x256xf32, #tpu.memory_space<hbm>>
      %dma_wait3A_126 = tpu.memref_squeeze %dma_wait3A_125 : memref<1x128x256xf32, #tpu.memory_space<hbm>> -> memref<128x256xf32, #tpu.memory_space<hbm>>
      tpu.wait_dma2 semaphore(%run_scoped3A : memref<!tpu.dma_semaphore, #tpu.memory_space<semaphore_mem>>) src(%arg6 : memref<128x256xf32, #tpu.memory_space<vmem>>) dst(%dma_wait3A_126 : memref<128x256xf32, #tpu.memory_space<hbm>>)
      tpu.yield
    }) : () -> ()
    %dma_start3A_27 = arith.constant 0 : i32
    %dma_start3A_28 = arith.constant 256 : i32
    %dma_start3A_29 = tpu.memref_slice %arg5[%dma_start3A_27, %dma_start3A_28] : memref<1x1024xi32, #tpu.memory_space<vmem>> -> memref<1x128xi32, #tpu.memory_space<vmem>>
    %dma_start3A_30 = tpu.memref_squeeze %dma_start3A_29 : memref<1x128xi32, #tpu.memory_space<vmem>> -> memref<128xi32, #tpu.memory_space<vmem>>
    %dma_start3A_31 = arith.constant 0 : i32
    %dma_start3A_32 = arith.constant 0 : i32
    %dma_start3A_33 = tpu.memref_slice %arg3[%dma_start3A_31, %dma_start3A_32] : memref<10008x256xf32, #tpu.memory_space<hbm>> -> memref<10008x256xf32, #tpu.memory_space<hbm>>
    tpu.enqueue_indirect_dma source(%dma_start3A_33 : memref<10008x256xf32, #tpu.memory_space<hbm>>) target(%arg6 : memref<128x256xf32, #tpu.memory_space<vmem>>) offsets(%dma_start3A_30 : memref<128xi32, #tpu.memory_space<vmem>>) semaphore(%arg7 : memref<!tpu.dma_semaphore, #tpu.memory_space<semaphore_mem>>)
    %dma_wait3A_34 = arith.constant 0 : i32
    %dma_wait3A_35 = arith.constant 256 : i32
    %dma_wait3A_36 = tpu.memref_slice %arg5[%dma_wait3A_34, %dma_wait3A_35] : memref<1x1024xi32, #tpu.memory_space<vmem>> -> memref<1x128xi32, #tpu.memory_space<vmem>>
    %dma_wait3A_37 = tpu.memref_squeeze %dma_wait3A_36 : memref<1x128xi32, #tpu.memory_space<vmem>> -> memref<128xi32, #tpu.memory_space<vmem>>
    %dma_wait3A_38 = arith.constant 0 : i32
    %dma_wait3A_39 = arith.constant 0 : i32
    %dma_wait3A_40 = tpu.memref_slice %arg3[%dma_wait3A_38, %dma_wait3A_39] : memref<10008x256xf32, #tpu.memory_space<hbm>> -> memref<10008x256xf32, #tpu.memory_space<hbm>>
    tpu.wait_indirect_dma semaphore(%arg7 : memref<!tpu.dma_semaphore, #tpu.memory_space<semaphore_mem>>) src(%dma_wait3A_40 : memref<10008x256xf32, #tpu.memory_space<hbm>>) dst(%arg6 : memref<128x256xf32, #tpu.memory_space<vmem>>)
    "tpu.region"() ({
      %run_scoped3A = tpu.sem_alloc : memref<!tpu.dma_semaphore, #tpu.memory_space<semaphore_mem>>
      %dma_start3A_111 = arith.constant 256 : i32
      %dma_start3A_112 = arith.constant 0 : i32
      %dma_start3A_113 = tpu.memref_slice %arg4[%add3A, %dma_start3A_111, %dma_start3A_112] : memref<32x1024x256xf32, #tpu.memory_space<hbm>> -> memref<1x128x256xf32, #tpu.memory_space<hbm>>
      %dma_start3A_114 = tpu.memref_squeeze %dma_start3A_113 : memref<1x128x256xf32, #tpu.memory_space<hbm>> -> memref<128x256xf32, #tpu.memory_space<hbm>>
      %dma_start3A_115 = arith.constant 256 : i32
      %dma_start3A_116 = arith.constant 0 : i32
      %dma_start3A_117 = tpu.memref_slice %arg4[%add3A, %dma_start3A_115, %dma_start3A_116] : memref<32x1024x256xf32, #tpu.memory_space<hbm>> -> memref<1x128x256xf32, #tpu.memory_space<hbm>>
      %dma_start3A_118 = tpu.memref_squeeze %dma_start3A_117 : memref<1x128x256xf32, #tpu.memory_space<hbm>> -> memref<128x256xf32, #tpu.memory_space<hbm>>
      tpu.enqueue_dma source(%arg6 : memref<128x256xf32, #tpu.memory_space<vmem>>) target(%dma_start3A_118 : memref<128x256xf32, #tpu.memory_space<hbm>>) target_semaphore(%run_scoped3A : memref<!tpu.dma_semaphore, #tpu.memory_space<semaphore_mem>>)
      %dma_wait3A_119 = arith.constant 256 : i32
      %dma_wait3A_120 = arith.constant 0 : i32
      %dma_wait3A_121 = tpu.memref_slice %arg4[%add3A, %dma_wait3A_119, %dma_wait3A_120] : memref<32x1024x256xf32, #tpu.memory_space<hbm>> -> memref<1x128x256xf32, #tpu.memory_space<hbm>>
      %dma_wait3A_122 = tpu.memref_squeeze %dma_wait3A_121 : memref<1x128x256xf32, #tpu.memory_space<hbm>> -> memref<128x256xf32, #tpu.memory_space<hbm>>
      %dma_wait3A_123 = arith.constant 256 : i32
      %dma_wait3A_124 = arith.constant 0 : i32
      %dma_wait3A_125 = tpu.memref_slice %arg4[%add3A, %dma_wait3A_123, %dma_wait3A_124] : memref<32x1024x256xf32, #tpu.memory_space<hbm>> -> memref<1x128x256xf32, #tpu.memory_space<hbm>>
      %dma_wait3A_126 = tpu.memref_squeeze %dma_wait3A_125 : memref<1x128x256xf32, #tpu.memory_space<hbm>> -> memref<128x256xf32, #tpu.memory_space<hbm>>
      tpu.wait_dma2 semaphore(%run_scoped3A : memref<!tpu.dma_semaphore, #tpu.memory_space<semaphore_mem>>) src(%arg6 : memref<128x256xf32, #tpu.memory_space<vmem>>) dst(%dma_wait3A_126 : memref<128x256xf32, #tpu.memory_space<hbm>>)
      tpu.yield
    }) : () -> ()
    %dma_start3A_41 = arith.constant 0 : i32
    %dma_start3A_42 = arith.constant 384 : i32
    %dma_start3A_43 = tpu.memref_slice %arg5[%dma_start3A_41, %dma_start3A_42] : memref<1x1024xi32, #tpu.memory_space<vmem>> -> memref<1x128xi32, #tpu.memory_space<vmem>>
    %dma_start3A_44 = tpu.memref_squeeze %dma_start3A_43 : memref<1x128xi32, #tpu.memory_space<vmem>> -> memref<128xi32, #tpu.memory_space<vmem>>
    %dma_start3A_45 = arith.constant 0 : i32
    %dma_start3A_46 = arith.constant 0 : i32
    %dma_start3A_47 = tpu.memref_slice %arg3[%dma_start3A_45, %dma_start3A_46] : memref<10008x256xf32, #tpu.memory_space<hbm>> -> memref<10008x256xf32, #tpu.memory_space<hbm>>
    tpu.enqueue_indirect_dma source(%dma_start3A_47 : memref<10008x256xf32, #tpu.memory_space<hbm>>) target(%arg6 : memref<128x256xf32, #tpu.memory_space<vmem>>) offsets(%dma_start3A_44 : memref<128xi32, #tpu.memory_space<vmem>>) semaphore(%arg7 : memref<!tpu.dma_semaphore, #tpu.memory_space<semaphore_mem>>)
    %dma_wait3A_48 = arith.constant 0 : i32
    %dma_wait3A_49 = arith.constant 384 : i32
    %dma_wait3A_50 = tpu.memref_slice %arg5[%dma_wait3A_48, %dma_wait3A_49] : memref<1x1024xi32, #tpu.memory_space<vmem>> -> memref<1x128xi32, #tpu.memory_space<vmem>>
    %dma_wait3A_51 = tpu.memref_squeeze %dma_wait3A_50 : memref<1x128xi32, #tpu.memory_space<vmem>> -> memref<128xi32, #tpu.memory_space<vmem>>
    %dma_wait3A_52 = arith.constant 0 : i32
    %dma_wait3A_53 = arith.constant 0 : i32
    %dma_wait3A_54 = tpu.memref_slice %arg3[%dma_wait3A_52, %dma_wait3A_53] : memref<10008x256xf32, #tpu.memory_space<hbm>> -> memref<10008x256xf32, #tpu.memory_space<hbm>>
    tpu.wait_indirect_dma semaphore(%arg7 : memref<!tpu.dma_semaphore, #tpu.memory_space<semaphore_mem>>) src(%dma_wait3A_54 : memref<10008x256xf32, #tpu.memory_space<hbm>>) dst(%arg6 : memref<128x256xf32, #tpu.memory_space<vmem>>)
    "tpu.region"() ({
      %run_scoped3A = tpu.sem_alloc : memref<!tpu.dma_semaphore, #tpu.memory_space<semaphore_mem>>
      %dma_start3A_111 = arith.constant 384 : i32
      %dma_start3A_112 = arith.constant 0 : i32
      %dma_start3A_113 = tpu.memref_slice %arg4[%add3A, %dma_start3A_111, %dma_start3A_112] : memref<32x1024x256xf32, #tpu.memory_space<hbm>> -> memref<1x128x256xf32, #tpu.memory_space<hbm>>
      %dma_start3A_114 = tpu.memref_squeeze %dma_start3A_113 : memref<1x128x256xf32, #tpu.memory_space<hbm>> -> memref<128x256xf32, #tpu.memory_space<hbm>>
      %dma_start3A_115 = arith.constant 384 : i32
      %dma_start3A_116 = arith.constant 0 : i32
      %dma_start3A_117 = tpu.memref_slice %arg4[%add3A, %dma_start3A_115, %dma_start3A_116] : memref<32x1024x256xf32, #tpu.memory_space<hbm>> -> memref<1x128x256xf32, #tpu.memory_space<hbm>>
      %dma_start3A_118 = tpu.memref_squeeze %dma_start3A_117 : memref<1x128x256xf32, #tpu.memory_space<hbm>> -> memref<128x256xf32, #tpu.memory_space<hbm>>
      tpu.enqueue_dma source(%arg6 : memref<128x256xf32, #tpu.memory_space<vmem>>) target(%dma_start3A_118 : memref<128x256xf32, #tpu.memory_space<hbm>>) target_semaphore(%run_scoped3A : memref<!tpu.dma_semaphore, #tpu.memory_space<semaphore_mem>>)
      %dma_wait3A_119 = arith.constant 384 : i32
      %dma_wait3A_120 = arith.constant 0 : i32
      %dma_wait3A_121 = tpu.memref_slice %arg4[%add3A, %dma_wait3A_119, %dma_wait3A_120] : memref<32x1024x256xf32, #tpu.memory_space<hbm>> -> memref<1x128x256xf32, #tpu.memory_space<hbm>>
      %dma_wait3A_122 = tpu.memref_squeeze %dma_wait3A_121 : memref<1x128x256xf32, #tpu.memory_space<hbm>> -> memref<128x256xf32, #tpu.memory_space<hbm>>
      %dma_wait3A_123 = arith.constant 384 : i32
      %dma_wait3A_124 = arith.constant 0 : i32
      %dma_wait3A_125 = tpu.memref_slice %arg4[%add3A, %dma_wait3A_123, %dma_wait3A_124] : memref<32x1024x256xf32, #tpu.memory_space<hbm>> -> memref<1x128x256xf32, #tpu.memory_space<hbm>>
      %dma_wait3A_126 = tpu.memref_squeeze %dma_wait3A_125 : memref<1x128x256xf32, #tpu.memory_space<hbm>> -> memref<128x256xf32, #tpu.memory_space<hbm>>
      tpu.wait_dma2 semaphore(%run_scoped3A : memref<!tpu.dma_semaphore, #tpu.memory_space<semaphore_mem>>) src(%arg6 : memref<128x256xf32, #tpu.memory_space<vmem>>) dst(%dma_wait3A_126 : memref<128x256xf32, #tpu.memory_space<hbm>>)
      tpu.yield
    }) : () -> ()
    %dma_start3A_55 = arith.constant 0 : i32
    %dma_start3A_56 = arith.constant 512 : i32
    %dma_start3A_57 = tpu.memref_slice %arg5[%dma_start3A_55, %dma_start3A_56] : memref<1x1024xi32, #tpu.memory_space<vmem>> -> memref<1x128xi32, #tpu.memory_space<vmem>>
    %dma_start3A_58 = tpu.memref_squeeze %dma_start3A_57 : memref<1x128xi32, #tpu.memory_space<vmem>> -> memref<128xi32, #tpu.memory_space<vmem>>
    %dma_start3A_59 = arith.constant 0 : i32
    %dma_start3A_60 = arith.constant 0 : i32
    %dma_start3A_61 = tpu.memref_slice %arg3[%dma_start3A_59, %dma_start3A_60] : memref<10008x256xf32, #tpu.memory_space<hbm>> -> memref<10008x256xf32, #tpu.memory_space<hbm>>
    tpu.enqueue_indirect_dma source(%dma_start3A_61 : memref<10008x256xf32, #tpu.memory_space<hbm>>) target(%arg6 : memref<128x256xf32, #tpu.memory_space<vmem>>) offsets(%dma_start3A_58 : memref<128xi32, #tpu.memory_space<vmem>>) semaphore(%arg7 : memref<!tpu.dma_semaphore, #tpu.memory_space<semaphore_mem>>)
    %dma_wait3A_62 = arith.constant 0 : i32
    %dma_wait3A_63 = arith.constant 512 : i32
    %dma_wait3A_64 = tpu.memref_slice %arg5[%dma_wait3A_62, %dma_wait3A_63] : memref<1x1024xi32, #tpu.memory_space<vmem>> -> memref<1x128xi32, #tpu.memory_space<vmem>>
    %dma_wait3A_65 = tpu.memref_squeeze %dma_wait3A_64 : memref<1x128xi32, #tpu.memory_space<vmem>> -> memref<128xi32, #tpu.memory_space<vmem>>
    %dma_wait3A_66 = arith.constant 0 : i32
    %dma_wait3A_67 = arith.constant 0 : i32
    %dma_wait3A_68 = tpu.memref_slice %arg3[%dma_wait3A_66, %dma_wait3A_67] : memref<10008x256xf32, #tpu.memory_space<hbm>> -> memref<10008x256xf32, #tpu.memory_space<hbm>>
    tpu.wait_indirect_dma semaphore(%arg7 : memref<!tpu.dma_semaphore, #tpu.memory_space<semaphore_mem>>) src(%dma_wait3A_68 : memref<10008x256xf32, #tpu.memory_space<hbm>>) dst(%arg6 : memref<128x256xf32, #tpu.memory_space<vmem>>)
    "tpu.region"() ({
      %run_scoped3A = tpu.sem_alloc : memref<!tpu.dma_semaphore, #tpu.memory_space<semaphore_mem>>
      %dma_start3A_111 = arith.constant 512 : i32
      %dma_start3A_112 = arith.constant 0 : i32
      %dma_start3A_113 = tpu.memref_slice %arg4[%add3A, %dma_start3A_111, %dma_start3A_112] : memref<32x1024x256xf32, #tpu.memory_space<hbm>> -> memref<1x128x256xf32, #tpu.memory_space<hbm>>
      %dma_start3A_114 = tpu.memref_squeeze %dma_start3A_113 : memref<1x128x256xf32, #tpu.memory_space<hbm>> -> memref<128x256xf32, #tpu.memory_space<hbm>>
      %dma_start3A_115 = arith.constant 512 : i32
      %dma_start3A_116 = arith.constant 0 : i32
      %dma_start3A_117 = tpu.memref_slice %arg4[%add3A, %dma_start3A_115, %dma_start3A_116] : memref<32x1024x256xf32, #tpu.memory_space<hbm>> -> memref<1x128x256xf32, #tpu.memory_space<hbm>>
      %dma_start3A_118 = tpu.memref_squeeze %dma_start3A_117 : memref<1x128x256xf32, #tpu.memory_space<hbm>> -> memref<128x256xf32, #tpu.memory_space<hbm>>
      tpu.enqueue_dma source(%arg6 : memref<128x256xf32, #tpu.memory_space<vmem>>) target(%dma_start3A_118 : memref<128x256xf32, #tpu.memory_space<hbm>>) target_semaphore(%run_scoped3A : memref<!tpu.dma_semaphore, #tpu.memory_space<semaphore_mem>>)
      %dma_wait3A_119 = arith.constant 512 : i32
      %dma_wait3A_120 = arith.constant 0 : i32
      %dma_wait3A_121 = tpu.memref_slice %arg4[%add3A, %dma_wait3A_119, %dma_wait3A_120] : memref<32x1024x256xf32, #tpu.memory_space<hbm>> -> memref<1x128x256xf32, #tpu.memory_space<hbm>>
      %dma_wait3A_122 = tpu.memref_squeeze %dma_wait3A_121 : memref<1x128x256xf32, #tpu.memory_space<hbm>> -> memref<128x256xf32, #tpu.memory_space<hbm>>
      %dma_wait3A_123 = arith.constant 512 : i32
      %dma_wait3A_124 = arith.constant 0 : i32
      %dma_wait3A_125 = tpu.memref_slice %arg4[%add3A, %dma_wait3A_123, %dma_wait3A_124] : memref<32x1024x256xf32, #tpu.memory_space<hbm>> -> memref<1x128x256xf32, #tpu.memory_space<hbm>>
      %dma_wait3A_126 = tpu.memref_squeeze %dma_wait3A_125 : memref<1x128x256xf32, #tpu.memory_space<hbm>> -> memref<128x256xf32, #tpu.memory_space<hbm>>
      tpu.wait_dma2 semaphore(%run_scoped3A : memref<!tpu.dma_semaphore, #tpu.memory_space<semaphore_mem>>) src(%arg6 : memref<128x256xf32, #tpu.memory_space<vmem>>) dst(%dma_wait3A_126 : memref<128x256xf32, #tpu.memory_space<hbm>>)
      tpu.yield
    }) : () -> ()
    %dma_start3A_69 = arith.constant 0 : i32
    %dma_start3A_70 = arith.constant 640 : i32
    %dma_start3A_71 = tpu.memref_slice %arg5[%dma_start3A_69, %dma_start3A_70] : memref<1x1024xi32, #tpu.memory_space<vmem>> -> memref<1x128xi32, #tpu.memory_space<vmem>>
    %dma_start3A_72 = tpu.memref_squeeze %dma_start3A_71 : memref<1x128xi32, #tpu.memory_space<vmem>> -> memref<128xi32, #tpu.memory_space<vmem>>
    %dma_start3A_73 = arith.constant 0 : i32
    %dma_start3A_74 = arith.constant 0 : i32
    %dma_start3A_75 = tpu.memref_slice %arg3[%dma_start3A_73, %dma_start3A_74] : memref<10008x256xf32, #tpu.memory_space<hbm>> -> memref<10008x256xf32, #tpu.memory_space<hbm>>
    tpu.enqueue_indirect_dma source(%dma_start3A_75 : memref<10008x256xf32, #tpu.memory_space<hbm>>) target(%arg6 : memref<128x256xf32, #tpu.memory_space<vmem>>) offsets(%dma_start3A_72 : memref<128xi32, #tpu.memory_space<vmem>>) semaphore(%arg7 : memref<!tpu.dma_semaphore, #tpu.memory_space<semaphore_mem>>)
    %dma_wait3A_76 = arith.constant 0 : i32
    %dma_wait3A_77 = arith.constant 640 : i32
    %dma_wait3A_78 = tpu.memref_slice %arg5[%dma_wait3A_76, %dma_wait3A_77] : memref<1x1024xi32, #tpu.memory_space<vmem>> -> memref<1x128xi32, #tpu.memory_space<vmem>>
    %dma_wait3A_79 = tpu.memref_squeeze %dma_wait3A_78 : memref<1x128xi32, #tpu.memory_space<vmem>> -> memref<128xi32, #tpu.memory_space<vmem>>
    %dma_wait3A_80 = arith.constant 0 : i32
    %dma_wait3A_81 = arith.constant 0 : i32
    %dma_wait3A_82 = tpu.memref_slice %arg3[%dma_wait3A_80, %dma_wait3A_81] : memref<10008x256xf32, #tpu.memory_space<hbm>> -> memref<10008x256xf32, #tpu.memory_space<hbm>>
    tpu.wait_indirect_dma semaphore(%arg7 : memref<!tpu.dma_semaphore, #tpu.memory_space<semaphore_mem>>) src(%dma_wait3A_82 : memref<10008x256xf32, #tpu.memory_space<hbm>>) dst(%arg6 : memref<128x256xf32, #tpu.memory_space<vmem>>)
    "tpu.region"() ({
      %run_scoped3A = tpu.sem_alloc : memref<!tpu.dma_semaphore, #tpu.memory_space<semaphore_mem>>
      %dma_start3A_111 = arith.constant 640 : i32
      %dma_start3A_112 = arith.constant 0 : i32
      %dma_start3A_113 = tpu.memref_slice %arg4[%add3A, %dma_start3A_111, %dma_start3A_112] : memref<32x1024x256xf32, #tpu.memory_space<hbm>> -> memref<1x128x256xf32, #tpu.memory_space<hbm>>
      %dma_start3A_114 = tpu.memref_squeeze %dma_start3A_113 : memref<1x128x256xf32, #tpu.memory_space<hbm>> -> memref<128x256xf32, #tpu.memory_space<hbm>>
      %dma_start3A_115 = arith.constant 640 : i32
      %dma_start3A_116 = arith.constant 0 : i32
      %dma_start3A_117 = tpu.memref_slice %arg4[%add3A, %dma_start3A_115, %dma_start3A_116] : memref<32x1024x256xf32, #tpu.memory_space<hbm>> -> memref<1x128x256xf32, #tpu.memory_space<hbm>>
      %dma_start3A_118 = tpu.memref_squeeze %dma_start3A_117 : memref<1x128x256xf32, #tpu.memory_space<hbm>> -> memref<128x256xf32, #tpu.memory_space<hbm>>
      tpu.enqueue_dma source(%arg6 : memref<128x256xf32, #tpu.memory_space<vmem>>) target(%dma_start3A_118 : memref<128x256xf32, #tpu.memory_space<hbm>>) target_semaphore(%run_scoped3A : memref<!tpu.dma_semaphore, #tpu.memory_space<semaphore_mem>>)
      %dma_wait3A_119 = arith.constant 640 : i32
      %dma_wait3A_120 = arith.constant 0 : i32
      %dma_wait3A_121 = tpu.memref_slice %arg4[%add3A, %dma_wait3A_119, %dma_wait3A_120] : memref<32x1024x256xf32, #tpu.memory_space<hbm>> -> memref<1x128x256xf32, #tpu.memory_space<hbm>>
      %dma_wait3A_122 = tpu.memref_squeeze %dma_wait3A_121 : memref<1x128x256xf32, #tpu.memory_space<hbm>> -> memref<128x256xf32, #tpu.memory_space<hbm>>
      %dma_wait3A_123 = arith.constant 640 : i32
      %dma_wait3A_124 = arith.constant 0 : i32
      %dma_wait3A_125 = tpu.memref_slice %arg4[%add3A, %dma_wait3A_123, %dma_wait3A_124] : memref<32x1024x256xf32, #tpu.memory_space<hbm>> -> memref<1x128x256xf32, #tpu.memory_space<hbm>>
      %dma_wait3A_126 = tpu.memref_squeeze %dma_wait3A_125 : memref<1x128x256xf32, #tpu.memory_space<hbm>> -> memref<128x256xf32, #tpu.memory_space<hbm>>
      tpu.wait_dma2 semaphore(%run_scoped3A : memref<!tpu.dma_semaphore, #tpu.memory_space<semaphore_mem>>) src(%arg6 : memref<128x256xf32, #tpu.memory_space<vmem>>) dst(%dma_wait3A_126 : memref<128x256xf32, #tpu.memory_space<hbm>>)
      tpu.yield
    }) : () -> ()
    %dma_start3A_83 = arith.constant 0 : i32
    %dma_start3A_84 = arith.constant 768 : i32
    %dma_start3A_85 = tpu.memref_slice %arg5[%dma_start3A_83, %dma_start3A_84] : memref<1x1024xi32, #tpu.memory_space<vmem>> -> memref<1x128xi32, #tpu.memory_space<vmem>>
    %dma_start3A_86 = tpu.memref_squeeze %dma_start3A_85 : memref<1x128xi32, #tpu.memory_space<vmem>> -> memref<128xi32, #tpu.memory_space<vmem>>
    %dma_start3A_87 = arith.constant 0 : i32
    %dma_start3A_88 = arith.constant 0 : i32
    %dma_start3A_89 = tpu.memref_slice %arg3[%dma_start3A_87, %dma_start3A_88] : memref<10008x256xf32, #tpu.memory_space<hbm>> -> memref<10008x256xf32, #tpu.memory_space<hbm>>
    tpu.enqueue_indirect_dma source(%dma_start3A_89 : memref<10008x256xf32, #tpu.memory_space<hbm>>) target(%arg6 : memref<128x256xf32, #tpu.memory_space<vmem>>) offsets(%dma_start3A_86 : memref<128xi32, #tpu.memory_space<vmem>>) semaphore(%arg7 : memref<!tpu.dma_semaphore, #tpu.memory_space<semaphore_mem>>)
    %dma_wait3A_90 = arith.constant 0 : i32
    %dma_wait3A_91 = arith.constant 768 : i32
    %dma_wait3A_92 = tpu.memref_slice %arg5[%dma_wait3A_90, %dma_wait3A_91] : memref<1x1024xi32, #tpu.memory_space<vmem>> -> memref<1x128xi32, #tpu.memory_space<vmem>>
    %dma_wait3A_93 = tpu.memref_squeeze %dma_wait3A_92 : memref<1x128xi32, #tpu.memory_space<vmem>> -> memref<128xi32, #tpu.memory_space<vmem>>
    %dma_wait3A_94 = arith.constant 0 : i32
    %dma_wait3A_95 = arith.constant 0 : i32
    %dma_wait3A_96 = tpu.memref_slice %arg3[%dma_wait3A_94, %dma_wait3A_95] : memref<10008x256xf32, #tpu.memory_space<hbm>> -> memref<10008x256xf32, #tpu.memory_space<hbm>>
    tpu.wait_indirect_dma semaphore(%arg7 : memref<!tpu.dma_semaphore, #tpu.memory_space<semaphore_mem>>) src(%dma_wait3A_96 : memref<10008x256xf32, #tpu.memory_space<hbm>>) dst(%arg6 : memref<128x256xf32, #tpu.memory_space<vmem>>)
    "tpu.region"() ({
      %run_scoped3A = tpu.sem_alloc : memref<!tpu.dma_semaphore, #tpu.memory_space<semaphore_mem>>
      %dma_start3A_111 = arith.constant 768 : i32
      %dma_start3A_112 = arith.constant 0 : i32
      %dma_start3A_113 = tpu.memref_slice %arg4[%add3A, %dma_start3A_111, %dma_start3A_112] : memref<32x1024x256xf32, #tpu.memory_space<hbm>> -> memref<1x128x256xf32, #tpu.memory_space<hbm>>
      %dma_start3A_114 = tpu.memref_squeeze %dma_start3A_113 : memref<1x128x256xf32, #tpu.memory_space<hbm>> -> memref<128x256xf32, #tpu.memory_space<hbm>>
      %dma_start3A_115 = arith.constant 768 : i32
      %dma_start3A_116 = arith.constant 0 : i32
      %dma_start3A_117 = tpu.memref_slice %arg4[%add3A, %dma_start3A_115, %dma_start3A_116] : memref<32x1024x256xf32, #tpu.memory_space<hbm>> -> memref<1x128x256xf32, #tpu.memory_space<hbm>>
      %dma_start3A_118 = tpu.memref_squeeze %dma_start3A_117 : memref<1x128x256xf32, #tpu.memory_space<hbm>> -> memref<128x256xf32, #tpu.memory_space<hbm>>
      tpu.enqueue_dma source(%arg6 : memref<128x256xf32, #tpu.memory_space<vmem>>) target(%dma_start3A_118 : memref<128x256xf32, #tpu.memory_space<hbm>>) target_semaphore(%run_scoped3A : memref<!tpu.dma_semaphore, #tpu.memory_space<semaphore_mem>>)
      %dma_wait3A_119 = arith.constant 768 : i32
      %dma_wait3A_120 = arith.constant 0 : i32
      %dma_wait3A_121 = tpu.memref_slice %arg4[%add3A, %dma_wait3A_119, %dma_wait3A_120] : memref<32x1024x256xf32, #tpu.memory_space<hbm>> -> memref<1x128x256xf32, #tpu.memory_space<hbm>>
      %dma_wait3A_122 = tpu.memref_squeeze %dma_wait3A_121 : memref<1x128x256xf32, #tpu.memory_space<hbm>> -> memref<128x256xf32, #tpu.memory_space<hbm>>
      %dma_wait3A_123 = arith.constant 768 : i32
      %dma_wait3A_124 = arith.constant 0 : i32
      %dma_wait3A_125 = tpu.memref_slice %arg4[%add3A, %dma_wait3A_123, %dma_wait3A_124] : memref<32x1024x256xf32, #tpu.memory_space<hbm>> -> memref<1x128x256xf32, #tpu.memory_space<hbm>>
      %dma_wait3A_126 = tpu.memref_squeeze %dma_wait3A_125 : memref<1x128x256xf32, #tpu.memory_space<hbm>> -> memref<128x256xf32, #tpu.memory_space<hbm>>
      tpu.wait_dma2 semaphore(%run_scoped3A : memref<!tpu.dma_semaphore, #tpu.memory_space<semaphore_mem>>) src(%arg6 : memref<128x256xf32, #tpu.memory_space<vmem>>) dst(%dma_wait3A_126 : memref<128x256xf32, #tpu.memory_space<hbm>>)
      tpu.yield
    }) : () -> ()
    %dma_start3A_97 = arith.constant 0 : i32
    %dma_start3A_98 = arith.constant 896 : i32
    %dma_start3A_99 = tpu.memref_slice %arg5[%dma_start3A_97, %dma_start3A_98] : memref<1x1024xi32, #tpu.memory_space<vmem>> -> memref<1x128xi32, #tpu.memory_space<vmem>>
    %dma_start3A_100 = tpu.memref_squeeze %dma_start3A_99 : memref<1x128xi32, #tpu.memory_space<vmem>> -> memref<128xi32, #tpu.memory_space<vmem>>
    %dma_start3A_101 = arith.constant 0 : i32
    %dma_start3A_102 = arith.constant 0 : i32
    %dma_start3A_103 = tpu.memref_slice %arg3[%dma_start3A_101, %dma_start3A_102] : memref<10008x256xf32, #tpu.memory_space<hbm>> -> memref<10008x256xf32, #tpu.memory_space<hbm>>
    tpu.enqueue_indirect_dma source(%dma_start3A_103 : memref<10008x256xf32, #tpu.memory_space<hbm>>) target(%arg6 : memref<128x256xf32, #tpu.memory_space<vmem>>) offsets(%dma_start3A_100 : memref<128xi32, #tpu.memory_space<vmem>>) semaphore(%arg7 : memref<!tpu.dma_semaphore, #tpu.memory_space<semaphore_mem>>)
    %dma_wait3A_104 = arith.constant 0 : i32
    %dma_wait3A_105 = arith.constant 896 : i32
    %dma_wait3A_106 = tpu.memref_slice %arg5[%dma_wait3A_104, %dma_wait3A_105] : memref<1x1024xi32, #tpu.memory_space<vmem>> -> memref<1x128xi32, #tpu.memory_space<vmem>>
    %dma_wait3A_107 = tpu.memref_squeeze %dma_wait3A_106 : memref<1x128xi32, #tpu.memory_space<vmem>> -> memref<128xi32, #tpu.memory_space<vmem>>
    %dma_wait3A_108 = arith.constant 0 : i32
    %dma_wait3A_109 = arith.constant 0 : i32
    %dma_wait3A_110 = tpu.memref_slice %arg3[%dma_wait3A_108, %dma_wait3A_109] : memref<10008x256xf32, #tpu.memory_space<hbm>> -> memref<10008x256xf32, #tpu.memory_space<hbm>>
    tpu.wait_indirect_dma semaphore(%arg7 : memref<!tpu.dma_semaphore, #tpu.memory_space<semaphore_mem>>) src(%dma_wait3A_110 : memref<10008x256xf32, #tpu.memory_space<hbm>>) dst(%arg6 : memref<128x256xf32, #tpu.memory_space<vmem>>)
    "tpu.region"() ({
      %run_scoped3A = tpu.sem_alloc : memref<!tpu.dma_semaphore, #tpu.memory_space<semaphore_mem>>
      %dma_start3A_111 = arith.constant 896 : i32
      %dma_start3A_112 = arith.constant 0 : i32
      %dma_start3A_113 = tpu.memref_slice %arg4[%add3A, %dma_start3A_111, %dma_start3A_112] : memref<32x1024x256xf32, #tpu.memory_space<hbm>> -> memref<1x128x256xf32, #tpu.memory_space<hbm>>
      %dma_start3A_114 = tpu.memref_squeeze %dma_start3A_113 : memref<1x128x256xf32, #tpu.memory_space<hbm>> -> memref<128x256xf32, #tpu.memory_space<hbm>>
      %dma_start3A_115 = arith.constant 896 : i32
      %dma_start3A_116 = arith.constant 0 : i32
      %dma_start3A_117 = tpu.memref_slice %arg4[%add3A, %dma_start3A_115, %dma_start3A_116] : memref<32x1024x256xf32, #tpu.memory_space<hbm>> -> memref<1x128x256xf32, #tpu.memory_space<hbm>>
      %dma_start3A_118 = tpu.memref_squeeze %dma_start3A_117 : memref<1x128x256xf32, #tpu.memory_space<hbm>> -> memref<128x256xf32, #tpu.memory_space<hbm>>
      tpu.enqueue_dma source(%arg6 : memref<128x256xf32, #tpu.memory_space<vmem>>) target(%dma_start3A_118 : memref<128x256xf32, #tpu.memory_space<hbm>>) target_semaphore(%run_scoped3A : memref<!tpu.dma_semaphore, #tpu.memory_space<semaphore_mem>>)
      %dma_wait3A_119 = arith.constant 896 : i32
      %dma_wait3A_120 = arith.constant 0 : i32
      %dma_wait3A_121 = tpu.memref_slice %arg4[%add3A, %dma_wait3A_119, %dma_wait3A_120] : memref<32x1024x256xf32, #tpu.memory_space<hbm>> -> memref<1x128x256xf32, #tpu.memory_space<hbm>>
      %dma_wait3A_122 = tpu.memref_squeeze %dma_wait3A_121 : memref<1x128x256xf32, #tpu.memory_space<hbm>> -> memref<128x256xf32, #tpu.memory_space<hbm>>
      %dma_wait3A_123 = arith.constant 896 : i32
      %dma_wait3A_124 = arith.constant 0 : i32
      %dma_wait3A_125 = tpu.memref_slice %arg4[%add3A, %dma_wait3A_123, %dma_wait3A_124] : memref<32x1024x256xf32, #tpu.memory_space<hbm>> -> memref<1x128x256xf32, #tpu.memory_space<hbm>>
      %dma_wait3A_126 = tpu.memref_squeeze %dma_wait3A_125 : memref<1x128x256xf32, #tpu.memory_space<hbm>> -> memref<128x256xf32, #tpu.memory_space<hbm>>
      tpu.wait_dma2 semaphore(%run_scoped3A : memref<!tpu.dma_semaphore, #tpu.memory_space<semaphore_mem>>) src(%arg6 : memref<128x256xf32, #tpu.memory_space<vmem>>) dst(%dma_wait3A_126 : memref<128x256xf32, #tpu.memory_space<hbm>>)
      tpu.yield
    }) : () -> ()
    return
  }
}

module attributes {stable_mosaic.version = 14 : i64} {
  func.func @_prep_kernel(%arg0: i32, %arg1: memref<1000x2000xf32, #tpu.memory_space<vmem>>, %arg2: memref<1000x256xf32, #tpu.memory_space<vmem>>, %arg3: memref<256x256xf32, #tpu.memory_space<vmem>>, %arg4: memref<1000x2000xbf16, #tpu.memory_space<vmem>>, %arg5: memref<1000x256xf32, #tpu.memory_space<vmem>>) attributes {dimension_semantics = [#tpu.dimension_semantics<arbitrary>], iteration_bounds = array<i64: 10>, scalar_prefetch = 0 : i64, scratch_operands = 0 : i64, tpu.core_type = #tpu.core_type<tc>, window_params = [{transform_indices = @transform_0, window_bounds = array<i64: 1000, 2000>}, {transform_indices = @transform_1, window_bounds = array<i64: 1000, 256>}, {pipeline_mode = #tpu.pipeline_mode<synchronous>, transform_indices = @transform_2, window_bounds = array<i64: 256, 256>}, {transform_indices = @transform_3, window_bounds = array<i64: 1000, 2000>}, {transform_indices = @transform_4, window_bounds = array<i64: 1000, 256>}]} {
    %get3A = arith.constant 0 : index
    %get3A_0 = arith.constant 0 : index
    %get3A_1 = vector.load %arg1[%get3A, %get3A_0] : memref<1000x2000xf32, #tpu.memory_space<vmem>>, vector<1000x2000xf32>
    %convert_element_type3A = arith.truncf %get3A_1 : vector<1000x2000xf32> to vector<1000x2000xbf16>
    %swap3A = arith.constant 0 : index
    %swap3A_2 = arith.constant 0 : index
    %swap3A_3 = vector.load %arg4[%swap3A, %swap3A_2] : memref<1000x2000xbf16, #tpu.memory_space<vmem>>, vector<1000x2000xbf16>
    tpu.vector_store %arg4[%swap3A, %swap3A_2], %convert_element_type3A {strides = array<i32>} : memref<1000x2000xbf16, #tpu.memory_space<vmem>>, vector<1000x2000xbf16>,
    %get3A_4 = arith.constant 0 : index
    %get3A_5 = arith.constant 0 : index
    %get3A_6 = vector.load %arg2[%get3A_4, %get3A_5] : memref<1000x256xf32, #tpu.memory_space<vmem>>, vector<1000x256xf32>
    %get3A_7 = arith.constant 0 : index
    %get3A_8 = arith.constant 0 : index
    %get3A_9 = vector.load %arg3[%get3A_7, %get3A_8] : memref<256x256xf32, #tpu.memory_space<vmem>>, vector<256x256xf32>
    %dot_general3A = arith.constant dense<0.000000e+00> : vector<1000x256xf32>
    %dot_general3A_10 = tpu.matmul %get3A_6, %get3A_9, %dot_general3A {dimension_numbers = #tpu.dot_dimension_numbers<[1], [0], [0], [1], [0, 0, 1, 1], [], []>, transpose_lhs_hint = false} : vector<1000x256xf32>, vector<256x256xf32>, vector<1000x256xf32> -> vector<1000x256xf32>
    %swap3A_11 = arith.constant 0 : index
    %swap3A_12 = arith.constant 0 : index
    %swap3A_13 = vector.load %arg5[%swap3A_11, %swap3A_12] : memref<1000x256xf32, #tpu.memory_space<vmem>>, vector<1000x256xf32>
    tpu.vector_store %arg5[%swap3A_11, %swap3A_12], %dot_general3A_10 {strides = array<i32>} : memref<1000x256xf32, #tpu.memory_space<vmem>>, vector<1000x256xf32>,
    return
  }
  func.func @transform_0(%arg0: i32) -> (i32, i32) {
    %c0_i32 = arith.constant 0 : i32
    %c0_i32_0 = arith.constant 0 : i32
    return %arg0, %c0_i32 : i32, i32
  }
  func.func @transform_1(%arg0: i32) -> (i32, i32) {
    %c0_i32 = arith.constant 0 : i32
    %c0_i32_0 = arith.constant 0 : i32
    return %arg0, %c0_i32 : i32, i32
  }
  func.func @transform_2(%arg0: i32) -> (i32, i32) {
    %c0_i32 = arith.constant 0 : i32
    %c0_i32_0 = arith.constant 0 : i32
    %c0_i32_1 = arith.constant 0 : i32
    return %c0_i32, %c0_i32_0 : i32, i32
  }
  func.func @transform_3(%arg0: i32) -> (i32, i32) {
    %c0_i32 = arith.constant 0 : i32
    %c0_i32_0 = arith.constant 0 : i32
    return %arg0, %c0_i32 : i32, i32
  }
  func.func @transform_4(%arg0: i32) -> (i32, i32) {
    %c0_i32 = arith.constant 0 : i32
    %c0_i32_0 = arith.constant 0 : i32
    return %arg0, %c0_i32 : i32, i32
  }
}

module attributes {stable_mosaic.version = 14 : i64} {
  func.func @_seg_reduce_kernel(%arg0: i32, %arg1: memref<1024x256xf32, #tpu.memory_space<vmem>>, %arg2: memref<64x1024xbf16, #tpu.memory_space<vmem>>, %arg3: memref<64x256xf32, #tpu.memory_space<vmem>>) attributes {dimension_semantics = [#tpu.dimension_semantics<arbitrary>], iteration_bounds = array<i64: 32>, scalar_prefetch = 0 : i64, scratch_operands = 0 : i64, tpu.core_type = #tpu.core_type<tc>, window_params = [{transform_indices = @transform_0, window_bounds = array<i64: 1024, 256>}, {pipeline_mode = #tpu.pipeline_mode<synchronous>, transform_indices = @transform_1, window_bounds = array<i64: 64, 1024>}, {transform_indices = @transform_2, window_bounds = array<i64: 64, 256>}]} {
    %get3A = arith.constant 0 : index
    %get3A_0 = arith.constant 0 : index
    %get3A_1 = vector.load %arg2[%get3A, %get3A_0] : memref<64x1024xbf16, #tpu.memory_space<vmem>>, vector<64x1024xbf16>
    %get3A_2 = arith.constant 0 : index
    %get3A_3 = arith.constant 0 : index
    %get3A_4 = vector.load %arg1[%get3A_2, %get3A_3] : memref<1024x256xf32, #tpu.memory_space<vmem>>, vector<1024x256xf32>
    %convert_element_type3A = arith.truncf %get3A_4 : vector<1024x256xf32> to vector<1024x256xbf16>
    %dot_general3A = arith.constant dense<0.000000e+00> : vector<64x256xf32>
    %dot_general3A_5 = tpu.matmul %get3A_1, %convert_element_type3A, %dot_general3A {dimension_numbers = #tpu.dot_dimension_numbers<[1], [0], [0], [1], [0, 0, 1, 1], [], []>, transpose_lhs_hint = false} : vector<64x1024xbf16>, vector<1024x256xbf16>, vector<64x256xf32> -> vector<64x256xf32>
    %swap3A = arith.constant 0 : index
    %swap3A_6 = arith.constant 0 : index
    %swap3A_7 = vector.load %arg3[%swap3A, %swap3A_6] : memref<64x256xf32, #tpu.memory_space<vmem>>, vector<64x256xf32>
    tpu.vector_store %arg3[%swap3A, %swap3A_6], %dot_general3A_5 {strides = array<i32>} : memref<64x256xf32, #tpu.memory_space<vmem>>, vector<64x256xf32>,
    return
  }
  func.func @transform_0(%arg0: i32) -> (i32, i32) {
    %c0_i32 = arith.constant 0 : i32
    %c0_i32_0 = arith.constant 0 : i32
    return %arg0, %c0_i32 : i32, i32
  }
  func.func @transform_1(%arg0: i32) -> (i32, i32) {
    %c0_i32 = arith.constant 0 : i32
    %c0_i32_0 = arith.constant 0 : i32
    %c0_i32_1 = arith.constant 0 : i32
    return %c0_i32, %c0_i32_0 : i32, i32
  }
  func.func @transform_2(%arg0: i32) -> (i32, i32) {
    %c0_i32 = arith.constant 0 : i32
    %c0_i32_0 = arith.constant 0 : i32
    return %arg0, %c0_i32 : i32, i32
  }
}

module attributes {stable_mosaic.version = 14 : i64} {
  func.func @_edge_fin_kernel(%arg0: i32, %arg1: memref<2000x256xf32, #tpu.memory_space<vmem>>, %arg2: memref<256x256xf32, #tpu.memory_space<vmem>>, %arg3: memref<2000x256xf32, #tpu.memory_space<vmem>>, %arg4: memref<2000x256xbf16, #tpu.memory_space<vmem>>) attributes {dimension_semantics = [#tpu.dimension_semantics<arbitrary>], iteration_bounds = array<i64: 1>, scalar_prefetch = 0 : i64, scratch_operands = 0 : i64, tpu.core_type = #tpu.core_type<tc>, window_params = [{transform_indices = @transform_0, window_bounds = array<i64: 2000, 256>}, {pipeline_mode = #tpu.pipeline_mode<synchronous>, transform_indices = @transform_1, window_bounds = array<i64: 256, 256>}, {pipeline_mode = #tpu.pipeline_mode<synchronous>, transform_indices = @transform_2, window_bounds = array<i64: 2000, 256>}, {pipeline_mode = #tpu.pipeline_mode<synchronous>, transform_indices = @transform_3, window_bounds = array<i64: 2000, 256>}]} {
    %get3A = arith.constant 0 : index
    %get3A_0 = arith.constant 0 : index
    %get3A_1 = vector.load %arg1[%get3A, %get3A_0] : memref<2000x256xf32, #tpu.memory_space<vmem>>, vector<2000x256xf32>
    %max3A = arith.constant 0.000000e+00 : f32
    %max3A_2 = vector.broadcast %max3A : f32 to vector<2000x256xf32>
    %max3A_3 = arith.maximumf %get3A_1, %max3A_2 : vector<2000x256xf32>
    %swap3A = arith.constant 0 : index
    %swap3A_4 = arith.constant 0 : index
    %swap3A_5 = vector.load %arg3[%swap3A, %swap3A_4] : memref<2000x256xf32, #tpu.memory_space<vmem>>, vector<2000x256xf32>
    tpu.vector_store %arg3[%swap3A, %swap3A_4], %max3A_3 {strides = array<i32>} : memref<2000x256xf32, #tpu.memory_space<vmem>>, vector<2000x256xf32>,
    %get3A_6 = arith.constant 0 : index
    %get3A_7 = arith.constant 0 : index
    %get3A_8 = vector.load %arg2[%get3A_6, %get3A_7] : memref<256x256xf32, #tpu.memory_space<vmem>>, vector<256x256xf32>
    %dot_general3A = arith.constant dense<0.000000e+00> : vector<2000x256xf32>
    %dot_general3A_9 = tpu.matmul %max3A_3, %get3A_8, %dot_general3A {dimension_numbers = #tpu.dot_dimension_numbers<[1], [0], [0], [1], [0, 0, 1, 1], [], []>, transpose_lhs_hint = false} : vector<2000x256xf32>, vector<256x256xf32>, vector<2000x256xf32> -> vector<2000x256xf32>
    %convert_element_type3A = arith.truncf %dot_general3A_9 : vector<2000x256xf32> to vector<2000x256xbf16>
    %swap3A_10 = arith.constant 0 : index
    %swap3A_11 = arith.constant 0 : index
    %swap3A_12 = vector.load %arg4[%swap3A_10, %swap3A_11] : memref<2000x256xbf16, #tpu.memory_space<vmem>>, vector<2000x256xbf16>
    tpu.vector_store %arg4[%swap3A_10, %swap3A_11], %convert_element_type3A {strides = array<i32>} : memref<2000x256xbf16, #tpu.memory_space<vmem>>, vector<2000x256xbf16>,
    return
  }
  func.func @transform_0(%arg0: i32) -> (i32, i32) {
    %c0_i32 = arith.constant 0 : i32
    %c0_i32_0 = arith.constant 0 : i32
    %c0_i32_1 = arith.constant 0 : i32
    return %c0_i32, %c0_i32_0 : i32, i32
  }
  func.func @transform_1(%arg0: i32) -> (i32, i32) {
    %c0_i32 = arith.constant 0 : i32
    %c0_i32_0 = arith.constant 0 : i32
    %c0_i32_1 = arith.constant 0 : i32
    return %c0_i32, %c0_i32_0 : i32, i32
  }
  func.func @transform_2(%arg0: i32) -> (i32, i32) {
    %c0_i32 = arith.constant 0 : i32
    %c0_i32_0 = arith.constant 0 : i32
    %c0_i32_1 = arith.constant 0 : i32
    return %c0_i32, %c0_i32_0 : i32, i32
  }
  func.func @transform_3(%arg0: i32) -> (i32, i32) {
    %c0_i32 = arith.constant 0 : i32
    %c0_i32_0 = arith.constant 0 : i32
    %c0_i32_1 = arith.constant 0 : i32
    return %c0_i32, %c0_i32_0 : i32, i32
  }
}

module attributes {stable_mosaic.version = 14 : i64} {
  func.func @_node0_kernel(%arg0: i32, %arg1: memref<1000x2000xbf16, #tpu.memory_space<vmem>>, %arg2: memref<2000x256xbf16, #tpu.memory_space<vmem>>, %arg3: memref<256x256xf32, #tpu.memory_space<vmem>>, %arg4: memref<1000x256xf32, #tpu.memory_space<vmem>>) attributes {dimension_semantics = [#tpu.dimension_semantics<arbitrary>], iteration_bounds = array<i64: 10>, scalar_prefetch = 0 : i64, scratch_operands = 0 : i64, tpu.core_type = #tpu.core_type<tc>, window_params = [{transform_indices = @transform_0, window_bounds = array<i64: 1000, 2000>}, {pipeline_mode = #tpu.pipeline_mode<synchronous>, transform_indices = @transform_1, window_bounds = array<i64: 2000, 256>}, {pipeline_mode = #tpu.pipeline_mode<synchronous>, transform_indices = @transform_2, window_bounds = array<i64: 256, 256>}, {transform_indices = @transform_3, window_bounds = array<i64: 1000, 256>}]} {
    %get3A = arith.constant 0 : index
    %get3A_0 = arith.constant 0 : index
    %get3A_1 = vector.load %arg1[%get3A, %get3A_0] : memref<1000x2000xbf16, #tpu.memory_space<vmem>>, vector<1000x2000xbf16>
    %get3A_2 = arith.constant 0 : index
    %get3A_3 = arith.constant 0 : index
    %get3A_4 = vector.load %arg2[%get3A_2, %get3A_3] : memref<2000x256xbf16, #tpu.memory_space<vmem>>, vector<2000x256xbf16>
    %dot_general3A = arith.constant dense<0.000000e+00> : vector<1000x256xf32>
    %dot_general3A_5 = tpu.matmul %get3A_1, %get3A_4, %dot_general3A {dimension_numbers = #tpu.dot_dimension_numbers<[1], [0], [0], [1], [0, 0, 1, 1], [], []>, transpose_lhs_hint = false} : vector<1000x2000xbf16>, vector<2000x256xbf16>, vector<1000x256xf32> -> vector<1000x256xf32>
    %max3A = arith.constant 0.000000e+00 : f32
    %max3A_6 = vector.broadcast %max3A : f32 to vector<1000x256xf32>
    %max3A_7 = arith.maximumf %dot_general3A_5, %max3A_6 : vector<1000x256xf32>
    %get3A_8 = arith.constant 0 : index
    %get3A_9 = arith.constant 0 : index
    %get3A_10 = vector.load %arg3[%get3A_8, %get3A_9] : memref<256x256xf32, #tpu.memory_space<vmem>>, vector<256x256xf32>
    %dot_general3A_11 = arith.constant dense<0.000000e+00> : vector<1000x256xf32>
    %dot_general3A_12 = tpu.matmul %max3A_7, %get3A_10, %dot_general3A_11 {dimension_numbers = #tpu.dot_dimension_numbers<[1], [0], [0], [1], [0, 0, 1, 1], [], []>, transpose_lhs_hint = false} : vector<1000x256xf32>, vector<256x256xf32>, vector<1000x256xf32> -> vector<1000x256xf32>
    %swap3A = arith.constant 0 : index
    %swap3A_13 = arith.constant 0 : index
    %swap3A_14 = vector.load %arg4[%swap3A, %swap3A_13] : memref<1000x256xf32, #tpu.memory_space<vmem>>, vector<1000x256xf32>
    tpu.vector_store %arg4[%swap3A, %swap3A_13], %dot_general3A_12 {strides = array<i32>} : memref<1000x256xf32, #tpu.memory_space<vmem>>, vector<1000x256xf32>,
    return
  }
  func.func @transform_0(%arg0: i32) -> (i32, i32) {
    %c0_i32 = arith.constant 0 : i32
    %c0_i32_0 = arith.constant 0 : i32
    return %arg0, %c0_i32 : i32, i32
  }
  func.func @transform_1(%arg0: i32) -> (i32, i32) {
    %c0_i32 = arith.constant 0 : i32
    %c0_i32_0 = arith.constant 0 : i32
    %c0_i32_1 = arith.constant 0 : i32
    return %c0_i32, %c0_i32_0 : i32, i32
  }
  func.func @transform_2(%arg0: i32) -> (i32, i32) {
    %c0_i32 = arith.constant 0 : i32
    %c0_i32_0 = arith.constant 0 : i32
    %c0_i32_1 = arith.constant 0 : i32
    return %c0_i32, %c0_i32_0 : i32, i32
  }
  func.func @transform_3(%arg0: i32) -> (i32, i32) {
    %c0_i32 = arith.constant 0 : i32
    %c0_i32_0 = arith.constant 0 : i32
    return %arg0, %c0_i32 : i32, i32
  }
}

module attributes {stable_mosaic.version = 14 : i64} {
  func.func @_edge_fin_kernel(%arg0: i32, %arg1: memref<2000x256xf32, #tpu.memory_space<vmem>>, %arg2: memref<256x256xf32, #tpu.memory_space<vmem>>, %arg3: memref<2000x256xf32, #tpu.memory_space<vmem>>, %arg4: memref<2000x256xbf16, #tpu.memory_space<vmem>>) attributes {dimension_semantics = [#tpu.dimension_semantics<arbitrary>], iteration_bounds = array<i64: 1>, scalar_prefetch = 0 : i64, scratch_operands = 0 : i64, tpu.core_type = #tpu.core_type<tc>, window_params = [{transform_indices = @transform_0, window_bounds = array<i64: 2000, 256>}, {pipeline_mode = #tpu.pipeline_mode<synchronous>, transform_indices = @transform_1, window_bounds = array<i64: 256, 256>}, {pipeline_mode = #tpu.pipeline_mode<synchronous>, transform_indices = @transform_2, window_bounds = array<i64: 2000, 256>}, {pipeline_mode = #tpu.pipeline_mode<synchronous>, transform_indices = @transform_3, window_bounds = array<i64: 2000, 256>}]} {
    %get3A = arith.constant 0 : index
    %get3A_0 = arith.constant 0 : index
    %get3A_1 = vector.load %arg1[%get3A, %get3A_0] : memref<2000x256xf32, #tpu.memory_space<vmem>>, vector<2000x256xf32>
    %max3A = arith.constant 0.000000e+00 : f32
    %max3A_2 = vector.broadcast %max3A : f32 to vector<2000x256xf32>
    %max3A_3 = arith.maximumf %get3A_1, %max3A_2 : vector<2000x256xf32>
    %swap3A = arith.constant 0 : index
    %swap3A_4 = arith.constant 0 : index
    %swap3A_5 = vector.load %arg3[%swap3A, %swap3A_4] : memref<2000x256xf32, #tpu.memory_space<vmem>>, vector<2000x256xf32>
    tpu.vector_store %arg3[%swap3A, %swap3A_4], %max3A_3 {strides = array<i32>} : memref<2000x256xf32, #tpu.memory_space<vmem>>, vector<2000x256xf32>,
    %get3A_6 = arith.constant 0 : index
    %get3A_7 = arith.constant 0 : index
    %get3A_8 = vector.load %arg2[%get3A_6, %get3A_7] : memref<256x256xf32, #tpu.memory_space<vmem>>, vector<256x256xf32>
    %dot_general3A = arith.constant dense<0.000000e+00> : vector<2000x256xf32>
    %dot_general3A_9 = tpu.matmul %max3A_3, %get3A_8, %dot_general3A {dimension_numbers = #tpu.dot_dimension_numbers<[1], [0], [0], [1], [0, 0, 1, 1], [], []>, transpose_lhs_hint = false} : vector<2000x256xf32>, vector<256x256xf32>, vector<2000x256xf32> -> vector<2000x256xf32>
    %convert_element_type3A = arith.truncf %dot_general3A_9 : vector<2000x256xf32> to vector<2000x256xbf16>
    %swap3A_10 = arith.constant 0 : index
    %swap3A_11 = arith.constant 0 : index
    %swap3A_12 = vector.load %arg4[%swap3A_10, %swap3A_11] : memref<2000x256xbf16, #tpu.memory_space<vmem>>, vector<2000x256xbf16>
    tpu.vector_store %arg4[%swap3A_10, %swap3A_11], %convert_element_type3A {strides = array<i32>} : memref<2000x256xbf16, #tpu.memory_space<vmem>>, vector<2000x256xbf16>,
    return
  }
  func.func @transform_0(%arg0: i32) -> (i32, i32) {
    %c0_i32 = arith.constant 0 : i32
    %c0_i32_0 = arith.constant 0 : i32
    %c0_i32_1 = arith.constant 0 : i32
    return %c0_i32, %c0_i32_0 : i32, i32
  }
  func.func @transform_1(%arg0: i32) -> (i32, i32) {
    %c0_i32 = arith.constant 0 : i32
    %c0_i32_0 = arith.constant 0 : i32
    %c0_i32_1 = arith.constant 0 : i32
    return %c0_i32, %c0_i32_0 : i32, i32
  }
  func.func @transform_2(%arg0: i32) -> (i32, i32) {
    %c0_i32 = arith.constant 0 : i32
    %c0_i32_0 = arith.constant 0 : i32
    %c0_i32_1 = arith.constant 0 : i32
    return %c0_i32, %c0_i32_0 : i32, i32
  }
  func.func @transform_3(%arg0: i32) -> (i32, i32) {
    %c0_i32 = arith.constant 0 : i32
    %c0_i32_0 = arith.constant 0 : i32
    %c0_i32_1 = arith.constant 0 : i32
    return %c0_i32, %c0_i32_0 : i32, i32
  }
}

module attributes {stable_mosaic.version = 14 : i64} {
  func.func @_node1_kernel(%arg0: i32, %arg1: memref<1000x2000xbf16, #tpu.memory_space<vmem>>, %arg2: memref<2000x256xbf16, #tpu.memory_space<vmem>>, %arg3: memref<1000x256xf32, #tpu.memory_space<vmem>>) attributes {dimension_semantics = [#tpu.dimension_semantics<arbitrary>], iteration_bounds = array<i64: 10>, scalar_prefetch = 0 : i64, scratch_operands = 0 : i64, tpu.core_type = #tpu.core_type<tc>, window_params = [{transform_indices = @transform_0, window_bounds = array<i64: 1000, 2000>}, {pipeline_mode = #tpu.pipeline_mode<synchronous>, transform_indices = @transform_1, window_bounds = array<i64: 2000, 256>}, {transform_indices = @transform_2, window_bounds = array<i64: 1000, 256>}]} {
    %get3A = arith.constant 0 : index
    %get3A_0 = arith.constant 0 : index
    %get3A_1 = vector.load %arg1[%get3A, %get3A_0] : memref<1000x2000xbf16, #tpu.memory_space<vmem>>, vector<1000x2000xbf16>
    %get3A_2 = arith.constant 0 : index
    %get3A_3 = arith.constant 0 : index
    %get3A_4 = vector.load %arg2[%get3A_2, %get3A_3] : memref<2000x256xbf16, #tpu.memory_space<vmem>>, vector<2000x256xbf16>
    %dot_general3A = arith.constant dense<0.000000e+00> : vector<1000x256xf32>
    %dot_general3A_5 = tpu.matmul %get3A_1, %get3A_4, %dot_general3A {dimension_numbers = #tpu.dot_dimension_numbers<[1], [0], [0], [1], [0, 0, 1, 1], [], []>, transpose_lhs_hint = false} : vector<1000x2000xbf16>, vector<2000x256xbf16>, vector<1000x256xf32> -> vector<1000x256xf32>
    %max3A = arith.constant 0.000000e+00 : f32
    %max3A_6 = vector.broadcast %max3A : f32 to vector<1000x256xf32>
    %max3A_7 = arith.maximumf %dot_general3A_5, %max3A_6 : vector<1000x256xf32>
    %swap3A = arith.constant 0 : index
    %swap3A_8 = arith.constant 0 : index
    %swap3A_9 = vector.load %arg3[%swap3A, %swap3A_8] : memref<1000x256xf32, #tpu.memory_space<vmem>>, vector<1000x256xf32>
    tpu.vector_store %arg3[%swap3A, %swap3A_8], %max3A_7 {strides = array<i32>} : memref<1000x256xf32, #tpu.memory_space<vmem>>, vector<1000x256xf32>,
    return
  }
  func.func @transform_0(%arg0: i32) -> (i32, i32) {
    %c0_i32 = arith.constant 0 : i32
    %c0_i32_0 = arith.constant 0 : i32
    return %arg0, %c0_i32 : i32, i32
  }
  func.func @transform_1(%arg0: i32) -> (i32, i32) {
    %c0_i32 = arith.constant 0 : i32
    %c0_i32_0 = arith.constant 0 : i32
    %c0_i32_1 = arith.constant 0 : i32
    return %c0_i32, %c0_i32_0 : i32, i32
  }
  func.func @transform_2(%arg0: i32) -> (i32, i32) {
    %c0_i32 = arith.constant 0 : i32
    %c0_i32_0 = arith.constant 0 : i32
    return %arg0, %c0_i32 : i32, i32
  }
}

</mosaic_0001>

<sc_bundles>
// kernel: kernel.11.cloned.1.call-start
scs
__scs_entry_jumppad:
0x0: {  	(pc) =	sbr.rel $0x88, $3  }
0x1: {  	(tag) =	ssettag $0x0;
	lr =	simm.s32 $0x1  }
0x2: {  	[smem:$0x3F9B] =	sst lr;
	_ =	strace $0xD0000000  }
0x3: {  	_ = 	snop  }
0x4: {  	_ = 	snop  }
0x5: {  	_ = 	snop  }
0x6: {  	_ = 	snop  }
0x7: {  	_ = 	snop  }
__scs_overlays_trampoline_lowered:
0x8: {  	[smem:$0x3FAA] =	sst s0  }
0x9: {  	[smem:$0x3FAB] =	sst s1  }
0xa: {  	[smem:$0x3FAC] =	sst s2  }
0xb: {  	[smem:$0x3FAD] =	sst s3  }
0xc: {  	[smem:$0x3FAE] =	sst s4  }
0xd: {  	[smem:$0x3FAF] =	sst s5  }
0xe: {  	[smem:$0x3FB0] =	sst s6  }
0xf: {  	[smem:$0x3FB1] =	sst s7  }
0x10: {  	[smem:$0x3FB2] =	sst s8  }
0x11: {  	[smem:$0x3FB3] =	sst s9;
	s0 =	simm.s32 @!p0 $0x0  }
0x12: {  	s1 =	sld [smem:$0x3F99];
	s0 =	simm.s32 @p0 $0x1  }
0x13: {  	[smem:$0x3FB4] =	sst s0;
	s0 =	simm.s32 @!p1 $0x0  }
0x14: {  	s2 =	sld [smem:$0x3F98];
	s0 =	simm.s32 @p1 $0x1  }
0x15: {  	[smem:$0x3FB5] =	sst s0;
	s0 =	simm.s32 @!p2 $0x0  }
0x16: {  	s3 =	sld [smem:$0x3FDB];
	s0 =	simm.s32 @p2 $0x1  }
0x17: {  	s4 =	simm.s32 $0x1BF5;
	[smem:$0x3FB7] =	sst s0  }
0x18: {  	s0 =	sld [smem:$0x3F9A];
	_ =	swait.ge [sflag:s4], $0x0  }
0x19: {  	s7 =	sld [smem:$0x3F9B]  }
0x1a: {  	s8 =	sadd.s32 $0xFFFFE003, lr  }
0x1b: {  	s9 =	sadd.s32 $0xFFFFFEF7, lr;
	s5 =	simm.s32 $0xFFFFFFFF;
	p2 =	slt.u32 s8, $0xFFFFF086  }
0x1c: {  	p1 =	slt.u32 s9, $0xF7A;
	s5 =	simm.s32 @!p2 $0x0  }
0x1d: {  	s5 =	simm.s32 @p1 $0x1;
	p0 =	seq.s32 s7, s2  }
0x1e: {  	s7 =	smul.u32 @!p0 $0xF7A, s2;
	p2 =	seq.s32 @!p0 s5, $0x0  }
0x1f: {  	s9 =	smul.u32 $0xF7A, s1;
	s8 =	simm.s32 @!p0 $0x1BF5;
	p2 =	por !p2, p0  }
0x20: {  	[sflag:s8] =	ssyncset.s32 @!p0 $0xFFFFF086;
	s6 =	sadd.s32 @!p0 s3, s7;
	s7 =	simm.s32 @!p0 $0x108  }
0x21: {  	s3 =	sadd.s32 s3, s9;
	s6 =	sadd.s32 @!p0 $0x88, s6;
	s7 =	simm.s32 @p2 $0x1082  }
0x22: {  	[simem:s7], [sflag:s8] =	dma.local @!p0 [hbm:s6], $0xF7A  }
0x23: {  	s9 =	sor.u32 $0xD0000000, s2;
	s6 =	simm.s32 $0x108;
	_ =	swait.ge @!p0 [sflag:s8], $0x0  }
0x24: {  	s3 =	sadd.s32 $0x88, s3;
	s6 =	simm.s32 @!p1 $0x1082;
	[sflag:s4] =	ssyncset.s32 $0xFFFFF086  }
0x25: {  	[simem:s6], [sflag:s4] =	dma.local [hbm:s3], $0xF7A  }
0x26: {  	[smem:$0x3F9B] =	sst s1;
	(tag) =	ssettag s2;
	_ =	strace s9  }
0x27: {  	s1 =	sld [smem:$0x3FAB]  }
0x28: {  	s2 =	sld [smem:$0x3FAC]  }
0x29: {  	s4 =	sld [smem:$0x3FAE]  }
0x2a: {  	p0 =	seq.s32 s5, $0x0;
	s5 =	sld [smem:$0x3FAF]  }
0x2b: {  	s6 =	sld [smem:$0x3FB0]  }
0x2c: {  	s7 =	sld [smem:$0x3FB1]  }
0x2d: {  	s3 =	simm.s32 $0x108;
	s8 =	sld [smem:$0x3FB2]  }
0x2e: {  	s3 =	simm.s32 @!p0 $0x1082;
	s9 =	sld [smem:$0x3FB3]  }
0x2f: {  	lr =	sadd.s32 s0, s3;
	s0 =	sld [smem:$0x3FAA]  }
0x30: {  	s3 =	sld [smem:$0x3FAD]  }
0x31: {  	[smem:$0x3FB6] =	sst s10  }
0x32: {  	s10 =	sld [smem:$0x3FB4];
	_ =	sdelay $0x3  }
0x33: {  	p0 =	seq.s32 s10, $0x1;
	s10 =	sld [smem:$0x3FB6];
	_ =	sdelay $0x3  }
0x34: {  	[smem:$0x3FB6] =	sst s10  }
0x35: {  	s10 =	sld [smem:$0x3FB5];
	_ =	sdelay $0x3  }
0x36: {  	p1 =	seq.s32 s10, $0x1;
	s10 =	sld [smem:$0x3FB6];
	_ =	sdelay $0x3  }
0x37: {  	[smem:$0x3FB6] =	sst s10  }
0x38: {  	s10 =	sld [smem:$0x3FB7]  }
0x39: {  	_ = 	snop;
	(pc) =	sbr.ind lr, $3  }
0x3a: {  	_ = 	snop  }
0x3b: {  	_ = 	snop  }
0x3c: {  	p2 =	seq.s32 s10, $0x1;
	s10 =	sld [smem:$0x3FB6]  }
0x3d: {  	_ =	shalt  }
0x3e: {  	_ =	shalt  }
0x3f: {  	_ =	shalt  }
0x40: {  	_ =	shalt  }
0x41: {  	_ =	shalt  }
0x42: {  	_ =	shalt  }
0x43: {  	_ =	shalt  }
0x44: {  	_ =	shalt  }
0x45: {  	_ =	shalt  }
0x46: {  	_ =	shalt  }
0x47: {  	_ =	shalt  }
0x48: {  	_ =	shalt  }
0x49: {  	_ =	shalt  }
0x4a: {  	_ =	shalt  }
0x4b: {  	_ =	shalt  }
0x4c: {  	_ =	shalt  }
0x4d: {  	_ =	shalt  }
0x4e: {  	_ =	shalt  }
0x4f: {  	_ =	shalt  }
0x50: {  	_ =	shalt  }
0x51: {  	_ =	shalt  }
0x52: {  	_ =	shalt  }
0x53: {  	_ =	shalt  }
0x54: {  	_ =	shalt  }
0x55: {  	_ =	shalt  }
0x56: {  	_ =	shalt  }
0x57: {  	_ =	shalt  }
0x58: {  	_ =	shalt  }
0x59: {  	_ =	shalt  }
0x5a: {  	_ =	shalt  }
0x5b: {  	_ =	shalt  }
0x5c: {  	_ =	shalt  }
0x5d: {  	_ =	shalt  }
0x5e: {  	_ =	shalt  }
0x5f: {  	_ =	shalt  }
0x60: {  	_ =	shalt  }
0x61: {  	_ =	shalt  }
0x62: {  	_ =	shalt  }
0x63: {  	_ =	shalt  }
0x64: {  	_ =	shalt  }
0x65: {  	_ =	shalt  }
0x66: {  	_ =	shalt  }
0x67: {  	_ =	shalt  }
0x68: {  	_ =	shalt  }
0x69: {  	_ =	shalt  }
0x6a: {  	_ =	shalt  }
0x6b: {  	_ =	shalt  }
0x6c: {  	_ =	shalt  }
0x6d: {  	_ =	shalt  }
0x6e: {  	_ =	shalt  }
0x6f: {  	_ =	shalt  }
0x70: {  	_ =	shalt  }
0x71: {  	_ =	shalt  }
0x72: {  	_ =	shalt  }
0x73: {  	_ =	shalt  }
0x74: {  	_ =	shalt  }
0x75: {  	_ =	shalt  }
0x76: {  	_ =	shalt  }
0x77: {  	_ =	shalt  }
0x78: {  	_ =	shalt  }
0x79: {  	_ =	shalt  }
0x7a: {  	_ =	shalt  }
0x7b: {  	_ =	shalt  }
0x7c: {  	_ =	shalt  }
0x7d: {  	_ =	shalt  }
0x7e: {  	_ =	shalt  }
0x7f: {  	_ =	shalt  }
0x80: {  	_ =	shalt  }
0x81: {  	_ =	shalt  }
0x82: {  	_ =	shalt  }
0x83: {  	_ =	shalt  }
0x84: {  	_ =	shalt  }
0x85: {  	_ =	shalt  }
0x86: {  	_ =	shalt  }
0x87: {  	_ =	shalt  }
.Lfunc_end0:
.L_simem_size_0:
called_computation_lowered:
.L_overlay_start_0:
0x88: {  	s2 =	sld [smem:$0x3FD9]  }
0x89: {  	s3 =	sld [smem:$0x3FFE];
	_ =	sdelay $0x1  }
0x8a: {  	s1 =	srdreg.scid  }
0x8b: {  	s0 =	sand.u32 $0x1, s1  }
0x8c: {  	s14 =	sshll.u32 s0, $0xA;
	s2 =	sadd.s32 s3, s2  }
0x8d: {  	s2 =	sadd.s32 s2, s14  }
0x8e: {  	[smem:$0x3FC2] =	sst s2  }
0x8f: {  	_ = 	snop  }
0x90: {  	s2 =	sld [smem:$0x3FD0];
	_ =	sdelay $0x2  }
0x91: {  	s15 =	simm.s32 $0xA;
	s4 =	simm.s32 $0x10  }
0x92: {  	[smem:s4], [sflag:s15] =	dma.local [hbm:s2], $0x1  }
0x93: {  	_ =	swait.eq [sflag:s15], $0x1  }
0x94: {  	[sflag:s15] =	ssyncset.done $0x0  }
0x95: {  	[sflag:s15] =	ssyncadd.s32 $0xFFFFFFFF  }
0x96: {  	s16 =	sld [smem:$0x10];
	(tm) =	ssettm $0x1  }
0x97: {  	s17 =	sld [smem:$0x3FFB];
	_ =	sdelay $0x3  }
0x98: {  	_ =	strace s17  }
0x99: {  	s3 =	sld [smem:$0x3FFC];
	_ =	sdelay $0x3  }
0x9a: {  	_ =	strace s3  }
0x9b: {  	s3 =	sld [smem:$0x3FFD];
	_ =	sdelay $0x3  }
0x9c: {  	_ =	strace s3  }
0x9d: {  	_ =	strace $0x8FFFFFFF  }
0x9e: {  	s18 =	sld [smem:$0x3FDB];
	_ =	sdelay $0x1  }
0x9f: {  	s19 =	simm.s32 $_scs_section_size  }
0xa0: {  	s5 =	simm.s32 $_size__tile_overlayer_lowered;
	s6 =	simm.s32 $_tile_overlayer_lowered  }
0xa1: {  	s22 =	simm.s32 $0x1BFF;
	s21 =	sshll.u32 s6, $0x1;
	s3 =	sadd.s32 s19, s18  }
0xa2: {  	s7 =	simm.s32 $0x0;
	s20 =	sshll.u32 s5, $0x1;
	s5 =	sadd.s32 s21, s3  }
0xa3: {  	[timem:s7], [sflag:s22] =	dma.local [hbm:s5], s20  }
0xa4: {  	_ =	swait.ge [sflag:s22], s20  }
0xa5: {  	s4 =	ssub.s32 $0x0, s20;
	[sflag:s22] =	ssyncset.done $0x0  }
0xa6: {  	[sflag:s22] =	ssyncadd.s32 s4;
	_ =	sdelay $0x1  }
0xa7: {  	s23 =	simm.s32 $0x1B8B  }
0xa8: {  	_ =	swait.ge [sflag:s23], $0x1  }
0xa9: {  	[sflag:s23] =	ssyncset.done $0x0  }
0xaa: {  	s25 =	simm.s32 $0x1B8E;
	s24 =	sld [smem:$0x3FFE];
	[sflag:s23] =	ssyncadd.s32 $0xFFFFFFFF  }
0xab: {  	s26 =	simm.s32 $execute0_lowered;
	[smem:$0x3FD2] =	sst s25  }
0xac: {  	s5 =	sshll.u32 s26, $0x1;
	_ =	strace $0x80000046;
	[dreg:$0x1] =	wrdreg $0xFFFFFFFF  }
0xad: {  	s28 =	simm.s32 $_size_execute0_lowered;
	s3 =	sadd.s32 s3, s5;
	[dreg:$0x0] =	wrdreg $0x0  }
0xae: {  	s5 =	sshll.u32 s28, $0x1;
	[dreg:$0x2] =	wrdreg s3  }
0xaf: {  	[dreg:$0x3] =	wrdreg s5  }
0xb0: {  	[dreg:$0x4] =	wrdreg $0xC0  }
0xb1: {  	_ =	task [dreg:s7], $0x5FFFF  }
0xb2: {  	[dreg:$0x1] =	wrdreg $0xFFFFFFFF  }
0xb3: {  	[dreg:$0x0] =	wrdreg $0x60  }
0xb4: {  	[dreg:$0x2] =	wrdreg s16  }
0xb5: {  	[dreg:$0x3] =	wrdreg s24  }
0xb6: {  	[dreg:$0x4] =	wrdreg $0x9  }
0xb7: {  	_ =	task.clear_ibuf [dreg:s7], $0x5FFFF;
	_ =	strace $0x90000046  }
0xb8: {  	s29 =	simm.s32 $0x9;
	_ =	strace $0x80000048  }
0xb9: {  	_ =	swait.ge [sflag:s29], $0x1  }
0xba: {  	[sflag:s29] =	ssyncadd.s32 $0xFFFFFFFF  }
0xbb: {  	_ =	strace $0x90000048  }
0xbc: {  	_ =	sfence  }
0xbd: {  	s30 =	sld [smem:$0x0];
	_ =	sdelay $0x2  }
0xbe: {  	s31 =	sshll.u32 s1, $0xD;
	s1 =	sshrl.u32 s1, $0x2  }
0xbf: {  	s3 =	sand.u32 $0x4000, s31;
	s1 =	sadd.s32 s1, s30  }
0xc0: {  	s0 =	sor.u32 s3, s0;
	s1 =	sshll.u32 s1, $0x11  }
0xc1: {  	s0 =	sor.u32 s1, s0  }
0xc2: {  	s0 =	sadd.s32 $0x8F2B, s0  }
0xc3: {  	[sflag:s0] =	ssyncadd.remote.s32 $0x1  }
0xc4: {  	_ =	sfence.sel $0xFFFF  }
0xc5: {  	[dreg:$0x0] =	wrdreg $0xFFFFFFFF;
	(pc) =	sbr.abs _section_cstart, $3  }
0xc6: {  	[dreg:$0x1] =	wrdreg $0xFFFFFFFF  }
0xc7: {  	_ =	task.clear_ibuf [dreg:s7], $0x2FFFF;
	_ =	strace $0x9FFFFFFF  }
0xc8: {  	(tm) =	ssettm $0x7FFFFFFF  }
0xc9: {  	_ =	shalt  }
tec
execute0_lowered:
.L_overlay_start_1:
0x0: {  	(tag) =	ssettag $0x1  }
0x1: {  	s4 =	rddreg [dreg:$0x0]  }
0x2: {  	s5 =	rddreg [dreg:$0x1];
	s2 =	simm.s32 $0x0;
	s3 =	srdreg.scid  }
0x3: {  	s1 =	stileid.u32;
	s13 =	simm.s32 $0x2;
	s14 =	simm.s32 $0x400  }
0x4: {  	s15 =	simm.s32 $0xC00;
	s16 =	simm.s32 $0x1400;
	s17 =	simm.s32 $0x1C00  }
0x5: {  	s18 =	simm.s32 $0x2400;
	s19 =	simm.s32 $0x2C00;
	s20 =	simm.s32 $0x3400  }
0x6: {  	s21 =	simm.s32 $0x3C00;
	s22 =	simm.s32 $0x4400;
	s23 =	simm.s32 $0x4C00  }
0x7: {  	s24 =	simm.s32 $0x5400;
	s25 =	simm.s32 $0x5C00;
	s28 =	simm.s32 $0x6C00  }
0x8: {  	s29 =	simm.s32 $0x7400;
	s30 =	simm.s32 $0x7C00;
	s31 =	simm.s32 $0x1  }
0x9: {  	[smem:$0x7FF] =	sst s2;
	s6 =	sand.u32 $0x1, s3;
	s26 =	sshll.u32 s1, $0x1  }
0xa: {  	s3 =	sadd.s32 $0xA00, s5;
	_ =	strace $0x80000047;
	s7 =	sor.u32 s6, s26  }
0xb: {  	s6 =	ssub.s32 $0x2, s6;
	s26 =	simm.s32 $0x6400;
	s8 =	sshll.u32 s7, $0x7  }
0xc: {  	s7 =	sshll.u32 s7, $0xF;
	s9 =	sshrl.u32 s6, $0x1;
	s4 =	sadd.s32 s4, s8  }
0xd: {  	s11 =	sadd.s32 s7, s5;
	s12 =	ssub.s32 s6, s9;
	[dreg:$0x3] =	wrdreg s4  }
0xe: {  	v2 =	vlaneseq.u32;
	s4 =	sadd.s32 $0x4EE00, s11;
	s5 =	sadd.s32 $0x4FE00, s11;
	s6 =	sadd.s32 $0x50E00, s11  }
0xf: {  	vm0 =	vmmov $0xffff;
	v1 =	vshrl.u32 v2, $0x3;
	s7 =	sadd.s32 $0x51E00, s11;
	s8 =	sadd.s32 $0x52E00, s11;
	s9 =	sadd.s32 $0x53E00, s11  }
0x10: {  	v0 =	vand.u32 $0x7, v2;
	v2 =	vor.u32 $0x8, v2;
	v1 =	vmul.u32 $0x8, v1;
	s10 =	sadd.s32 $0x54E00, s11;
	s11 =	sadd.s32 $0x55E00, s11;
	s12 =	smax.u32 s12, $0x1  }
.LBB2_1:
0x11: {  	s0 =	rddreg [dreg:$0x3]  }
0x12: {  	[tilespmem:s2], [sflag:$0x2] =	stream.linear.gather [hbm4b:s0+s2], $0x400, $0x38;
	[tilespmem:$0x8400] =	vst v63  }
0x13: {  	_ =	swait.ge [sflag:s13], $0x400  }
0x14: {  	[sflag:s13] =	ssyncset.done $0x0  }
0x15: {  	[sflag:s13] =	ssyncadd.s32 $0xFFFFFC00  }
0x16: {  	v3 =	vld [tilespmem:$0x0];
	_ =	sdelay $0x4  }
0x17: {  	v4 =	vshll.u32 v3, $0x1  }
0x18: {  	v3 =	vand.u32 $0x7, v3;
	v4 =	vand.u32 $0xFFFFFFF0, v4  }
0x19: {  	v3 =	vor.u32 v3, v4  }
0x1a: {  	v4 =	vperm.xlane v3, v0;
	_ =	sdelay $0x1  }
0x1b: {  	v3 =	vperm.xlane v3, v2;
	v4 =	vadd.s32 v1, v4;
	_ =	sdelay $0x1  }
0x1c: {  	v3 =	vadd.s32 v1, v3;
	_ =	sdelay $0x2  }
0x1d: {  	[tilespmem:s14], [sflag:$0x1] =	stream.indirect_vreg.gather [hbm4b:s3+s2], $0x80, v4, vm0, $0xb8;
	[tilespmem:$0x8400] =	vst v63  }
0x1e: {  	_ = 	snop  }
0x1f: {  	[tilespmem:s15], [sflag:$0x1] =	stream.indirect_vreg.gather [hbm4b:s3+s2], $0x80, v3, vm0, $0xb8;
	[tilespmem:$0x8400] =	vst v63  }
0x20: {  	v3 =	vld [tilespmem:$0x10];
	_ =	sdelay $0x4  }
0x21: {  	v57 =	vshll.u32 v3, $0x1  }
0x22: {  	v3 =	vand.u32 $0x7, v3;
	v4 =	vand.u32 $0xFFFFFFF0, v57  }
0x23: {  	v3 =	vor.u32 v3, v4  }
0x24: {  	v4 =	vperm.xlane v3, v0;
	_ =	sdelay $0x1  }
0x25: {  	v3 =	vperm.xlane v3, v2;
	v4 =	vadd.s32 v1, v4;
	_ =	sdelay $0x1  }
0x26: {  	v3 =	vadd.s32 v1, v3;
	_ =	sdelay $0x2  }
0x27: {  	[tilespmem:s16], [sflag:$0x1] =	stream.indirect_vreg.gather [hbm4b:s3+s2], $0x80, v4, vm0, $0xb8;
	[tilespmem:$0x8400] =	vst v63  }
0x28: {  	_ = 	snop  }
0x29: {  	[tilespmem:s17], [sflag:$0x1] =	stream.indirect_vreg.gather [hbm4b:s3+s2], $0x80, v3, vm0, $0xb8;
	[tilespmem:$0x8400] =	vst v63  }
0x2a: {  	v3 =	vld [tilespmem:$0x20];
	_ =	sdelay $0x4  }
0x2b: {  	v58 =	vshll.u32 v3, $0x1  }
0x2c: {  	v3 =	vand.u32 $0x7, v3;
	v4 =	vand.u32 $0xFFFFFFF0, v58  }
0x2d: {  	v3 =	vor.u32 v3, v4  }
0x2e: {  	v4 =	vperm.xlane v3, v0;
	_ =	sdelay $0x1  }
0x2f: {  	v3 =	vperm.xlane v3, v2;
	v4 =	vadd.s32 v1, v4;
	_ =	sdelay $0x1  }
0x30: {  	v3 =	vadd.s32 v1, v3;
	_ =	sdelay $0x2  }
0x31: {  	[tilespmem:s18], [sflag:$0x1] =	stream.indirect_vreg.gather [hbm4b:s3+s2], $0x80, v4, vm0, $0xb8;
	[tilespmem:$0x8400] =	vst v63  }
0x32: {  	_ = 	snop  }
0x33: {  	[tilespmem:s19], [sflag:$0x1] =	stream.indirect_vreg.gather [hbm4b:s3+s2], $0x80, v3, vm0, $0xb8;
	[tilespmem:$0x8400] =	vst v63  }
0x34: {  	v3 =	vld [tilespmem:$0x30];
	_ =	sdelay $0x4  }
0x35: {  	v59 =	vshll.u32 v3, $0x1  }
0x36: {  	v3 =	vand.u32 $0x7, v3;
	v4 =	vand.u32 $0xFFFFFFF0, v59  }
0x37: {  	v3 =	vor.u32 v3, v4  }
0x38: {  	v4 =	vperm.xlane v3, v0;
	_ =	sdelay $0x1  }
0x39: {  	v3 =	vperm.xlane v3, v2;
	v4 =	vadd.s32 v1, v4;
	_ =	sdelay $0x1  }
0x3a: {  	v3 =	vadd.s32 v1, v3;
	_ =	sdelay $0x2  }
0x3b: {  	[tilespmem:s20], [sflag:$0x1] =	stream.indirect_vreg.gather [hbm4b:s3+s2], $0x80, v4, vm0, $0xb8;
	[tilespmem:$0x8400] =	vst v63  }
0x3c: {  	_ = 	snop  }
0x3d: {  	[tilespmem:s21], [sflag:$0x1] =	stream.indirect_vreg.gather [hbm4b:s3+s2], $0x80, v3, vm0, $0xb8;
	[tilespmem:$0x8400] =	vst v63  }
0x3e: {  	v3 =	vld [tilespmem:$0x40];
	_ =	sdelay $0x4  }
0x3f: {  	v60 =	vshll.u32 v3, $0x1  }
0x40: {  	v3 =	vand.u32 $0x7, v3;
	v4 =	vand.u32 $0xFFFFFFF0, v60  }
0x41: {  	v3 =	vor.u32 v3, v4  }
0x42: {  	v4 =	vperm.xlane v3, v0;
	_ =	sdelay $0x1  }
0x43: {  	v3 =	vperm.xlane v3, v2;
	v4 =	vadd.s32 v1, v4;
	_ =	sdelay $0x1  }
0x44: {  	v3 =	vadd.s32 v1, v3;
	_ =	sdelay $0x2  }
0x45: {  	[tilespmem:s22], [sflag:$0x1] =	stream.indirect_vreg.gather [hbm4b:s3+s2], $0x80, v4, vm0, $0xb8;
	[tilespmem:$0x8400] =	vst v63  }
0x46: {  	_ = 	snop  }
0x47: {  	[tilespmem:s23], [sflag:$0x1] =	stream.indirect_vreg.gather [hbm4b:s3+s2], $0x80, v3, vm0, $0xb8;
	[tilespmem:$0x8400] =	vst v63  }
0x48: {  	v3 =	vld [tilespmem:$0x50];
	_ =	sdelay $0x4  }
0x49: {  	v61 =	vshll.u32 v3, $0x1  }
0x4a: {  	v3 =	vand.u32 $0x7, v3;
	v4 =	vand.u32 $0xFFFFFFF0, v61  }
0x4b: {  	v3 =	vor.u32 v3, v4  }
0x4c: {  	v4 =	vperm.xlane v3, v0;
	_ =	sdelay $0x1  }
0x4d: {  	v3 =	vperm.xlane v3, v2;
	v4 =	vadd.s32 v1, v4;
	_ =	sdelay $0x1  }
0x4e: {  	v3 =	vadd.s32 v1, v3;
	_ =	sdelay $0x2  }
0x4f: {  	[tilespmem:s24], [sflag:$0x1] =	stream.indirect_vreg.gather [hbm4b:s3+s2], $0x80, v4, vm0, $0xb8;
	[tilespmem:$0x8400] =	vst v63  }
0x50: {  	_ = 	snop  }
0x51: {  	[tilespmem:s25], [sflag:$0x1] =	stream.indirect_vreg.gather [hbm4b:s3+s2], $0x80, v3, vm0, $0xb8;
	[tilespmem:$0x8400] =	vst v63  }
0x52: {  	v3 =	vld [tilespmem:$0x60];
	_ =	sdelay $0x4  }
0x53: {  	v62 =	vshll.u32 v3, $0x1  }
0x54: {  	v3 =	vand.u32 $0x7, v3;
	v4 =	vand.u32 $0xFFFFFFF0, v62  }
0x55: {  	v3 =	vor.u32 v3, v4  }
0x56: {  	v4 =	vperm.xlane v3, v0;
	_ =	sdelay $0x1  }
0x57: {  	v3 =	vperm.xlane v3, v2;
	v4 =	vadd.s32 v1, v4;
	_ =	sdelay $0x1  }
0x58: {  	v3 =	vadd.s32 v1, v3;
	_ =	sdelay $0x2  }
0x59: {  	[tilespmem:s26], [sflag:$0x1] =	stream.indirect_vreg.gather [hbm4b:s3+s2], $0x80, v4, vm0, $0xb8;
	[tilespmem:$0x8400] =	vst v63  }
0x5a: {  	_ = 	snop  }
0x5b: {  	[tilespmem:s28], [sflag:$0x1] =	stream.indirect_vreg.gather [hbm4b:s3+s2], $0x80, v3, vm0, $0xb8;
	[tilespmem:$0x8400] =	vst v63  }
0x5c: {  	v3 =	vld [tilespmem:$0x70];
	_ =	sdelay $0x4  }
0x5d: {  	v63 =	vshll.u32 v3, $0x1  }
0x5e: {  	v3 =	vand.u32 $0x7, v3;
	v4 =	vand.u32 $0xFFFFFFF0, v63  }
0x5f: {  	v3 =	vor.u32 v3, v4  }
0x60: {  	v4 =	vperm.xlane v3, v0;
	_ =	sdelay $0x1  }
0x61: {  	v3 =	vperm.xlane v3, v2;
	v4 =	vadd.s32 v1, v4;
	_ =	sdelay $0x1  }
0x62: {  	v3 =	vadd.s32 v1, v3;
	_ =	sdelay $0x2  }
0x63: {  	[tilespmem:s29], [sflag:$0x1] =	stream.indirect_vreg.gather [hbm4b:s3+s2], $0x80, v4, vm0, $0xb8;
	[tilespmem:$0x8400] =	vst v63  }
0x64: {  	_ = 	snop  }
0x65: {  	[tilespmem:s30], [sflag:$0x1] =	stream.indirect_vreg.gather [hbm4b:s3+s2], $0x80, v3, vm0, $0xb8;
	[tilespmem:$0x8400] =	vst v63  }
0x66: {  	_ =	swait.ge [sflag:s31], $0x8000  }
0x67: {  	[sflag:s31] =	ssyncset.done $0x0  }
0x68: {  	[sflag:s31] =	ssyncadd.s32 $0xFFFF8000  }
0x69: {  	[hbm4b:s4+s2] =	stream.linear.scatter [tilespmem:s14], [sflag:$0x2], $0x8000, $0x38;
	[tilespmem:$0x8400] =	vst v63  }
0x6a: {  	_ =	swait.ge [sflag:s13], $0x8000  }
0x6b: {  	[sflag:s13] =	ssyncset.done $0x0  }
0x6c: {  	[sflag:s13] =	ssyncadd.s32 $0xFFFF8000  }
0x6d: {  	v3 =	vld [tilespmem:$0x80];
	_ =	sdelay $0x4  }
0x6e: {  	v8 =	vshll.u32 v3, $0x1  }
0x6f: {  	v3 =	vand.u32 $0x7, v3;
	v4 =	vand.u32 $0xFFFFFFF0, v8  }
0x70: {  	v3 =	vor.u32 v3, v4  }
0x71: {  	v4 =	vperm.xlane v3, v0;
	_ =	sdelay $0x1  }
0x72: {  	v3 =	vperm.xlane v3, v2;
	v4 =	vadd.s32 v1, v4;
	_ =	sdelay $0x1  }
0x73: {  	v3 =	vadd.s32 v1, v3;
	_ =	sdelay $0x2  }
0x74: {  	[tilespmem:s14], [sflag:$0x1] =	stream.indirect_vreg.gather [hbm4b:s3+s2], $0x80, v4, vm0, $0xb8;
	[tilespmem:$0x8400] =	vst v63  }
0x75: {  	_ = 	snop  }
0x76: {  	[tilespmem:s15], [sflag:$0x1] =	stream.indirect_vreg.gather [hbm4b:s3+s2], $0x80, v3, vm0, $0xb8;
	[tilespmem:$0x8400] =	vst v63  }
0x77: {  	v3 =	vld [tilespmem:$0x90];
	_ =	sdelay $0x4  }
0x78: {  	v9 =	vshll.u32 v3, $0x1  }
0x79: {  	v3 =	vand.u32 $0x7, v3;
	v4 =	vand.u32 $0xFFFFFFF0, v9  }
0x7a: {  	v3 =	vor.u32 v3, v4  }
0x7b: {  	v4 =	vperm.xlane v3, v0;
	_ =	sdelay $0x1  }
0x7c: {  	v3 =	vperm.xlane v3, v2;
	v4 =	vadd.s32 v1, v4;
	_ =	sdelay $0x1  }
0x7d: {  	v3 =	vadd.s32 v1, v3;
	_ =	sdelay $0x2  }
0x7e: {  	[tilespmem:s16], [sflag:$0x1] =	stream.indirect_vreg.gather [hbm4b:s3+s2], $0x80, v4, vm0, $0xb8;
	[tilespmem:$0x8400] =	vst v63  }
0x7f: {  	_ = 	snop  }
0x80: {  	[tilespmem:s17], [sflag:$0x1] =	stream.indirect_vreg.gather [hbm4b:s3+s2], $0x80, v3, vm0, $0xb8;
	[tilespmem:$0x8400] =	vst v63  }
0x81: {  	v3 =	vld [tilespmem:$0xA0];
	_ =	sdelay $0x4  }
0x82: {  	v10 =	vshll.u32 v3, $0x1  }
0x83: {  	v3 =	vand.u32 $0x7, v3;
	v4 =	vand.u32 $0xFFFFFFF0, v10  }
0x84: {  	v3 =	vor.u32 v3, v4  }
0x85: {  	v4 =	vperm.xlane v3, v0;
	_ =	sdelay $0x1  }
0x86: {  	v3 =	vperm.xlane v3, v2;
	v4 =	vadd.s32 v1, v4;
	_ =	sdelay $0x1  }
0x87: {  	v3 =	vadd.s32 v1, v3;
	_ =	sdelay $0x2  }
0x88: {  	[tilespmem:s18], [sflag:$0x1] =	stream.indirect_vreg.gather [hbm4b:s3+s2], $0x80, v4, vm0, $0xb8;
	[tilespmem:$0x8400] =	vst v63  }
0x89: {  	_ = 	snop  }
0x8a: {  	[tilespmem:s19], [sflag:$0x1] =	stream.indirect_vreg.gather [hbm4b:s3+s2], $0x80, v3, vm0, $0xb8;
	[tilespmem:$0x8400] =	vst v63  }
0x8b: {  	v3 =	vld [tilespmem:$0xB0];
	_ =	sdelay $0x4  }
0x8c: {  	v11 =	vshll.u32 v3, $0x1  }
0x8d: {  	v3 =	vand.u32 $0x7, v3;
	v4 =	vand.u32 $0xFFFFFFF0, v11  }
0x8e: {  	v3 =	vor.u32 v3, v4  }
0x8f: {  	v4 =	vperm.xlane v3, v0;
	_ =	sdelay $0x1  }
0x90: {  	v3 =	vperm.xlane v3, v2;
	v4 =	vadd.s32 v1, v4;
	_ =	sdelay $0x1  }
0x91: {  	v3 =	vadd.s32 v1, v3;
	_ =	sdelay $0x2  }
0x92: {  	[tilespmem:s20], [sflag:$0x1] =	stream.indirect_vreg.gather [hbm4b:s3+s2], $0x80, v4, vm0, $0xb8;
	[tilespmem:$0x8400] =	vst v63  }
0x93: {  	_ = 	snop  }
0x94: {  	[tilespmem:s21], [sflag:$0x1] =	stream.indirect_vreg.gather [hbm4b:s3+s2], $0x80, v3, vm0, $0xb8;
	[tilespmem:$0x8400] =	vst v63  }
0x95: {  	v3 =	vld [tilespmem:$0xC0];
	_ =	sdelay $0x4  }
0x96: {  	v12 =	vshll.u32 v3, $0x1  }
0x97: {  	v3 =	vand.u32 $0x7, v3;
	v4 =	vand.u32 $0xFFFFFFF0, v12  }
0x98: {  	v3 =	vor.u32 v3, v4  }
0x99: {  	v4 =	vperm.xlane v3, v0;
	_ =	sdelay $0x1  }
0x9a: {  	v3 =	vperm.xlane v3, v2;
	v4 =	vadd.s32 v1, v4;
	_ =	sdelay $0x1  }
0x9b: {  	v3 =	vadd.s32 v1, v3;
	_ =	sdelay $0x2  }
0x9c: {  	[tilespmem:s22], [sflag:$0x1] =	stream.indirect_vreg.gather [hbm4b:s3+s2], $0x80, v4, vm0, $0xb8;
	[tilespmem:$0x8400] =	vst v63  }
0x9d: {  	_ = 	snop  }
0x9e: {  	[tilespmem:s23], [sflag:$0x1] =	stream.indirect_vreg.gather [hbm4b:s3+s2], $0x80, v3, vm0, $0xb8;
	[tilespmem:$0x8400] =	vst v63  }
0x9f: {  	v3 =	vld [tilespmem:$0xD0];
	_ =	sdelay $0x4  }
0xa0: {  	v13 =	vshll.u32 v3, $0x1  }
0xa1: {  	v3 =	vand.u32 $0x7, v3;
	v4 =	vand.u32 $0xFFFFFFF0, v13  }
0xa2: {  	v3 =	vor.u32 v3, v4  }
0xa3: {  	v4 =	vperm.xlane v3, v0;
	_ =	sdelay $0x1  }
0xa4: {  	v3 =	vperm.xlane v3, v2;
	v4 =	vadd.s32 v1, v4;
	_ =	sdelay $0x1  }
0xa5: {  	v3 =	vadd.s32 v1, v3;
	_ =	sdelay $0x2  }
0xa6: {  	[tilespmem:s24], [sflag:$0x1] =	stream.indirect_vreg.gather [hbm4b:s3+s2], $0x80, v4, vm0, $0xb8;
	[tilespmem:$0x8400] =	vst v63  }
0xa7: {  	_ = 	snop  }
0xa8: {  	[tilespmem:s25], [sflag:$0x1] =	stream.indirect_vreg.gather [hbm4b:s3+s2], $0x80, v3, vm0, $0xb8;
	[tilespmem:$0x8400] =	vst v63  }
0xa9: {  	v3 =	vld [tilespmem:$0xE0];
	_ =	sdelay $0x4  }
0xaa: {  	v14 =	vshll.u32 v3, $0x1  }
0xab: {  	v3 =	vand.u32 $0x7, v3;
	v4 =	vand.u32 $0xFFFFFFF0, v14  }
0xac: {  	v3 =	vor.u32 v3, v4  }
0xad: {  	v4 =	vperm.xlane v3, v0;
	_ =	sdelay $0x1  }
0xae: {  	v3 =	vperm.xlane v3, v2;
	v4 =	vadd.s32 v1, v4;
	_ =	sdelay $0x1  }
0xaf: {  	v3 =	vadd.s32 v1, v3;
	_ =	sdelay $0x2  }
0xb0: {  	[tilespmem:s26], [sflag:$0x1] =	stream.indirect_vreg.gather [hbm4b:s3+s2], $0x80, v4, vm0, $0xb8;
	[tilespmem:$0x8400] =	vst v63  }
0xb1: {  	_ = 	snop  }
0xb2: {  	[tilespmem:s28], [sflag:$0x1] =	stream.indirect_vreg.gather [hbm4b:s3+s2], $0x80, v3, vm0, $0xb8;
	[tilespmem:$0x8400] =	vst v63  }
0xb3: {  	v3 =	vld [tilespmem:$0xF0];
	_ =	sdelay $0x4  }
0xb4: {  	v15 =	vshll.u32 v3, $0x1  }
0xb5: {  	v3 =	vand.u32 $0x7, v3;
	v4 =	vand.u32 $0xFFFFFFF0, v15  }
0xb6: {  	v3 =	vor.u32 v3, v4  }
0xb7: {  	v4 =	vperm.xlane v3, v0;
	_ =	sdelay $0x1  }
0xb8: {  	v3 =	vperm.xlane v3, v2;
	v4 =	vadd.s32 v1, v4;
	_ =	sdelay $0x1  }
0xb9: {  	v3 =	vadd.s32 v1, v3;
	_ =	sdelay $0x2  }
0xba: {  	[tilespmem:s29], [sflag:$0x1] =	stream.indirect_vreg.gather [hbm4b:s3+s2], $0x80, v4, vm0, $0xb8;
	[tilespmem:$0x8400] =	vst v63  }
0xbb: {  	_ = 	snop  }
0xbc: {  	[tilespmem:s30], [sflag:$0x1] =	stream.indirect_vreg.gather [hbm4b:s3+s2], $0x80, v3, vm0, $0xb8;
	[tilespmem:$0x8400] =	vst v63  }
0xbd: {  	_ =	swait.ge [sflag:s31], $0x8000  }
0xbe: {  	[sflag:s31] =	ssyncset.done $0x0  }
0xbf: {  	[sflag:s31] =	ssyncadd.s32 $0xFFFF8000  }
0xc0: {  	[hbm4b:s5+s2] =	stream.linear.scatter [tilespmem:s14], [sflag:$0x2], $0x8000, $0x38;
	[tilespmem:$0x8400] =	vst v63  }
0xc1: {  	_ =	swait.ge [sflag:s13], $0x8000  }
0xc2: {  	[sflag:s13] =	ssyncset.done $0x0  }
0xc3: {  	[sflag:s13] =	ssyncadd.s32 $0xFFFF8000  }
0xc4: {  	v3 =	vld [tilespmem:$0x100];
	_ =	sdelay $0x4  }
0xc5: {  	v16 =	vshll.u32 v3, $0x1  }
0xc6: {  	v3 =	vand.u32 $0x7, v3;
	v4 =	vand.u32 $0xFFFFFFF0, v16  }
0xc7: {  	v3 =	vor.u32 v3, v4  }
0xc8: {  	v4 =	vperm.xlane v3, v0;
	_ =	sdelay $0x1  }
0xc9: {  	v3 =	vperm.xlane v3, v2;
	v4 =	vadd.s32 v1, v4;
	_ =	sdelay $0x1  }
0xca: {  	v3 =	vadd.s32 v1, v3;
	_ =	sdelay $0x2  }
0xcb: {  	[tilespmem:s14], [sflag:$0x1] =	stream.indirect_vreg.gather [hbm4b:s3+s2], $0x80, v4, vm0, $0xb8;
	[tilespmem:$0x8400] =	vst v63  }
0xcc: {  	_ = 	snop  }
0xcd: {  	[tilespmem:s15], [sflag:$0x1] =	stream.indirect_vreg.gather [hbm4b:s3+s2], $0x80, v3, vm0, $0xb8;
	[tilespmem:$0x8400] =	vst v63  }
0xce: {  	v3 =	vld [tilespmem:$0x110];
	_ =	sdelay $0x4  }
0xcf: {  	v17 =	vshll.u32 v3, $0x1  }
0xd0: {  	v3 =	vand.u32 $0x7, v3;
	v4 =	vand.u32 $0xFFFFFFF0, v17  }
0xd1: {  	v3 =	vor.u32 v3, v4  }
0xd2: {  	v4 =	vperm.xlane v3, v0;
	_ =	sdelay $0x1  }
0xd3: {  	v3 =	vperm.xlane v3, v2;
	v4 =	vadd.s32 v1, v4;
	_ =	sdelay $0x1  }
0xd4: {  	v3 =	vadd.s32 v1, v3;
	_ =	sdelay $0x2  }
0xd5: {  	[tilespmem:s16], [sflag:$0x1] =	stream.indirect_vreg.gather [hbm4b:s3+s2], $0x80, v4, vm0, $0xb8;
	[tilespmem:$0x8400] =	vst v63  }
0xd6: {  	_ = 	snop  }
0xd7: {  	[tilespmem:s17], [sflag:$0x1] =	stream.indirect_vreg.gather [hbm4b:s3+s2], $0x80, v3, vm0, $0xb8;
	[tilespmem:$0x8400] =	vst v63  }
0xd8: {  	v3 =	vld [tilespmem:$0x120];
	_ =	sdelay $0x4  }
0xd9: {  	v18 =	vshll.u32 v3, $0x1  }
0xda: {  	v3 =	vand.u32 $0x7, v3;
	v4 =	vand.u32 $0xFFFFFFF0, v18  }
0xdb: {  	v3 =	vor.u32 v3, v4  }
0xdc: {  	v4 =	vperm.xlane v3, v0;
	_ =	sdelay $0x1  }
0xdd: {  	v3 =	vperm.xlane v3, v2;
	v4 =	vadd.s32 v1, v4;
	_ =	sdelay $0x1  }
0xde: {  	v3 =	vadd.s32 v1, v3;
	_ =	sdelay $0x2  }
0xdf: {  	[tilespmem:s18], [sflag:$0x1] =	stream.indirect_vreg.gather [hbm4b:s3+s2], $0x80, v4, vm0, $0xb8;
	[tilespmem:$0x8400] =	vst v63  }
0xe0: {  	_ = 	snop  }
0xe1: {  	[tilespmem:s19], [sflag:$0x1] =	stream.indirect_vreg.gather [hbm4b:s3+s2], $0x80, v3, vm0, $0xb8;
	[tilespmem:$0x8400] =	vst v63  }
0xe2: {  	v3 =	vld [tilespmem:$0x130];
	_ =	sdelay $0x4  }
0xe3: {  	v19 =	vshll.u32 v3, $0x1  }
0xe4: {  	v3 =	vand.u32 $0x7, v3;
	v4 =	vand.u32 $0xFFFFFFF0, v19  }
0xe5: {  	v3 =	vor.u32 v3, v4  }
0xe6: {  	v4 =	vperm.xlane v3, v0;
	_ =	sdelay $0x1  }
0xe7: {  	v3 =	vperm.xlane v3, v2;
	v4 =	vadd.s32 v1, v4;
	_ =	sdelay $0x1  }
0xe8: {  	v3 =	vadd.s32 v1, v3;
	_ =	sdelay $0x2  }
0xe9: {  	[tilespmem:s20], [sflag:$0x1] =	stream.indirect_vreg.gather [hbm4b:s3+s2], $0x80, v4, vm0, $0xb8;
	[tilespmem:$0x8400] =	vst v63  }
0xea: {  	_ = 	snop  }
0xeb: {  	[tilespmem:s21], [sflag:$0x1] =	stream.indirect_vreg.gather [hbm4b:s3+s2], $0x80, v3, vm0, $0xb8;
	[tilespmem:$0x8400] =	vst v63  }
0xec: {  	v3 =	vld [tilespmem:$0x140];
	_ =	sdelay $0x4  }
0xed: {  	v20 =	vshll.u32 v3, $0x1  }
0xee: {  	v3 =	vand.u32 $0x7, v3;
	v4 =	vand.u32 $0xFFFFFFF0, v20  }
0xef: {  	v3 =	vor.u32 v3, v4  }
0xf0: {  	v4 =	vperm.xlane v3, v0;
	_ =	sdelay $0x1  }
0xf1: {  	v3 =	vperm.xlane v3, v2;
	v4 =	vadd.s32 v1, v4;
	_ =	sdelay $0x1  }
0xf2: {  	v3 =	vadd.s32 v1, v3;
	_ =	sdelay $0x2  }
0xf3: {  	[tilespmem:s22], [sflag:$0x1] =	stream.indirect_vreg.gather [hbm4b:s3+s2], $0x80, v4, vm0, $0xb8;
	[tilespmem:$0x8400] =	vst v63  }
0xf4: {  	_ = 	snop  }
0xf5: {  	[tilespmem:s23], [sflag:$0x1] =	stream.indirect_vreg.gather [hbm4b:s3+s2], $0x80, v3, vm0, $0xb8;
	[tilespmem:$0x8400] =	vst v63  }
0xf6: {  	v3 =	vld [tilespmem:$0x150];
	_ =	sdelay $0x4  }
0xf7: {  	v21 =	vshll.u32 v3, $0x1  }
0xf8: {  	v3 =	vand.u32 $0x7, v3;
	v4 =	vand.u32 $0xFFFFFFF0, v21  }
0xf9: {  	v3 =	vor.u32 v3, v4  }
0xfa: {  	v4 =	vperm.xlane v3, v0;
	_ =	sdelay $0x1  }
0xfb: {  	v3 =	vperm.xlane v3, v2;
	v4 =	vadd.s32 v1, v4;
	_ =	sdelay $0x1  }
0xfc: {  	v3 =	vadd.s32 v1, v3;
	_ =	sdelay $0x2  }
0xfd: {  	[tilespmem:s24], [sflag:$0x1] =	stream.indirect_vreg.gather [hbm4b:s3+s2], $0x80, v4, vm0, $0xb8;
	[tilespmem:$0x8400] =	vst v63  }
0xfe: {  	_ = 	snop  }
0xff: {  	[tilespmem:s25], [sflag:$0x1] =	stream.indirect_vreg.gather [hbm4b:s3+s2], $0x80, v3, vm0, $0xb8;
	[tilespmem:$0x8400] =	vst v63  }
0x100: {  	v3 =	vld [tilespmem:$0x160];
	_ =	sdelay $0x4  }
0x101: {  	v22 =	vshll.u32 v3, $0x1  }
0x102: {  	v3 =	vand.u32 $0x7, v3;
	v4 =	vand.u32 $0xFFFFFFF0, v22  }
0x103: {  	v3 =	vor.u32 v3, v4  }
0x104: {  	v4 =	vperm.xlane v3, v0;
	_ =	sdelay $0x1  }
0x105: {  	v3 =	vperm.xlane v3, v2;
	v4 =	vadd.s32 v1, v4;
	_ =	sdelay $0x1  }
0x106: {  	v3 =	vadd.s32 v1, v3;
	_ =	sdelay $0x2  }
0x107: {  	[tilespmem:s26], [sflag:$0x1] =	stream.indirect_vreg.gather [hbm4b:s3+s2], $0x80, v4, vm0, $0xb8;
	[tilespmem:$0x8400] =	vst v63  }
0x108: {  	_ = 	snop  }
0x109: {  	[tilespmem:s28], [sflag:$0x1] =	stream.indirect_vreg.gather [hbm4b:s3+s2], $0x80, v3, vm0, $0xb8;
	[tilespmem:$0x8400] =	vst v63  }
0x10a: {  	v3 =	vld [tilespmem:$0x170];
	_ =	sdelay $0x4  }
0x10b: {  	v23 =	vshll.u32 v3, $0x1  }
0x10c: {  	v3 =	vand.u32 $0x7, v3;
	v4 =	vand.u32 $0xFFFFFFF0, v23  }
0x10d: {  	v3 =	vor.u32 v3, v4  }
0x10e: {  	v4 =	vperm.xlane v3, v0;
	_ =	sdelay $0x1  }
0x10f: {  	v3 =	vperm.xlane v3, v2;
	v4 =	vadd.s32 v1, v4;
	_ =	sdelay $0x1  }
0x110: {  	v3 =	vadd.s32 v1, v3;
	_ =	sdelay $0x2  }
0x111: {  	[tilespmem:s29], [sflag:$0x1] =	stream.indirect_vreg.gather [hbm4b:s3+s2], $0x80, v4, vm0, $0xb8;
	[tilespmem:$0x8400] =	vst v63  }
0x112: {  	_ = 	snop  }
0x113: {  	[tilespmem:s30], [sflag:$0x1] =	stream.indirect_vreg.gather [hbm4b:s3+s2], $0x80, v3, vm0, $0xb8;
	[tilespmem:$0x8400] =	vst v63  }
0x114: {  	_ =	swait.ge [sflag:s31], $0x8000  }
0x115: {  	[sflag:s31] =	ssyncset.done $0x0  }
0x116: {  	[sflag:s31] =	ssyncadd.s32 $0xFFFF8000  }
0x117: {  	[hbm4b:s6+s2] =	stream.linear.scatter [tilespmem:s14], [sflag:$0x2], $0x8000, $0x38;
	[tilespmem:$0x8400] =	vst v63  }
0x118: {  	_ =	swait.ge [sflag:s13], $0x8000  }
0x119: {  	[sflag:s13] =	ssyncset.done $0x0  }
0x11a: {  	[sflag:s13] =	ssyncadd.s32 $0xFFFF8000  }
0x11b: {  	v3 =	vld [tilespmem:$0x180];
	_ =	sdelay $0x4  }
0x11c: {  	v24 =	vshll.u32 v3, $0x1  }
0x11d: {  	v3 =	vand.u32 $0x7, v3;
	v4 =	vand.u32 $0xFFFFFFF0, v24  }
0x11e: {  	v3 =	vor.u32 v3, v4  }
0x11f: {  	v4 =	vperm.xlane v3, v0;
	_ =	sdelay $0x1  }
0x120: {  	v3 =	vperm.xlane v3, v2;
	v4 =	vadd.s32 v1, v4;
	_ =	sdelay $0x1  }
0x121: {  	v3 =	vadd.s32 v1, v3;
	_ =	sdelay $0x2  }
0x122: {  	[tilespmem:s14], [sflag:$0x1] =	stream.indirect_vreg.gather [hbm4b:s3+s2], $0x80, v4, vm0, $0xb8;
	[tilespmem:$0x8400] =	vst v63  }
0x123: {  	_ = 	snop  }
0x124: {  	[tilespmem:s15], [sflag:$0x1] =	stream.indirect_vreg.gather [hbm4b:s3+s2], $0x80, v3, vm0, $0xb8;
	[tilespmem:$0x8400] =	vst v63  }
0x125: {  	v3 =	vld [tilespmem:$0x190];
	_ =	sdelay $0x4  }
0x126: {  	v25 =	vshll.u32 v3, $0x1  }
0x127: {  	v3 =	vand.u32 $0x7, v3;
	v4 =	vand.u32 $0xFFFFFFF0, v25  }
0x128: {  	v3 =	vor.u32 v3, v4  }
0x129: {  	v4 =	vperm.xlane v3, v0;
	_ =	sdelay $0x1  }
0x12a: {  	v3 =	vperm.xlane v3, v2;
	v4 =	vadd.s32 v1, v4;
	_ =	sdelay $0x1  }
0x12b: {  	v3 =	vadd.s32 v1, v3;
	_ =	sdelay $0x2  }
0x12c: {  	[tilespmem:s16], [sflag:$0x1] =	stream.indirect_vreg.gather [hbm4b:s3+s2], $0x80, v4, vm0, $0xb8;
	[tilespmem:$0x8400] =	vst v63  }
0x12d: {  	_ = 	snop  }
0x12e: {  	[tilespmem:s17], [sflag:$0x1] =	stream.indirect_vreg.gather [hbm4b:s3+s2], $0x80, v3, vm0, $0xb8;
	[tilespmem:$0x8400] =	vst v63  }
0x12f: {  	v3 =	vld [tilespmem:$0x1A0];
	_ =	sdelay $0x4  }
0x130: {  	v26 =	vshll.u32 v3, $0x1  }
0x131: {  	v3 =	vand.u32 $0x7, v3;
	v4 =	vand.u32 $0xFFFFFFF0, v26  }
0x132: {  	v3 =	vor.u32 v3, v4  }
0x133: {  	v4 =	vperm.xlane v3, v0;
	_ =	sdelay $0x1  }
0x134: {  	v3 =	vperm.xlane v3, v2;
	v4 =	vadd.s32 v1, v4;
	_ =	sdelay $0x1  }
0x135: {  	v3 =	vadd.s32 v1, v3;
	_ =	sdelay $0x2  }
0x136: {  	[tilespmem:s18], [sflag:$0x1] =	stream.indirect_vreg.gather [hbm4b:s3+s2], $0x80, v4, vm0, $0xb8;
	[tilespmem:$0x8400] =	vst v63  }
0x137: {  	_ = 	snop  }
0x138: {  	[tilespmem:s19], [sflag:$0x1] =	stream.indirect_vreg.gather [hbm4b:s3+s2], $0x80, v3, vm0, $0xb8;
	[tilespmem:$0x8400] =	vst v63  }
0x139: {  	v3 =	vld [tilespmem:$0x1B0];
	_ =	sdelay $0x4  }
0x13a: {  	v27 =	vshll.u32 v3, $0x1  }
0x13b: {  	v3 =	vand.u32 $0x7, v3;
	v4 =	vand.u32 $0xFFFFFFF0, v27  }
0x13c: {  	v3 =	vor.u32 v3, v4  }
0x13d: {  	v4 =	vperm.xlane v3, v0;
	_ =	sdelay $0x1  }
0x13e: {  	v3 =	vperm.xlane v3, v2;
	v4 =	vadd.s32 v1, v4;
	_ =	sdelay $0x1  }
0x13f: {  	v3 =	vadd.s32 v1, v3;
	_ =	sdelay $0x2  }
0x140: {  	[tilespmem:s20], [sflag:$0x1] =	stream.indirect_vreg.gather [hbm4b:s3+s2], $0x80, v4, vm0, $0xb8;
	[tilespmem:$0x8400] =	vst v63  }
0x141: {  	_ = 	snop  }
0x142: {  	[tilespmem:s21], [sflag:$0x1] =	stream.indirect_vreg.gather [hbm4b:s3+s2], $0x80, v3, vm0, $0xb8;
	[tilespmem:$0x8400] =	vst v63  }
0x143: {  	v3 =	vld [tilespmem:$0x1C0];
	_ =	sdelay $0x4  }
0x144: {  	v28 =	vshll.u32 v3, $0x1  }
0x145: {  	v3 =	vand.u32 $0x7, v3;
	v4 =	vand.u32 $0xFFFFFFF0, v28  }
0x146: {  	v3 =	vor.u32 v3, v4  }
0x147: {  	v4 =	vperm.xlane v3, v0;
	_ =	sdelay $0x1  }
0x148: {  	v3 =	vperm.xlane v3, v2;
	v4 =	vadd.s32 v1, v4;
	_ =	sdelay $0x1  }
0x149: {  	v3 =	vadd.s32 v1, v3;
	_ =	sdelay $0x2  }
0x14a: {  	[tilespmem:s22], [sflag:$0x1] =	stream.indirect_vreg.gather [hbm4b:s3+s2], $0x80, v4, vm0, $0xb8;
	[tilespmem:$0x8400] =	vst v63  }
0x14b: {  	_ = 	snop  }
0x14c: {  	[tilespmem:s23], [sflag:$0x1] =	stream.indirect_vreg.gather [hbm4b:s3+s2], $0x80, v3, vm0, $0xb8;
	[tilespmem:$0x8400] =	vst v63  }
0x14d: {  	v3 =	vld [tilespmem:$0x1D0];
	_ =	sdelay $0x4  }
0x14e: {  	v29 =	vshll.u32 v3, $0x1  }
0x14f: {  	v3 =	vand.u32 $0x7, v3;
	v4 =	vand.u32 $0xFFFFFFF0, v29  }
0x150: {  	v3 =	vor.u32 v3, v4  }
0x151: {  	v4 =	vperm.xlane v3, v0;
	_ =	sdelay $0x1  }
0x152: {  	v3 =	vperm.xlane v3, v2;
	v4 =	vadd.s32 v1, v4;
	_ =	sdelay $0x1  }
0x153: {  	v3 =	vadd.s32 v1, v3;
	_ =	sdelay $0x2  }
0x154: {  	[tilespmem:s24], [sflag:$0x1] =	stream.indirect_vreg.gather [hbm4b:s3+s2], $0x80, v4, vm0, $0xb8;
	[tilespmem:$0x8400] =	vst v63  }
0x155: {  	_ = 	snop  }
0x156: {  	[tilespmem:s25], [sflag:$0x1] =	stream.indirect_vreg.gather [hbm4b:s3+s2], $0x80, v3, vm0, $0xb8;
	[tilespmem:$0x8400] =	vst v63  }
0x157: {  	v3 =	vld [tilespmem:$0x1E0];
	_ =	sdelay $0x4  }
0x158: {  	v30 =	vshll.u32 v3, $0x1  }
0x159: {  	v3 =	vand.u32 $0x7, v3;
	v4 =	vand.u32 $0xFFFFFFF0, v30  }
0x15a: {  	v3 =	vor.u32 v3, v4  }
0x15b: {  	v4 =	vperm.xlane v3, v0;
	_ =	sdelay $0x1  }
0x15c: {  	v3 =	vperm.xlane v3, v2;
	v4 =	vadd.s32 v1, v4;
	_ =	sdelay $0x1  }
0x15d: {  	v3 =	vadd.s32 v1, v3;
	_ =	sdelay $0x2  }
0x15e: {  	[tilespmem:s26], [sflag:$0x1] =	stream.indirect_vreg.gather [hbm4b:s3+s2], $0x80, v4, vm0, $0xb8;
	[tilespmem:$0x8400] =	vst v63  }
0x15f: {  	_ = 	snop  }
0x160: {  	[tilespmem:s28], [sflag:$0x1] =	stream.indirect_vreg.gather [hbm4b:s3+s2], $0x80, v3, vm0, $0xb8;
	[tilespmem:$0x8400] =	vst v63  }
0x161: {  	v3 =	vld [tilespmem:$0x1F0];
	_ =	sdelay $0x4  }
0x162: {  	v31 =	vshll.u32 v3, $0x1  }
0x163: {  	v3 =	vand.u32 $0x7, v3;
	v4 =	vand.u32 $0xFFFFFFF0, v31  }
0x164: {  	v3 =	vor.u32 v3, v4  }
0x165: {  	v4 =	vperm.xlane v3, v0;
	_ =	sdelay $0x1  }
0x166: {  	v3 =	vperm.xlane v3, v2;
	v4 =	vadd.s32 v1, v4;
	_ =	sdelay $0x1  }
0x167: {  	v3 =	vadd.s32 v1, v3;
	_ =	sdelay $0x2  }
0x168: {  	[tilespmem:s29], [sflag:$0x1] =	stream.indirect_vreg.gather [hbm4b:s3+s2], $0x80, v4, vm0, $0xb8;
	[tilespmem:$0x8400] =	vst v63  }
0x169: {  	_ = 	snop  }
0x16a: {  	[tilespmem:s30], [sflag:$0x1] =	stream.indirect_vreg.gather [hbm4b:s3+s2], $0x80, v3, vm0, $0xb8;
	[tilespmem:$0x8400] =	vst v63  }
0x16b: {  	_ =	swait.ge [sflag:s31], $0x8000  }
0x16c: {  	[sflag:s31] =	ssyncset.done $0x0  }
0x16d: {  	[sflag:s31] =	ssyncadd.s32 $0xFFFF8000  }
0x16e: {  	[hbm4b:s7+s2] =	stream.linear.scatter [tilespmem:s14], [sflag:$0x2], $0x8000, $0x38;
	[tilespmem:$0x8400] =	vst v63  }
0x16f: {  	_ =	swait.ge [sflag:s13], $0x8000  }
0x170: {  	[sflag:s13] =	ssyncset.done $0x0  }
0x171: {  	[sflag:s13] =	ssyncadd.s32 $0xFFFF8000  }
0x172: {  	v3 =	vld [tilespmem:$0x200];
	_ =	sdelay $0x4  }
0x173: {  	v32 =	vshll.u32 v3, $0x1  }
0x174: {  	v3 =	vand.u32 $0x7, v3;
	v4 =	vand.u32 $0xFFFFFFF0, v32  }
0x175: {  	v3 =	vor.u32 v3, v4  }
0x176: {  	v4 =	vperm.xlane v3, v0;
	_ =	sdelay $0x1  }
0x177: {  	v3 =	vperm.xlane v3, v2;
	v4 =	vadd.s32 v1, v4;
	_ =	sdelay $0x1  }
0x178: {  	v3 =	vadd.s32 v1, v3;
	_ =	sdelay $0x2  }
0x179: {  	[tilespmem:s14], [sflag:$0x1] =	stream.indirect_vreg.gather [hbm4b:s3+s2], $0x80, v4, vm0, $0xb8;
	[tilespmem:$0x8400] =	vst v63  }
0x17a: {  	_ = 	snop  }
0x17b: {  	[tilespmem:s15], [sflag:$0x1] =	stream.indirect_vreg.gather [hbm4b:s3+s2], $0x80, v3, vm0, $0xb8;
	[tilespmem:$0x8400] =	vst v63  }
0x17c: {  	v3 =	vld [tilespmem:$0x210];
	_ =	sdelay $0x4  }
0x17d: {  	v33 =	vshll.u32 v3, $0x1  }
0x17e: {  	v3 =	vand.u32 $0x7, v3;
	v4 =	vand.u32 $0xFFFFFFF0, v33  }
0x17f: {  	v3 =	vor.u32 v3, v4  }
0x180: {  	v4 =	vperm.xlane v3, v0;
	_ =	sdelay $0x1  }
0x181: {  	v3 =	vperm.xlane v3, v2;
	v4 =	vadd.s32 v1, v4;
	_ =	sdelay $0x1  }
0x182: {  	v3 =	vadd.s32 v1, v3;
	_ =	sdelay $0x2  }
0x183: {  	[tilespmem:s16], [sflag:$0x1] =	stream.indirect_vreg.gather [hbm4b:s3+s2], $0x80, v4, vm0, $0xb8;
	[tilespmem:$0x8400] =	vst v63  }
0x184: {  	_ = 	snop  }
0x185: {  	[tilespmem:s17], [sflag:$0x1] =	stream.indirect_vreg.gather [hbm4b:s3+s2], $0x80, v3, vm0, $0xb8;
	[tilespmem:$0x8400] =	vst v63  }
0x186: {  	v3 =	vld [tilespmem:$0x220];
	_ =	sdelay $0x4  }
0x187: {  	v34 =	vshll.u32 v3, $0x1  }
0x188: {  	v3 =	vand.u32 $0x7, v3;
	v4 =	vand.u32 $0xFFFFFFF0, v34  }
0x189: {  	v3 =	vor.u32 v3, v4  }
0x18a: {  	v4 =	vperm.xlane v3, v0;
	_ =	sdelay $0x1  }
0x18b: {  	v3 =	vperm.xlane v3, v2;
	v4 =	vadd.s32 v1, v4;
	_ =	sdelay $0x1  }
0x18c: {  	v3 =	vadd.s32 v1, v3;
	_ =	sdelay $0x2  }
0x18d: {  	[tilespmem:s18], [sflag:$0x1] =	stream.indirect_vreg.gather [hbm4b:s3+s2], $0x80, v4, vm0, $0xb8;
	[tilespmem:$0x8400] =	vst v63  }
0x18e: {  	_ = 	snop  }
0x18f: {  	[tilespmem:s19], [sflag:$0x1] =	stream.indirect_vreg.gather [hbm4b:s3+s2], $0x80, v3, vm0, $0xb8;
	[tilespmem:$0x8400] =	vst v63  }
0x190: {  	v3 =	vld [tilespmem:$0x230];
	_ =	sdelay $0x4  }
0x191: {  	v35 =	vshll.u32 v3, $0x1  }
0x192: {  	v3 =	vand.u32 $0x7, v3;
	v4 =	vand.u32 $0xFFFFFFF0, v35  }
0x193: {  	v3 =	vor.u32 v3, v4  }
0x194: {  	v4 =	vperm.xlane v3, v0;
	_ =	sdelay $0x1  }
0x195: {  	v3 =	vperm.xlane v3, v2;
	v4 =	vadd.s32 v1, v4;
	_ =	sdelay $0x1  }
0x196: {  	v3 =	vadd.s32 v1, v3;
	_ =	sdelay $0x2  }
0x197: {  	[tilespmem:s20], [sflag:$0x1] =	stream.indirect_vreg.gather [hbm4b:s3+s2], $0x80, v4, vm0, $0xb8;
	[tilespmem:$0x8400] =	vst v63  }
0x198: {  	_ = 	snop  }
0x199: {  	[tilespmem:s21], [sflag:$0x1] =	stream.indirect_vreg.gather [hbm4b:s3+s2], $0x80, v3, vm0, $0xb8;
	[tilespmem:$0x8400] =	vst v63  }
0x19a: {  	v3 =	vld [tilespmem:$0x240];
	_ =	sdelay $0x4  }
0x19b: {  	v36 =	vshll.u32 v3, $0x1  }
0x19c: {  	v3 =	vand.u32 $0x7, v3;
	v4 =	vand.u32 $0xFFFFFFF0, v36  }
0x19d: {  	v3 =	vor.u32 v3, v4  }
0x19e: {  	v4 =	vperm.xlane v3, v0;
	_ =	sdelay $0x1  }
0x19f: {  	v3 =	vperm.xlane v3, v2;
	v4 =	vadd.s32 v1, v4;
	_ =	sdelay $0x1  }
0x1a0: {  	v3 =	vadd.s32 v1, v3;
	_ =	sdelay $0x2  }
0x1a1: {  	[tilespmem:s22], [sflag:$0x1] =	stream.indirect_vreg.gather [hbm4b:s3+s2], $0x80, v4, vm0, $0xb8;
	[tilespmem:$0x8400] =	vst v63  }
0x1a2: {  	_ = 	snop  }
0x1a3: {  	[tilespmem:s23], [sflag:$0x1] =	stream.indirect_vreg.gather [hbm4b:s3+s2], $0x80, v3, vm0, $0xb8;
	[tilespmem:$0x8400] =	vst v63  }
0x1a4: {  	v3 =	vld [tilespmem:$0x250];
	_ =	sdelay $0x4  }
0x1a5: {  	v37 =	vshll.u32 v3, $0x1  }
0x1a6: {  	v3 =	vand.u32 $0x7, v3;
	v4 =	vand.u32 $0xFFFFFFF0, v37  }
0x1a7: {  	v3 =	vor.u32 v3, v4  }
0x1a8: {  	v4 =	vperm.xlane v3, v0;
	_ =	sdelay $0x1  }
0x1a9: {  	v3 =	vperm.xlane v3, v2;
	v4 =	vadd.s32 v1, v4;
	_ =	sdelay $0x1  }
0x1aa: {  	v3 =	vadd.s32 v1, v3;
	_ =	sdelay $0x2  }
0x1ab: {  	[tilespmem:s24], [sflag:$0x1] =	stream.indirect_vreg.gather [hbm4b:s3+s2], $0x80, v4, vm0, $0xb8;
	[tilespmem:$0x8400] =	vst v63  }
0x1ac: {  	_ = 	snop  }
0x1ad: {  	[tilespmem:s25], [sflag:$0x1] =	stream.indirect_vreg.gather [hbm4b:s3+s2], $0x80, v3, vm0, $0xb8;
	[tilespmem:$0x8400] =	vst v63  }
0x1ae: {  	v3 =	vld [tilespmem:$0x260];
	_ =	sdelay $0x4  }
0x1af: {  	v38 =	vshll.u32 v3, $0x1  }
0x1b0: {  	v3 =	vand.u32 $0x7, v3;
	v4 =	vand.u32 $0xFFFFFFF0, v38  }
0x1b1: {  	v3 =	vor.u32 v3, v4  }
0x1b2: {  	v4 =	vperm.xlane v3, v0;
	_ =	sdelay $0x1  }
0x1b3: {  	v3 =	vperm.xlane v3, v2;
	v4 =	vadd.s32 v1, v4;
	_ =	sdelay $0x1  }
0x1b4: {  	v3 =	vadd.s32 v1, v3;
	_ =	sdelay $0x2  }
0x1b5: {  	[tilespmem:s26], [sflag:$0x1] =	stream.indirect_vreg.gather [hbm4b:s3+s2], $0x80, v4, vm0, $0xb8;
	[tilespmem:$0x8400] =	vst v63  }
0x1b6: {  	_ = 	snop  }
0x1b7: {  	[tilespmem:s28], [sflag:$0x1] =	stream.indirect_vreg.gather [hbm4b:s3+s2], $0x80, v3, vm0, $0xb8;
	[tilespmem:$0x8400] =	vst v63  }
0x1b8: {  	v3 =	vld [tilespmem:$0x270];
	_ =	sdelay $0x4  }
0x1b9: {  	v39 =	vshll.u32 v3, $0x1  }
0x1ba: {  	v3 =	vand.u32 $0x7, v3;
	v4 =	vand.u32 $0xFFFFFFF0, v39  }
0x1bb: {  	v3 =	vor.u32 v3, v4  }
0x1bc: {  	v4 =	vperm.xlane v3, v0;
	_ =	sdelay $0x1  }
0x1bd: {  	v3 =	vperm.xlane v3, v2;
	v4 =	vadd.s32 v1, v4;
	_ =	sdelay $0x1  }
0x1be: {  	v3 =	vadd.s32 v1, v3;
	_ =	sdelay $0x2  }
0x1bf: {  	[tilespmem:s29], [sflag:$0x1] =	stream.indirect_vreg.gather [hbm4b:s3+s2], $0x80, v4, vm0, $0xb8;
	[tilespmem:$0x8400] =	vst v63  }
0x1c0: {  	_ = 	snop  }
0x1c1: {  	[tilespmem:s30], [sflag:$0x1] =	stream.indirect_vreg.gather [hbm4b:s3+s2], $0x80, v3, vm0, $0xb8;
	[tilespmem:$0x8400] =	vst v63  }
0x1c2: {  	_ =	swait.ge [sflag:s31], $0x8000  }
0x1c3: {  	[sflag:s31] =	ssyncset.done $0x0  }
0x1c4: {  	[sflag:s31] =	ssyncadd.s32 $0xFFFF8000  }
0x1c5: {  	[hbm4b:s8+s2] =	stream.linear.scatter [tilespmem:s14], [sflag:$0x2], $0x8000, $0x38;
	[tilespmem:$0x8400] =	vst v63  }
0x1c6: {  	_ =	swait.ge [sflag:s13], $0x8000  }
0x1c7: {  	[sflag:s13] =	ssyncset.done $0x0  }
0x1c8: {  	[sflag:s13] =	ssyncadd.s32 $0xFFFF8000  }
0x1c9: {  	v3 =	vld [tilespmem:$0x280];
	_ =	sdelay $0x4  }
0x1ca: {  	v40 =	vshll.u32 v3, $0x1  }
0x1cb: {  	v3 =	vand.u32 $0x7, v3;
	v4 =	vand.u32 $0xFFFFFFF0, v40  }
0x1cc: {  	v3 =	vor.u32 v3, v4  }
0x1cd: {  	v4 =	vperm.xlane v3, v0;
	_ =	sdelay $0x1  }
0x1ce: {  	v3 =	vperm.xlane v3, v2;
	v4 =	vadd.s32 v1, v4;
	_ =	sdelay $0x1  }
0x1cf: {  	v3 =	vadd.s32 v1, v3;
	_ =	sdelay $0x2  }
0x1d0: {  	[tilespmem:s14], [sflag:$0x1] =	stream.indirect_vreg.gather [hbm4b:s3+s2], $0x80, v4, vm0, $0xb8;
	[tilespmem:$0x8400] =	vst v63  }
0x1d1: {  	_ = 	snop  }
0x1d2: {  	[tilespmem:s15], [sflag:$0x1] =	stream.indirect_vreg.gather [hbm4b:s3+s2], $0x80, v3, vm0, $0xb8;
	[tilespmem:$0x8400] =	vst v63  }
0x1d3: {  	v3 =	vld [tilespmem:$0x290];
	_ =	sdelay $0x4  }
0x1d4: {  	v41 =	vshll.u32 v3, $0x1  }
0x1d5: {  	v3 =	vand.u32 $0x7, v3;
	v4 =	vand.u32 $0xFFFFFFF0, v41  }
0x1d6: {  	v3 =	vor.u32 v3, v4  }
0x1d7: {  	v4 =	vperm.xlane v3, v0;
	_ =	sdelay $0x1  }
0x1d8: {  	v3 =	vperm.xlane v3, v2;
	v4 =	vadd.s32 v1, v4;
	_ =	sdelay $0x1  }
0x1d9: {  	v3 =	vadd.s32 v1, v3;
	_ =	sdelay $0x2  }
0x1da: {  	[tilespmem:s16], [sflag:$0x1] =	stream.indirect_vreg.gather [hbm4b:s3+s2], $0x80, v4, vm0, $0xb8;
	[tilespmem:$0x8400] =	vst v63  }
0x1db: {  	_ = 	snop  }
0x1dc: {  	[tilespmem:s17], [sflag:$0x1] =	stream.indirect_vreg.gather [hbm4b:s3+s2], $0x80, v3, vm0, $0xb8;
	[tilespmem:$0x8400] =	vst v63  }
0x1dd: {  	v3 =	vld [tilespmem:$0x2A0];
	_ =	sdelay $0x4  }
0x1de: {  	v42 =	vshll.u32 v3, $0x1  }
0x1df: {  	v3 =	vand.u32 $0x7, v3;
	v4 =	vand.u32 $0xFFFFFFF0, v42  }
0x1e0: {  	v3 =	vor.u32 v3, v4  }
0x1e1: {  	v4 =	vperm.xlane v3, v0;
	_ =	sdelay $0x1  }
0x1e2: {  	v3 =	vperm.xlane v3, v2;
	v4 =	vadd.s32 v1, v4;
	_ =	sdelay $0x1  }
0x1e3: {  	v3 =	vadd.s32 v1, v3;
	_ =	sdelay $0x2  }
0x1e4: {  	[tilespmem:s18], [sflag:$0x1] =	stream.indirect_vreg.gather [hbm4b:s3+s2], $0x80, v4, vm0, $0xb8;
	[tilespmem:$0x8400] =	vst v63  }
0x1e5: {  	_ = 	snop  }
0x1e6: {  	[tilespmem:s19], [sflag:$0x1] =	stream.indirect_vreg.gather [hbm4b:s3+s2], $0x80, v3, vm0, $0xb8;
	[tilespmem:$0x8400] =	vst v63  }
0x1e7: {  	v3 =	vld [tilespmem:$0x2B0];
	_ =	sdelay $0x4  }
0x1e8: {  	v43 =	vshll.u32 v3, $0x1  }
0x1e9: {  	v3 =	vand.u32 $0x7, v3;
	v4 =	vand.u32 $0xFFFFFFF0, v43  }
0x1ea: {  	v3 =	vor.u32 v3, v4  }
0x1eb: {  	v4 =	vperm.xlane v3, v0;
	_ =	sdelay $0x1  }
0x1ec: {  	v3 =	vperm.xlane v3, v2;
	v4 =	vadd.s32 v1, v4;
	_ =	sdelay $0x1  }
0x1ed: {  	v3 =	vadd.s32 v1, v3;
	_ =	sdelay $0x2  }
0x1ee: {  	[tilespmem:s20], [sflag:$0x1] =	stream.indirect_vreg.gather [hbm4b:s3+s2], $0x80, v4, vm0, $0xb8;
	[tilespmem:$0x8400] =	vst v63  }
0x1ef: {  	_ = 	snop  }
0x1f0: {  	[tilespmem:s21], [sflag:$0x1] =	stream.indirect_vreg.gather [hbm4b:s3+s2], $0x80, v3, vm0, $0xb8;
	[tilespmem:$0x8400] =	vst v63  }
0x1f1: {  	v3 =	vld [tilespmem:$0x2C0];
	_ =	sdelay $0x4  }
0x1f2: {  	v44 =	vshll.u32 v3, $0x1  }
0x1f3: {  	v3 =	vand.u32 $0x7, v3;
	v4 =	vand.u32 $0xFFFFFFF0, v44  }
0x1f4: {  	v3 =	vor.u32 v3, v4  }
0x1f5: {  	v4 =	vperm.xlane v3, v0;
	_ =	sdelay $0x1  }
0x1f6: {  	v3 =	vperm.xlane v3, v2;
	v4 =	vadd.s32 v1, v4;
	_ =	sdelay $0x1  }
0x1f7: {  	v3 =	vadd.s32 v1, v3;
	_ =	sdelay $0x2  }
0x1f8: {  	[tilespmem:s22], [sflag:$0x1] =	stream.indirect_vreg.gather [hbm4b:s3+s2], $0x80, v4, vm0, $0xb8;
	[tilespmem:$0x8400] =	vst v63  }
0x1f9: {  	_ = 	snop  }
0x1fa: {  	[tilespmem:s23], [sflag:$0x1] =	stream.indirect_vreg.gather [hbm4b:s3+s2], $0x80, v3, vm0, $0xb8;
	[tilespmem:$0x8400] =	vst v63  }
0x1fb: {  	v3 =	vld [tilespmem:$0x2D0];
	_ =	sdelay $0x4  }
0x1fc: {  	v45 =	vshll.u32 v3, $0x1  }
0x1fd: {  	v3 =	vand.u32 $0x7, v3;
	v4 =	vand.u32 $0xFFFFFFF0, v45  }
0x1fe: {  	v3 =	vor.u32 v3, v4  }
0x1ff: {  	v4 =	vperm.xlane v3, v0;
	_ =	sdelay $0x1  }
0x200: {  	v3 =	vperm.xlane v3, v2;
	v4 =	vadd.s32 v1, v4;
	_ =	sdelay $0x1  }
0x201: {  	v3 =	vadd.s32 v1, v3;
	_ =	sdelay $0x2  }
0x202: {  	[tilespmem:s24], [sflag:$0x1] =	stream.indirect_vreg.gather [hbm4b:s3+s2], $0x80, v4, vm0, $0xb8;
	[tilespmem:$0x8400] =	vst v63  }
0x203: {  	_ = 	snop  }
0x204: {  	[tilespmem:s25], [sflag:$0x1] =	stream.indirect_vreg.gather [hbm4b:s3+s2], $0x80, v3, vm0, $0xb8;
	[tilespmem:$0x8400] =	vst v63  }
0x205: {  	v3 =	vld [tilespmem:$0x2E0];
	_ =	sdelay $0x4  }
0x206: {  	v46 =	vshll.u32 v3, $0x1  }
0x207: {  	v3 =	vand.u32 $0x7, v3;
	v4 =	vand.u32 $0xFFFFFFF0, v46  }
0x208: {  	v3 =	vor.u32 v3, v4  }
0x209: {  	v4 =	vperm.xlane v3, v0;
	_ =	sdelay $0x1  }
0x20a: {  	v3 =	vperm.xlane v3, v2;
	v4 =	vadd.s32 v1, v4;
	_ =	sdelay $0x1  }
0x20b: {  	v3 =	vadd.s32 v1, v3;
	_ =	sdelay $0x2  }
0x20c: {  	[tilespmem:s26], [sflag:$0x1] =	stream.indirect_vreg.gather [hbm4b:s3+s2], $0x80, v4, vm0, $0xb8;
	[tilespmem:$0x8400] =	vst v63  }
0x20d: {  	_ = 	snop  }
0x20e: {  	[tilespmem:s28], [sflag:$0x1] =	stream.indirect_vreg.gather [hbm4b:s3+s2], $0x80, v3, vm0, $0xb8;
	[tilespmem:$0x8400] =	vst v63  }
0x20f: {  	v3 =	vld [tilespmem:$0x2F0];
	_ =	sdelay $0x4  }
0x210: {  	v47 =	vshll.u32 v3, $0x1  }
0x211: {  	v3 =	vand.u32 $0x7, v3;
	v4 =	vand.u32 $0xFFFFFFF0, v47  }
0x212: {  	v3 =	vor.u32 v3, v4  }
0x213: {  	v4 =	vperm.xlane v3, v0;
	_ =	sdelay $0x1  }
0x214: {  	v3 =	vperm.xlane v3, v2;
	v4 =	vadd.s32 v1, v4;
	_ =	sdelay $0x1  }
0x215: {  	v3 =	vadd.s32 v1, v3;
	_ =	sdelay $0x2  }
0x216: {  	[tilespmem:s29], [sflag:$0x1] =	stream.indirect_vreg.gather [hbm4b:s3+s2], $0x80, v4, vm0, $0xb8;
	[tilespmem:$0x8400] =	vst v63  }
0x217: {  	_ = 	snop  }
0x218: {  	[tilespmem:s30], [sflag:$0x1] =	stream.indirect_vreg.gather [hbm4b:s3+s2], $0x80, v3, vm0, $0xb8;
	[tilespmem:$0x8400] =	vst v63  }
0x219: {  	_ =	swait.ge [sflag:s31], $0x8000  }
0x21a: {  	[sflag:s31] =	ssyncset.done $0x0  }
0x21b: {  	[sflag:s31] =	ssyncadd.s32 $0xFFFF8000  }
0x21c: {  	[hbm4b:s9+s2] =	stream.linear.scatter [tilespmem:s14], [sflag:$0x2], $0x8000, $0x38;
	[tilespmem:$0x8400] =	vst v63  }
0x21d: {  	_ =	swait.ge [sflag:s13], $0x8000  }
0x21e: {  	[sflag:s13] =	ssyncset.done $0x0  }
0x21f: {  	[sflag:s13] =	ssyncadd.s32 $0xFFFF8000  }
0x220: {  	v3 =	vld [tilespmem:$0x300];
	_ =	sdelay $0x4  }
0x221: {  	v48 =	vshll.u32 v3, $0x1  }
0x222: {  	v3 =	vand.u32 $0x7, v3;
	v4 =	vand.u32 $0xFFFFFFF0, v48  }
0x223: {  	v3 =	vor.u32 v3, v4  }
0x224: {  	v4 =	vperm.xlane v3, v0;
	_ =	sdelay $0x1  }
0x225: {  	v3 =	vperm.xlane v3, v2;
	v4 =	vadd.s32 v1, v4;
	_ =	sdelay $0x1  }
0x226: {  	v3 =	vadd.s32 v1, v3;
	_ =	sdelay $0x2  }
0x227: {  	[tilespmem:s14], [sflag:$0x1] =	stream.indirect_vreg.gather [hbm4b:s3+s2], $0x80, v4, vm0, $0xb8;
	[tilespmem:$0x8400] =	vst v63  }
0x228: {  	_ = 	snop  }
0x229: {  	[tilespmem:s15], [sflag:$0x1] =	stream.indirect_vreg.gather [hbm4b:s3+s2], $0x80, v3, vm0, $0xb8;
	[tilespmem:$0x8400] =	vst v63  }
0x22a: {  	v3 =	vld [tilespmem:$0x310];
	_ =	sdelay $0x4  }
0x22b: {  	v49 =	vshll.u32 v3, $0x1  }
0x22c: {  	v3 =	vand.u32 $0x7, v3;
	v4 =	vand.u32 $0xFFFFFFF0, v49  }
0x22d: {  	v3 =	vor.u32 v3, v4  }
0x22e: {  	v4 =	vperm.xlane v3, v0;
	_ =	sdelay $0x1  }
0x22f: {  	v3 =	vperm.xlane v3, v2;
	v4 =	vadd.s32 v1, v4;
	_ =	sdelay $0x1  }
0x230: {  	v3 =	vadd.s32 v1, v3;
	_ =	sdelay $0x2  }
0x231: {  	[tilespmem:s16], [sflag:$0x1] =	stream.indirect_vreg.gather [hbm4b:s3+s2], $0x80, v4, vm0, $0xb8;
	[tilespmem:$0x8400] =	vst v63  }
0x232: {  	_ = 	snop  }
0x233: {  	[tilespmem:s17], [sflag:$0x1] =	stream.indirect_vreg.gather [hbm4b:s3+s2], $0x80, v3, vm0, $0xb8;
	[tilespmem:$0x8400] =	vst v63  }
0x234: {  	v3 =	vld [tilespmem:$0x320];
	_ =	sdelay $0x4  }
0x235: {  	v50 =	vshll.u32 v3, $0x1  }
0x236: {  	v3 =	vand.u32 $0x7, v3;
	v4 =	vand.u32 $0xFFFFFFF0, v50  }
0x237: {  	v3 =	vor.u32 v3, v4  }
0x238: {  	v4 =	vperm.xlane v3, v0;
	_ =	sdelay $0x1  }
0x239: {  	v3 =	vperm.xlane v3, v2;
	v4 =	vadd.s32 v1, v4;
	_ =	sdelay $0x1  }
0x23a: {  	v3 =	vadd.s32 v1, v3;
	_ =	sdelay $0x2  }
0x23b: {  	[tilespmem:s18], [sflag:$0x1] =	stream.indirect_vreg.gather [hbm4b:s3+s2], $0x80, v4, vm0, $0xb8;
	[tilespmem:$0x8400] =	vst v63  }
0x23c: {  	_ = 	snop  }
0x23d: {  	[tilespmem:s19], [sflag:$0x1] =	stream.indirect_vreg.gather [hbm4b:s3+s2], $0x80, v3, vm0, $0xb8;
	[tilespmem:$0x8400] =	vst v63  }
0x23e: {  	v3 =	vld [tilespmem:$0x330];
	_ =	sdelay $0x4  }
0x23f: {  	v51 =	vshll.u32 v3, $0x1  }
0x240: {  	v3 =	vand.u32 $0x7, v3;
	v4 =	vand.u32 $0xFFFFFFF0, v51  }
0x241: {  	v3 =	vor.u32 v3, v4  }
0x242: {  	v4 =	vperm.xlane v3, v0;
	_ =	sdelay $0x1  }
0x243: {  	v3 =	vperm.xlane v3, v2;
	v4 =	vadd.s32 v1, v4;
	_ =	sdelay $0x1  }
0x244: {  	v3 =	vadd.s32 v1, v3;
	_ =	sdelay $0x2  }
0x245: {  	[tilespmem:s20], [sflag:$0x1] =	stream.indirect_vreg.gather [hbm4b:s3+s2], $0x80, v4, vm0, $0xb8;
	[tilespmem:$0x8400] =	vst v63  }
0x246: {  	_ = 	snop  }
0x247: {  	[tilespmem:s21], [sflag:$0x1] =	stream.indirect_vreg.gather [hbm4b:s3+s2], $0x80, v3, vm0, $0xb8;
	[tilespmem:$0x8400] =	vst v63  }
0x248: {  	v3 =	vld [tilespmem:$0x340];
	_ =	sdelay $0x4  }
0x249: {  	v52 =	vshll.u32 v3, $0x1  }
0x24a: {  	v3 =	vand.u32 $0x7, v3;
	v4 =	vand.u32 $0xFFFFFFF0, v52  }
0x24b: {  	v3 =	vor.u32 v3, v4  }
0x24c: {  	v4 =	vperm.xlane v3, v0;
	_ =	sdelay $0x1  }
0x24d: {  	v3 =	vperm.xlane v3, v2;
	v4 =	vadd.s32 v1, v4;
	_ =	sdelay $0x1  }
0x24e: {  	v3 =	vadd.s32 v1, v3;
	_ =	sdelay $0x2  }
0x24f: {  	[tilespmem:s22], [sflag:$0x1] =	stream.indirect_vreg.gather [hbm4b:s3+s2], $0x80, v4, vm0, $0xb8;
	[tilespmem:$0x8400] =	vst v63  }
0x250: {  	_ = 	snop  }
0x251: {  	[tilespmem:s23], [sflag:$0x1] =	stream.indirect_vreg.gather [hbm4b:s3+s2], $0x80, v3, vm0, $0xb8;
	[tilespmem:$0x8400] =	vst v63  }
0x252: {  	v3 =	vld [tilespmem:$0x350];
	_ =	sdelay $0x4  }
0x253: {  	v53 =	vshll.u32 v3, $0x1  }
0x254: {  	v3 =	vand.u32 $0x7, v3;
	v4 =	vand.u32 $0xFFFFFFF0, v53  }
0x255: {  	v3 =	vor.u32 v3, v4  }
0x256: {  	v4 =	vperm.xlane v3, v0;
	_ =	sdelay $0x1  }
0x257: {  	v3 =	vperm.xlane v3, v2;
	v4 =	vadd.s32 v1, v4;
	_ =	sdelay $0x1  }
0x258: {  	v3 =	vadd.s32 v1, v3;
	_ =	sdelay $0x2  }
0x259: {  	[tilespmem:s24], [sflag:$0x1] =	stream.indirect_vreg.gather [hbm4b:s3+s2], $0x80, v4, vm0, $0xb8;
	[tilespmem:$0x8400] =	vst v63  }
0x25a: {  	_ = 	snop  }
0x25b: {  	[tilespmem:s25], [sflag:$0x1] =	stream.indirect_vreg.gather [hbm4b:s3+s2], $0x80, v3, vm0, $0xb8;
	[tilespmem:$0x8400] =	vst v63  }
0x25c: {  	v3 =	vld [tilespmem:$0x360];
	_ =	sdelay $0x4  }
0x25d: {  	v54 =	vshll.u32 v3, $0x1  }
0x25e: {  	v3 =	vand.u32 $0x7, v3;
	v4 =	vand.u32 $0xFFFFFFF0, v54  }
0x25f: {  	v3 =	vor.u32 v3, v4  }
0x260: {  	v4 =	vperm.xlane v3, v0;
	_ =	sdelay $0x1  }
0x261: {  	v3 =	vperm.xlane v3, v2;
	v4 =	vadd.s32 v1, v4;
	_ =	sdelay $0x1  }
0x262: {  	v3 =	vadd.s32 v1, v3;
	_ =	sdelay $0x2  }
0x263: {  	[tilespmem:s26], [sflag:$0x1] =	stream.indirect_vreg.gather [hbm4b:s3+s2], $0x80, v4, vm0, $0xb8;
	[tilespmem:$0x8400] =	vst v63  }
0x264: {  	_ = 	snop  }
0x265: {  	[tilespmem:s28], [sflag:$0x1] =	stream.indirect_vreg.gather [hbm4b:s3+s2], $0x80, v3, vm0, $0xb8;
	[tilespmem:$0x8400] =	vst v63  }
0x266: {  	v3 =	vld [tilespmem:$0x370];
	_ =	sdelay $0x4  }
0x267: {  	v55 =	vshll.u32 v3, $0x1  }
0x268: {  	v3 =	vand.u32 $0x7, v3;
	v4 =	vand.u32 $0xFFFFFFF0, v55  }
0x269: {  	v3 =	vor.u32 v3, v4  }
0x26a: {  	v4 =	vperm.xlane v3, v0;
	_ =	sdelay $0x1  }
0x26b: {  	v3 =	vperm.xlane v3, v2;
	v4 =	vadd.s32 v1, v4;
	_ =	sdelay $0x1  }
0x26c: {  	v3 =	vadd.s32 v1, v3;
	_ =	sdelay $0x2  }
0x26d: {  	[tilespmem:s29], [sflag:$0x1] =	stream.indirect_vreg.gather [hbm4b:s3+s2], $0x80, v4, vm0, $0xb8;
	[tilespmem:$0x8400] =	vst v63  }
0x26e: {  	_ = 	snop  }
0x26f: {  	[tilespmem:s30], [sflag:$0x1] =	stream.indirect_vreg.gather [hbm4b:s3+s2], $0x80, v3, vm0, $0xb8;
	[tilespmem:$0x8400] =	vst v63  }
0x270: {  	_ =	swait.ge [sflag:s31], $0x8000  }
0x271: {  	[sflag:s31] =	ssyncset.done $0x0  }
0x272: {  	[sflag:s31] =	ssyncadd.s32 $0xFFFF8000  }
0x273: {  	[hbm4b:s10+s2] =	stream.linear.scatter [tilespmem:s14], [sflag:$0x2], $0x8000, $0x38;
	[tilespmem:$0x8400] =	vst v63  }
0x274: {  	_ =	swait.ge [sflag:s13], $0x8000  }
0x275: {  	[sflag:s13] =	ssyncset.done $0x0  }
0x276: {  	[sflag:s13] =	ssyncadd.s32 $0xFFFF8000  }
0x277: {  	v3 =	vld [tilespmem:$0x380];
	_ =	sdelay $0x4  }
0x278: {  	v56 =	vshll.u32 v3, $0x1  }
0x279: {  	v3 =	vand.u32 $0x7, v3;
	v4 =	vand.u32 $0xFFFFFFF0, v56  }
0x27a: {  	v3 =	vor.u32 v3, v4  }
0x27b: {  	v4 =	vperm.xlane v3, v0;
	_ =	sdelay $0x1  }
0x27c: {  	v3 =	vperm.xlane v3, v2;
	v4 =	vadd.s32 v1, v4;
	_ =	sdelay $0x1  }
0x27d: {  	v3 =	vadd.s32 v1, v3;
	_ =	sdelay $0x2  }
0x27e: {  	[tilespmem:s14], [sflag:$0x1] =	stream.indirect_vreg.gather [hbm4b:s3+s2], $0x80, v4, vm0, $0xb8;
	[tilespmem:$0x8400] =	vst v63  }
0x27f: {  	_ = 	snop  }
0x280: {  	[tilespmem:s15], [sflag:$0x1] =	stream.indirect_vreg.gather [hbm4b:s3+s2], $0x80, v3, vm0, $0xb8;
	[tilespmem:$0x8400] =	vst v63  }
0x281: {  	v3 =	vld [tilespmem:$0x390];
	_ =	sdelay $0x4  }
0x282: {  	v57 =	vshll.u32 v3, $0x1  }
0x283: {  	v3 =	vand.u32 $0x7, v3;
	v4 =	vand.u32 $0xFFFFFFF0, v57  }
0x284: {  	v3 =	vor.u32 v3, v4  }
0x285: {  	v4 =	vperm.xlane v3, v0;
	_ =	sdelay $0x1  }
0x286: {  	v3 =	vperm.xlane v3, v2;
	v4 =	vadd.s32 v1, v4;
	_ =	sdelay $0x1  }
0x287: {  	v3 =	vadd.s32 v1, v3;
	_ =	sdelay $0x2  }
0x288: {  	[tilespmem:s16], [sflag:$0x1] =	stream.indirect_vreg.gather [hbm4b:s3+s2], $0x80, v4, vm0, $0xb8;
	[tilespmem:$0x8400] =	vst v63  }
0x289: {  	_ = 	snop  }
0x28a: {  	[tilespmem:s17], [sflag:$0x1] =	stream.indirect_vreg.gather [hbm4b:s3+s2], $0x80, v3, vm0, $0xb8;
	[tilespmem:$0x8400] =	vst v63  }
0x28b: {  	v3 =	vld [tilespmem:$0x3A0];
	_ =	sdelay $0x4  }
0x28c: {  	v58 =	vshll.u32 v3, $0x1  }
0x28d: {  	v3 =	vand.u32 $0x7, v3;
	v4 =	vand.u32 $0xFFFFFFF0, v58  }
0x28e: {  	v3 =	vor.u32 v3, v4  }
0x28f: {  	v4 =	vperm.xlane v3, v0;
	_ =	sdelay $0x1  }
0x290: {  	v3 =	vperm.xlane v3, v2;
	v4 =	vadd.s32 v1, v4;
	_ =	sdelay $0x1  }
0x291: {  	v3 =	vadd.s32 v1, v3;
	_ =	sdelay $0x2  }
0x292: {  	[tilespmem:s18], [sflag:$0x1] =	stream.indirect_vreg.gather [hbm4b:s3+s2], $0x80, v4, vm0, $0xb8;
	[tilespmem:$0x8400] =	vst v63  }
0x293: {  	_ = 	snop  }
0x294: {  	[tilespmem:s19], [sflag:$0x1] =	stream.indirect_vreg.gather [hbm4b:s3+s2], $0x80, v3, vm0, $0xb8;
	[tilespmem:$0x8400] =	vst v63  }
0x295: {  	v3 =	vld [tilespmem:$0x3B0];
	_ =	sdelay $0x4  }
0x296: {  	v59 =	vshll.u32 v3, $0x1  }
0x297: {  	v3 =	vand.u32 $0x7, v3;
	v4 =	vand.u32 $0xFFFFFFF0, v59  }
0x298: {  	v3 =	vor.u32 v3, v4  }
0x299: {  	v4 =	vperm.xlane v3, v0;
	_ =	sdelay $0x1  }
0x29a: {  	v3 =	vperm.xlane v3, v2;
	v4 =	vadd.s32 v1, v4;
	_ =	sdelay $0x1  }
0x29b: {  	v3 =	vadd.s32 v1, v3;
	_ =	sdelay $0x2  }
0x29c: {  	[tilespmem:s20], [sflag:$0x1] =	stream.indirect_vreg.gather [hbm4b:s3+s2], $0x80, v4, vm0, $0xb8;
	[tilespmem:$0x8400] =	vst v63  }
0x29d: {  	_ = 	snop  }
0x29e: {  	[tilespmem:s21], [sflag:$0x1] =	stream.indirect_vreg.gather [hbm4b:s3+s2], $0x80, v3, vm0, $0xb8;
	[tilespmem:$0x8400] =	vst v63  }
0x29f: {  	v3 =	vld [tilespmem:$0x3C0];
	_ =	sdelay $0x4  }
0x2a0: {  	v60 =	vshll.u32 v3, $0x1  }
0x2a1: {  	v3 =	vand.u32 $0x7, v3;
	v4 =	vand.u32 $0xFFFFFFF0, v60  }
0x2a2: {  	v3 =	vor.u32 v3, v4  }
0x2a3: {  	v4 =	vperm.xlane v3, v0;
	_ =	sdelay $0x1  }
0x2a4: {  	v3 =	vperm.xlane v3, v2;
	v4 =	vadd.s32 v1, v4;
	_ =	sdelay $0x1  }
0x2a5: {  	v3 =	vadd.s32 v1, v3;
	_ =	sdelay $0x2  }
0x2a6: {  	[tilespmem:s22], [sflag:$0x1] =	stream.indirect_vreg.gather [hbm4b:s3+s2], $0x80, v4, vm0, $0xb8;
	[tilespmem:$0x8400] =	vst v63  }
0x2a7: {  	_ = 	snop  }
0x2a8: {  	[tilespmem:s23], [sflag:$0x1] =	stream.indirect_vreg.gather [hbm4b:s3+s2], $0x80, v3, vm0, $0xb8;
	[tilespmem:$0x8400] =	vst v63  }
0x2a9: {  	v3 =	vld [tilespmem:$0x3D0];
	_ =	sdelay $0x4  }
0x2aa: {  	v61 =	vshll.u32 v3, $0x1  }
0x2ab: {  	v3 =	vand.u32 $0x7, v3;
	v4 =	vand.u32 $0xFFFFFFF0, v61  }
0x2ac: {  	v3 =	vor.u32 v3, v4  }
0x2ad: {  	v4 =	vperm.xlane v3, v0;
	_ =	sdelay $0x1  }
0x2ae: {  	v3 =	vperm.xlane v3, v2;
	v4 =	vadd.s32 v1, v4;
	_ =	sdelay $0x1  }
0x2af: {  	v3 =	vadd.s32 v1, v3;
	_ =	sdelay $0x2  }
0x2b0: {  	[tilespmem:s24], [sflag:$0x1] =	stream.indirect_vreg.gather [hbm4b:s3+s2], $0x80, v4, vm0, $0xb8;
	[tilespmem:$0x8400] =	vst v63  }
0x2b1: {  	_ = 	snop  }
0x2b2: {  	[tilespmem:s25], [sflag:$0x1] =	stream.indirect_vreg.gather [hbm4b:s3+s2], $0x80, v3, vm0, $0xb8;
	[tilespmem:$0x8400] =	vst v63  }
0x2b3: {  	v3 =	vld [tilespmem:$0x3E0];
	_ =	sdelay $0x4  }
0x2b4: {  	v62 =	vshll.u32 v3, $0x1  }
0x2b5: {  	v3 =	vand.u32 $0x7, v3;
	v4 =	vand.u32 $0xFFFFFFF0, v62  }
0x2b6: {  	v3 =	vor.u32 v3, v4  }
0x2b7: {  	v4 =	vperm.xlane v3, v0;
	_ =	sdelay $0x1  }
0x2b8: {  	v3 =	vperm.xlane v3, v2;
	v4 =	vadd.s32 v1, v4;
	_ =	sdelay $0x1  }
0x2b9: {  	v3 =	vadd.s32 v1, v3;
	_ =	sdelay $0x2  }
0x2ba: {  	[tilespmem:s26], [sflag:$0x1] =	stream.indirect_vreg.gather [hbm4b:s3+s2], $0x80, v4, vm0, $0xb8;
	[tilespmem:$0x8400] =	vst v63  }
0x2bb: {  	_ = 	snop  }
0x2bc: {  	[tilespmem:s28], [sflag:$0x1] =	stream.indirect_vreg.gather [hbm4b:s3+s2], $0x80, v3, vm0, $0xb8;
	[tilespmem:$0x8400] =	vst v63  }
0x2bd: {  	v3 =	vld [tilespmem:$0x3F0];
	_ =	sdelay $0x4  }
0x2be: {  	v63 =	vshll.u32 v3, $0x1  }
0x2bf: {  	v3 =	vand.u32 $0x7, v3;
	v4 =	vand.u32 $0xFFFFFFF0, v63  }
0x2c0: {  	v3 =	vor.u32 v3, v4  }
0x2c1: {  	v4 =	vperm.xlane v3, v0;
	_ =	sdelay $0x1  }
0x2c2: {  	v3 =	vperm.xlane v3, v2;
	v4 =	vadd.s32 v1, v4;
	_ =	sdelay $0x1  }
0x2c3: {  	v3 =	vadd.s32 v1, v3;
	_ =	sdelay $0x2  }
0x2c4: {  	[tilespmem:s29], [sflag:$0x1] =	stream.indirect_vreg.gather [hbm4b:s3+s2], $0x80, v4, vm0, $0xb8;
	[tilespmem:$0x8400] =	vst v63  }
0x2c5: {  	_ = 	snop  }
0x2c6: {  	[tilespmem:s30], [sflag:$0x1] =	stream.indirect_vreg.gather [hbm4b:s3+s2], $0x80, v3, vm0, $0xb8;
	[tilespmem:$0x8400] =	vst v63  }
0x2c7: {  	_ =	swait.ge [sflag:s31], $0x8000  }
0x2c8: {  	p0 =	sne.s32 s12, $0x1;
	[sflag:s31] =	ssyncset.done $0x0  }
.Ltmp0:
0x2c9: {  	[sflag:s31] =	ssyncadd.s32 $0xFFFF8000;
	(pc) =	sbr.rel @p0 .LBB2_1-.Ltmp0, $4  }
0x2ca: {  	[hbm4b:s11+s2] =	stream.linear.scatter [tilespmem:s14], [sflag:$0x2], $0x8000, $0x38;
	[tilespmem:$0x8400] =	vst v63  }
0x2cb: {  	_ =	swait.ge [sflag:s13], $0x8000  }
0x2cc: {  	[sflag:s13] =	ssyncset.done $0x0  }
0x2cd: {  	s12 =	sadd.s32 $0xFFFFFFFF, s12;
	[sflag:s13] =	ssyncadd.s32 $0xFFFF8000  }
0x2ce: {  	_ =	sfence.sel $0x180000  }
0x2cf: {  	[bflag:$0x0] =	sbarrier.arrive $0xFFFF  }
0x2d0: {  	_ =	strace $0x90000047  }
0x2d1: {  	[bflag:$0x2] =	sbarrier.arrive $0xFFFF  }
0x2d2: {  	p0 =	sne.s32 s1, $0x0;
	s0 =	rddreg [dreg:$0x2]  }
0x2d3: {  	s0 =	sadd.s32 @!p0 $0x100000, s0  }
0x2d4: {  	[sflag:s0] =	ssyncadd.tile.s32 @!p0 $0x1;
	_ =	shalt  }
.Lfunc_end2:
_tile_overlayer_lowered:
.L_overlay_start_2:
0x2d5: {  	(tag) =	ssettag $0x2  }
0x2d6: {  	s0 =	rddreg [dreg:$0x0];
	s2 =	stileid.u32  }
0x2d7: {  	s1 =	rddreg [dreg:$0x1];
	p0 =	sne.s32 s2, $0x0  }
0x2d8: {  	s3 =	rddreg [dreg:$0x2];
	[bflag:$0x3] =	sbarrier.arrive $0xFFFF;
	s2 =	simm.s32 @!p0 $0x1C02  }
0x2d9: {  	[timem:s3], [sflag:s2] =	dma.local @!p0 [hbm:s0], s1  }
0x2da: {  	s0 =	simm.s32 @!p0 $0x2  }
0x2db: {  	_ =	swait.ge @!p0 [sflag:s0], s1  }
0x2dc: {  	s1 =	ssub.s32 @!p0 $0x0, s1;
	[sflag:s0] =	ssyncset.done @!p0 $0x0  }
0x2dd: {  	[sflag:s0] =	ssyncadd.s32 @!p0 s1  }
0x2de: {  	[bflag:$0x3] =	sbarrier.arrive $0xFFFF  }
0x2df: {  	_ =	shalt  }

// kernel: kernel.14.cloned.1.call-start
scs
__scs_entry_jumppad:
0x0: {  	(pc) =	sbr.rel $0x88, $3  }
0x1: {  	(tag) =	ssettag $0x0;
	lr =	simm.s32 $0x1  }
0x2: {  	[smem:$0x3F9B] =	sst lr;
	_ =	strace $0xD0000000  }
0x3: {  	_ = 	snop  }
0x4: {  	_ = 	snop  }
0x5: {  	_ = 	snop  }
0x6: {  	_ = 	snop  }
0x7: {  	_ = 	snop  }
__scs_overlays_trampoline_lowered:
0x8: {  	[smem:$0x3FAA] =	sst s0  }
0x9: {  	[smem:$0x3FAB] =	sst s1  }
0xa: {  	[smem:$0x3FAC] =	sst s2  }
0xb: {  	[smem:$0x3FAD] =	sst s3  }
0xc: {  	[smem:$0x3FAE] =	sst s4  }
0xd: {  	[smem:$0x3FAF] =	sst s5  }
0xe: {  	[smem:$0x3FB0] =	sst s6  }
0xf: {  	[smem:$0x3FB1] =	sst s7  }
0x10: {  	[smem:$0x3FB2] =	sst s8  }
0x11: {  	[smem:$0x3FB3] =	sst s9;
	s0 =	simm.s32 @!p0 $0x0  }
0x12: {  	s1 =	sld [smem:$0x3F99];
	s0 =	simm.s32 @p0 $0x1  }
0x13: {  	[smem:$0x3FB4] =	sst s0;
	s0 =	simm.s32 @!p1 $0x0  }
0x14: {  	s2 =	sld [smem:$0x3F98];
	s0 =	simm.s32 @p1 $0x1  }
0x15: {  	[smem:$0x3FB5] =	sst s0;
	s0 =	simm.s32 @!p2 $0x0  }
0x16: {  	s3 =	sld [smem:$0x3FDB];
	s0 =	simm.s32 @p2 $0x1  }
0x17: {  	s4 =	simm.s32 $0x1BF5;
	[smem:$0x3FB7] =	sst s0  }
0x18: {  	s0 =	sld [smem:$0x3F9A];
	_ =	swait.ge [sflag:s4], $0x0  }
0x19: {  	s7 =	sld [smem:$0x3F9B]  }
0x1a: {  	s8 =	sadd.s32 $0xFFFFE003, lr  }
0x1b: {  	s9 =	sadd.s32 $0xFFFFFEF7, lr;
	s5 =	simm.s32 $0xFFFFFFFF;
	p2 =	slt.u32 s8, $0xFFFFF086  }
0x1c: {  	p1 =	slt.u32 s9, $0xF7A;
	s5 =	simm.s32 @!p2 $0x0  }
0x1d: {  	s5 =	simm.s32 @p1 $0x1;
	p0 =	seq.s32 s7, s2  }
0x1e: {  	s7 =	smul.u32 @!p0 $0xF7A, s2;
	p2 =	seq.s32 @!p0 s5, $0x0  }
0x1f: {  	s9 =	smul.u32 $0xF7A, s1;
	s8 =	simm.s32 @!p0 $0x1BF5;
	p2 =	por !p2, p0  }
0x20: {  	[sflag:s8] =	ssyncset.s32 @!p0 $0xFFFFF086;
	s6 =	sadd.s32 @!p0 s3, s7;
	s7 =	simm.s32 @!p0 $0x108  }
0x21: {  	s3 =	sadd.s32 s3, s9;
	s6 =	sadd.s32 @!p0 $0x88, s6;
	s7 =	simm.s32 @p2 $0x1082  }
0x22: {  	[simem:s7], [sflag:s8] =	dma.local @!p0 [hbm:s6], $0xF7A  }
0x23: {  	s9 =	sor.u32 $0xD0000000, s2;
	s6 =	simm.s32 $0x108;
	_ =	swait.ge @!p0 [sflag:s8], $0x0  }
0x24: {  	s3 =	sadd.s32 $0x88, s3;
	s6 =	simm.s32 @!p1 $0x1082;
	[sflag:s4] =	ssyncset.s32 $0xFFFFF086  }
0x25: {  	[simem:s6], [sflag:s4] =	dma.local [hbm:s3], $0xF7A  }
0x26: {  	[smem:$0x3F9B] =	sst s1;
	(tag) =	ssettag s2;
	_ =	strace s9  }
0x27: {  	s1 =	sld [smem:$0x3FAB]  }
0x28: {  	s2 =	sld [smem:$0x3FAC]  }
0x29: {  	s4 =	sld [smem:$0x3FAE]  }
0x2a: {  	p0 =	seq.s32 s5, $0x0;
	s5 =	sld [smem:$0x3FAF]  }
0x2b: {  	s6 =	sld [smem:$0x3FB0]  }
0x2c: {  	s7 =	sld [smem:$0x3FB1]  }
0x2d: {  	s3 =	simm.s32 $0x108;
	s8 =	sld [smem:$0x3FB2]  }
0x2e: {  	s3 =	simm.s32 @!p0 $0x1082;
	s9 =	sld [smem:$0x3FB3]  }
0x2f: {  	lr =	sadd.s32 s0, s3;
	s0 =	sld [smem:$0x3FAA]  }
0x30: {  	s3 =	sld [smem:$0x3FAD]  }
0x31: {  	[smem:$0x3FB6] =	sst s10  }
0x32: {  	s10 =	sld [smem:$0x3FB4];
	_ =	sdelay $0x3  }
0x33: {  	p0 =	seq.s32 s10, $0x1;
	s10 =	sld [smem:$0x3FB6];
	_ =	sdelay $0x3  }
0x34: {  	[smem:$0x3FB6] =	sst s10  }
0x35: {  	s10 =	sld [smem:$0x3FB5];
	_ =	sdelay $0x3  }
0x36: {  	p1 =	seq.s32 s10, $0x1;
	s10 =	sld [smem:$0x3FB6];
	_ =	sdelay $0x3  }
0x37: {  	[smem:$0x3FB6] =	sst s10  }
0x38: {  	s10 =	sld [smem:$0x3FB7]  }
0x39: {  	_ = 	snop;
	(pc) =	sbr.ind lr, $3  }
0x3a: {  	_ = 	snop  }
0x3b: {  	_ = 	snop  }
0x3c: {  	p2 =	seq.s32 s10, $0x1;
	s10 =	sld [smem:$0x3FB6]  }
0x3d: {  	_ =	shalt  }
0x3e: {  	_ =	shalt  }
0x3f: {  	_ =	shalt  }
0x40: {  	_ =	shalt  }
0x41: {  	_ =	shalt  }
0x42: {  	_ =	shalt  }
0x43: {  	_ =	shalt  }
0x44: {  	_ =	shalt  }
0x45: {  	_ =	shalt  }
0x46: {  	_ =	shalt  }
0x47: {  	_ =	shalt  }
0x48: {  	_ =	shalt  }
0x49: {  	_ =	shalt  }
0x4a: {  	_ =	shalt  }
0x4b: {  	_ =	shalt  }
0x4c: {  	_ =	shalt  }
0x4d: {  	_ =	shalt  }
0x4e: {  	_ =	shalt  }
0x4f: {  	_ =	shalt  }
0x50: {  	_ =	shalt  }
0x51: {  	_ =	shalt  }
0x52: {  	_ =	shalt  }
0x53: {  	_ =	shalt  }
0x54: {  	_ =	shalt  }
0x55: {  	_ =	shalt  }
0x56: {  	_ =	shalt  }
0x57: {  	_ =	shalt  }
0x58: {  	_ =	shalt  }
0x59: {  	_ =	shalt  }
0x5a: {  	_ =	shalt  }
0x5b: {  	_ =	shalt  }
0x5c: {  	_ =	shalt  }
0x5d: {  	_ =	shalt  }
0x5e: {  	_ =	shalt  }
0x5f: {  	_ =	shalt  }
0x60: {  	_ =	shalt  }
0x61: {  	_ =	shalt  }
0x62: {  	_ =	shalt  }
0x63: {  	_ =	shalt  }
0x64: {  	_ =	shalt  }
0x65: {  	_ =	shalt  }
0x66: {  	_ =	shalt  }
0x67: {  	_ =	shalt  }
0x68: {  	_ =	shalt  }
0x69: {  	_ =	shalt  }
0x6a: {  	_ =	shalt  }
0x6b: {  	_ =	shalt  }
0x6c: {  	_ =	shalt  }
0x6d: {  	_ =	shalt  }
0x6e: {  	_ =	shalt  }
0x6f: {  	_ =	shalt  }
0x70: {  	_ =	shalt  }
0x71: {  	_ =	shalt  }
0x72: {  	_ =	shalt  }
0x73: {  	_ =	shalt  }
0x74: {  	_ =	shalt  }
0x75: {  	_ =	shalt  }
0x76: {  	_ =	shalt  }
0x77: {  	_ =	shalt  }
0x78: {  	_ =	shalt  }
0x79: {  	_ =	shalt  }
0x7a: {  	_ =	shalt  }
0x7b: {  	_ =	shalt  }
0x7c: {  	_ =	shalt  }
0x7d: {  	_ =	shalt  }
0x7e: {  	_ =	shalt  }
0x7f: {  	_ =	shalt  }
0x80: {  	_ =	shalt  }
0x81: {  	_ =	shalt  }
0x82: {  	_ =	shalt  }
0x83: {  	_ =	shalt  }
0x84: {  	_ =	shalt  }
0x85: {  	_ =	shalt  }
0x86: {  	_ =	shalt  }
0x87: {  	_ =	shalt  }
.Lfunc_end0:
.L_simem_size_0:
called_computation.1_lowered:
.L_overlay_start_0:
0x88: {  	s2 =	sld [smem:$0x3FD9]  }
0x89: {  	s3 =	sld [smem:$0x3FFE];
	_ =	sdelay $0x1  }
0x8a: {  	s1 =	srdreg.scid  }
0x8b: {  	s0 =	sand.u32 $0x1, s1  }
0x8c: {  	s14 =	sshll.u32 s0, $0xA;
	s2 =	sadd.s32 s3, s2  }
0x8d: {  	s2 =	sadd.s32 s2, s14  }
0x8e: {  	[smem:$0x3FC2] =	sst s2  }
0x8f: {  	_ = 	snop  }
0x90: {  	s2 =	sld [smem:$0x3FD0];
	_ =	sdelay $0x2  }
0x91: {  	s15 =	simm.s32 $0xA;
	s4 =	simm.s32 $0x10  }
0x92: {  	[smem:s4], [sflag:s15] =	dma.local [hbm:s2], $0x1  }
0x93: {  	_ =	swait.eq [sflag:s15], $0x1  }
0x94: {  	[sflag:s15] =	ssyncset.done $0x0  }
0x95: {  	[sflag:s15] =	ssyncadd.s32 $0xFFFFFFFF  }
0x96: {  	s16 =	sld [smem:$0x10];
	(tm) =	ssettm $0x1  }
0x97: {  	s17 =	sld [smem:$0x3FFB];
	_ =	sdelay $0x3  }
0x98: {  	_ =	strace s17  }
0x99: {  	s3 =	sld [smem:$0x3FFC];
	_ =	sdelay $0x3  }
0x9a: {  	_ =	strace s3  }
0x9b: {  	s3 =	sld [smem:$0x3FFD];
	_ =	sdelay $0x3  }
0x9c: {  	_ =	strace s3  }
0x9d: {  	_ =	strace $0x8FFFFFFF  }
0x9e: {  	s18 =	sld [smem:$0x3FDB];
	_ =	sdelay $0x1  }
0x9f: {  	s19 =	simm.s32 $_scs_section_size  }
0xa0: {  	s5 =	simm.s32 $_size__tile_overlayer_lowered;
	s6 =	simm.s32 $_tile_overlayer_lowered  }
0xa1: {  	s22 =	simm.s32 $0x1BFF;
	s21 =	sshll.u32 s6, $0x1;
	s3 =	sadd.s32 s19, s18  }
0xa2: {  	s7 =	simm.s32 $0x0;
	s20 =	sshll.u32 s5, $0x1;
	s5 =	sadd.s32 s21, s3  }
0xa3: {  	[timem:s7], [sflag:s22] =	dma.local [hbm:s5], s20  }
0xa4: {  	_ =	swait.ge [sflag:s22], s20  }
0xa5: {  	s4 =	ssub.s32 $0x0, s20;
	[sflag:s22] =	ssyncset.done $0x0  }
0xa6: {  	[sflag:s22] =	ssyncadd.s32 s4;
	_ =	sdelay $0x1  }
0xa7: {  	s23 =	simm.s32 $0x1B8B  }
0xa8: {  	_ =	swait.ge [sflag:s23], $0x1  }
0xa9: {  	[sflag:s23] =	ssyncset.done $0x0  }
0xaa: {  	s25 =	simm.s32 $0x1B8E;
	s24 =	sld [smem:$0x3FFE];
	[sflag:s23] =	ssyncadd.s32 $0xFFFFFFFF  }
0xab: {  	s26 =	simm.s32 $execute0_lowered;
	[smem:$0x3FD2] =	sst s25  }
0xac: {  	s5 =	sshll.u32 s26, $0x1;
	_ =	strace $0x80000049;
	[dreg:$0x1] =	wrdreg $0xFFFFFFFF  }
0xad: {  	s28 =	simm.s32 $_size_execute0_lowered;
	s3 =	sadd.s32 s3, s5;
	[dreg:$0x0] =	wrdreg $0x0  }
0xae: {  	s5 =	sshll.u32 s28, $0x1;
	[dreg:$0x2] =	wrdreg s3  }
0xaf: {  	[dreg:$0x3] =	wrdreg s5  }
0xb0: {  	[dreg:$0x4] =	wrdreg $0xC0  }
0xb1: {  	_ =	task [dreg:s7], $0x5FFFF  }
0xb2: {  	[dreg:$0x1] =	wrdreg $0xFFFFFFFF  }
0xb3: {  	[dreg:$0x0] =	wrdreg $0x60  }
0xb4: {  	[dreg:$0x2] =	wrdreg s16  }
0xb5: {  	[dreg:$0x3] =	wrdreg s24  }
0xb6: {  	[dreg:$0x4] =	wrdreg $0x9  }
0xb7: {  	_ =	task.clear_ibuf [dreg:s7], $0x5FFFF;
	_ =	strace $0x90000049  }
0xb8: {  	s29 =	simm.s32 $0x9;
	_ =	strace $0x8000004B  }
0xb9: {  	_ =	swait.ge [sflag:s29], $0x1  }
0xba: {  	[sflag:s29] =	ssyncadd.s32 $0xFFFFFFFF  }
0xbb: {  	_ =	strace $0x9000004B  }
0xbc: {  	_ =	sfence  }
0xbd: {  	s30 =	sld [smem:$0x0];
	_ =	sdelay $0x2  }
0xbe: {  	s31 =	sshll.u32 s1, $0xD;
	s1 =	sshrl.u32 s1, $0x2  }
0xbf: {  	s3 =	sand.u32 $0x4000, s31;
	s1 =	sadd.s32 s1, s30  }
0xc0: {  	s0 =	sor.u32 s3, s0;
	s1 =	sshll.u32 s1, $0x11  }
0xc1: {  	s0 =	sor.u32 s1, s0  }
0xc2: {  	s0 =	sadd.s32 $0x8F2B, s0  }
0xc3: {  	[sflag:s0] =	ssyncadd.remote.s32 $0x1  }
0xc4: {  	_ =	sfence.sel $0xFFFF  }
0xc5: {  	[dreg:$0x0] =	wrdreg $0xFFFFFFFF;
	(pc) =	sbr.abs _section_cstart, $3  }
0xc6: {  	[dreg:$0x1] =	wrdreg $0xFFFFFFFF  }
0xc7: {  	_ =	task.clear_ibuf [dreg:s7], $0x2FFFF;
	_ =	strace $0x9FFFFFFF  }
0xc8: {  	(tm) =	ssettm $0x7FFFFFFF  }
0xc9: {  	_ =	shalt  }
tec
execute0_lowered:
.L_overlay_start_1:
0x0: {  	(tag) =	ssettag $0x1  }
0x1: {  	s4 =	rddreg [dreg:$0x0]  }
0x2: {  	s5 =	rddreg [dreg:$0x1];
	s2 =	simm.s32 $0x0;
	s3 =	srdreg.scid  }
0x3: {  	s1 =	stileid.u32;
	s13 =	simm.s32 $0x2;
	s14 =	simm.s32 $0x400  }
0x4: {  	s15 =	simm.s32 $0xC00;
	s16 =	simm.s32 $0x1400;
	s17 =	simm.s32 $0x1C00  }
0x5: {  	s18 =	simm.s32 $0x2400;
	s19 =	simm.s32 $0x2C00;
	s20 =	simm.s32 $0x3400  }
0x6: {  	s21 =	simm.s32 $0x3C00;
	s22 =	simm.s32 $0x4400;
	s23 =	simm.s32 $0x4C00  }
0x7: {  	s24 =	simm.s32 $0x5400;
	s25 =	simm.s32 $0x5C00;
	s28 =	simm.s32 $0x6C00  }
0x8: {  	s29 =	simm.s32 $0x7400;
	s30 =	simm.s32 $0x7C00;
	s31 =	simm.s32 $0x1  }
0x9: {  	[smem:$0x7FF] =	sst s2;
	s6 =	sand.u32 $0x1, s3;
	s26 =	sshll.u32 s1, $0x1  }
0xa: {  	s3 =	sadd.s32 $0xA00, s5;
	_ =	strace $0x8000004A;
	s7 =	sor.u32 s6, s26  }
0xb: {  	s6 =	ssub.s32 $0x2, s6;
	s26 =	simm.s32 $0x6400;
	s8 =	sshll.u32 s7, $0x7  }
0xc: {  	s7 =	sshll.u32 s7, $0xF;
	s9 =	sshrl.u32 s6, $0x1;
	s4 =	sadd.s32 s4, s8  }
0xd: {  	s11 =	sadd.s32 s7, s5;
	s12 =	ssub.s32 s6, s9;
	[dreg:$0x3] =	wrdreg s4  }
0xe: {  	v2 =	vlaneseq.u32;
	s4 =	sadd.s32 $0x4EE00, s11;
	s5 =	sadd.s32 $0x4FE00, s11;
	s6 =	sadd.s32 $0x50E00, s11  }
0xf: {  	vm0 =	vmmov $0xffff;
	v1 =	vshrl.u32 v2, $0x3;
	s7 =	sadd.s32 $0x51E00, s11;
	s8 =	sadd.s32 $0x52E00, s11;
	s9 =	sadd.s32 $0x53E00, s11  }
0x10: {  	v0 =	vand.u32 $0x7, v2;
	v2 =	vor.u32 $0x8, v2;
	v1 =	vmul.u32 $0x8, v1;
	s10 =	sadd.s32 $0x54E00, s11;
	s11 =	sadd.s32 $0x55E00, s11;
	s12 =	smax.u32 s12, $0x1  }
.LBB2_1:
0x11: {  	s0 =	rddreg [dreg:$0x3]  }
0x12: {  	[tilespmem:s2], [sflag:$0x2] =	stream.linear.gather [hbm4b:s0+s2], $0x400, $0x38;
	[tilespmem:$0x8400] =	vst v63  }
0x13: {  	_ =	swait.ge [sflag:s13], $0x400  }
0x14: {  	[sflag:s13] =	ssyncset.done $0x0  }
0x15: {  	[sflag:s13] =	ssyncadd.s32 $0xFFFFFC00  }
0x16: {  	v3 =	vld [tilespmem:$0x0];
	_ =	sdelay $0x4  }
0x17: {  	v4 =	vshll.u32 v3, $0x1  }
0x18: {  	v3 =	vand.u32 $0x7, v3;
	v4 =	vand.u32 $0xFFFFFFF0, v4  }
0x19: {  	v3 =	vor.u32 v3, v4  }
0x1a: {  	v4 =	vperm.xlane v3, v0;
	_ =	sdelay $0x1  }
0x1b: {  	v3 =	vperm.xlane v3, v2;
	v4 =	vadd.s32 v1, v4;
	_ =	sdelay $0x1  }
0x1c: {  	v3 =	vadd.s32 v1, v3;
	_ =	sdelay $0x2  }
0x1d: {  	[tilespmem:s14], [sflag:$0x1] =	stream.indirect_vreg.gather [hbm4b:s3+s2], $0x80, v4, vm0, $0xb8;
	[tilespmem:$0x8400] =	vst v63  }
0x1e: {  	_ = 	snop  }
0x1f: {  	[tilespmem:s15], [sflag:$0x1] =	stream.indirect_vreg.gather [hbm4b:s3+s2], $0x80, v3, vm0, $0xb8;
	[tilespmem:$0x8400] =	vst v63  }
0x20: {  	v3 =	vld [tilespmem:$0x10];
	_ =	sdelay $0x4  }
0x21: {  	v57 =	vshll.u32 v3, $0x1  }
0x22: {  	v3 =	vand.u32 $0x7, v3;
	v4 =	vand.u32 $0xFFFFFFF0, v57  }
0x23: {  	v3 =	vor.u32 v3, v4  }
0x24: {  	v4 =	vperm.xlane v3, v0;
	_ =	sdelay $0x1  }
0x25: {  	v3 =	vperm.xlane v3, v2;
	v4 =	vadd.s32 v1, v4;
	_ =	sdelay $0x1  }
0x26: {  	v3 =	vadd.s32 v1, v3;
	_ =	sdelay $0x2  }
0x27: {  	[tilespmem:s16], [sflag:$0x1] =	stream.indirect_vreg.gather [hbm4b:s3+s2], $0x80, v4, vm0, $0xb8;
	[tilespmem:$0x8400] =	vst v63  }
0x28: {  	_ = 	snop  }
0x29: {  	[tilespmem:s17], [sflag:$0x1] =	stream.indirect_vreg.gather [hbm4b:s3+s2], $0x80, v3, vm0, $0xb8;
	[tilespmem:$0x8400] =	vst v63  }
0x2a: {  	v3 =	vld [tilespmem:$0x20];
	_ =	sdelay $0x4  }
0x2b: {  	v58 =	vshll.u32 v3, $0x1  }
0x2c: {  	v3 =	vand.u32 $0x7, v3;
	v4 =	vand.u32 $0xFFFFFFF0, v58  }
0x2d: {  	v3 =	vor.u32 v3, v4  }
0x2e: {  	v4 =	vperm.xlane v3, v0;
	_ =	sdelay $0x1  }
0x2f: {  	v3 =	vperm.xlane v3, v2;
	v4 =	vadd.s32 v1, v4;
	_ =	sdelay $0x1  }
0x30: {  	v3 =	vadd.s32 v1, v3;
	_ =	sdelay $0x2  }
0x31: {  	[tilespmem:s18], [sflag:$0x1] =	stream.indirect_vreg.gather [hbm4b:s3+s2], $0x80, v4, vm0, $0xb8;
	[tilespmem:$0x8400] =	vst v63  }
0x32: {  	_ = 	snop  }
0x33: {  	[tilespmem:s19], [sflag:$0x1] =	stream.indirect_vreg.gather [hbm4b:s3+s2], $0x80, v3, vm0, $0xb8;
	[tilespmem:$0x8400] =	vst v63  }
0x34: {  	v3 =	vld [tilespmem:$0x30];
	_ =	sdelay $0x4  }
0x35: {  	v59 =	vshll.u32 v3, $0x1  }
0x36: {  	v3 =	vand.u32 $0x7, v3;
	v4 =	vand.u32 $0xFFFFFFF0, v59  }
0x37: {  	v3 =	vor.u32 v3, v4  }
0x38: {  	v4 =	vperm.xlane v3, v0;
	_ =	sdelay $0x1  }
0x39: {  	v3 =	vperm.xlane v3, v2;
	v4 =	vadd.s32 v1, v4;
	_ =	sdelay $0x1  }
0x3a: {  	v3 =	vadd.s32 v1, v3;
	_ =	sdelay $0x2  }
0x3b: {  	[tilespmem:s20], [sflag:$0x1] =	stream.indirect_vreg.gather [hbm4b:s3+s2], $0x80, v4, vm0, $0xb8;
	[tilespmem:$0x8400] =	vst v63  }
0x3c: {  	_ = 	snop  }
0x3d: {  	[tilespmem:s21], [sflag:$0x1] =	stream.indirect_vreg.gather [hbm4b:s3+s2], $0x80, v3, vm0, $0xb8;
	[tilespmem:$0x8400] =	vst v63  }
0x3e: {  	v3 =	vld [tilespmem:$0x40];
	_ =	sdelay $0x4  }
0x3f: {  	v60 =	vshll.u32 v3, $0x1  }
0x40: {  	v3 =	vand.u32 $0x7, v3;
	v4 =	vand.u32 $0xFFFFFFF0, v60  }
0x41: {  	v3 =	vor.u32 v3, v4  }
0x42: {  	v4 =	vperm.xlane v3, v0;
	_ =	sdelay $0x1  }
0x43: {  	v3 =	vperm.xlane v3, v2;
	v4 =	vadd.s32 v1, v4;
	_ =	sdelay $0x1  }
0x44: {  	v3 =	vadd.s32 v1, v3;
	_ =	sdelay $0x2  }
0x45: {  	[tilespmem:s22], [sflag:$0x1] =	stream.indirect_vreg.gather [hbm4b:s3+s2], $0x80, v4, vm0, $0xb8;
	[tilespmem:$0x8400] =	vst v63  }
0x46: {  	_ = 	snop  }
0x47: {  	[tilespmem:s23], [sflag:$0x1] =	stream.indirect_vreg.gather [hbm4b:s3+s2], $0x80, v3, vm0, $0xb8;
	[tilespmem:$0x8400] =	vst v63  }
0x48: {  	v3 =	vld [tilespmem:$0x50];
	_ =	sdelay $0x4  }
0x49: {  	v61 =	vshll.u32 v3, $0x1  }
0x4a: {  	v3 =	vand.u32 $0x7, v3;
	v4 =	vand.u32 $0xFFFFFFF0, v61  }
0x4b: {  	v3 =	vor.u32 v3, v4  }
0x4c: {  	v4 =	vperm.xlane v3, v0;
	_ =	sdelay $0x1  }
0x4d: {  	v3 =	vperm.xlane v3, v2;
	v4 =	vadd.s32 v1, v4;
	_ =	sdelay $0x1  }
0x4e: {  	v3 =	vadd.s32 v1, v3;
	_ =	sdelay $0x2  }
0x4f: {  	[tilespmem:s24], [sflag:$0x1] =	stream.indirect_vreg.gather [hbm4b:s3+s2], $0x80, v4, vm0, $0xb8;
	[tilespmem:$0x8400] =	vst v63  }
0x50: {  	_ = 	snop  }
0x51: {  	[tilespmem:s25], [sflag:$0x1] =	stream.indirect_vreg.gather [hbm4b:s3+s2], $0x80, v3, vm0, $0xb8;
	[tilespmem:$0x8400] =	vst v63  }
0x52: {  	v3 =	vld [tilespmem:$0x60];
	_ =	sdelay $0x4  }
0x53: {  	v62 =	vshll.u32 v3, $0x1  }
0x54: {  	v3 =	vand.u32 $0x7, v3;
	v4 =	vand.u32 $0xFFFFFFF0, v62  }
0x55: {  	v3 =	vor.u32 v3, v4  }
0x56: {  	v4 =	vperm.xlane v3, v0;
	_ =	sdelay $0x1  }
0x57: {  	v3 =	vperm.xlane v3, v2;
	v4 =	vadd.s32 v1, v4;
	_ =	sdelay $0x1  }
0x58: {  	v3 =	vadd.s32 v1, v3;
	_ =	sdelay $0x2  }
0x59: {  	[tilespmem:s26], [sflag:$0x1] =	stream.indirect_vreg.gather [hbm4b:s3+s2], $0x80, v4, vm0, $0xb8;
	[tilespmem:$0x8400] =	vst v63  }
0x5a: {  	_ = 	snop  }
0x5b: {  	[tilespmem:s28], [sflag:$0x1] =	stream.indirect_vreg.gather [hbm4b:s3+s2], $0x80, v3, vm0, $0xb8;
	[tilespmem:$0x8400] =	vst v63  }
0x5c: {  	v3 =	vld [tilespmem:$0x70];
	_ =	sdelay $0x4  }
0x5d: {  	v63 =	vshll.u32 v3, $0x1  }
0x5e: {  	v3 =	vand.u32 $0x7, v3;
	v4 =	vand.u32 $0xFFFFFFF0, v63  }
0x5f: {  	v3 =	vor.u32 v3, v4  }
0x60: {  	v4 =	vperm.xlane v3, v0;
	_ =	sdelay $0x1  }
0x61: {  	v3 =	vperm.xlane v3, v2;
	v4 =	vadd.s32 v1, v4;
	_ =	sdelay $0x1  }
0x62: {  	v3 =	vadd.s32 v1, v3;
	_ =	sdelay $0x2  }
0x63: {  	[tilespmem:s29], [sflag:$0x1] =	stream.indirect_vreg.gather [hbm4b:s3+s2], $0x80, v4, vm0, $0xb8;
	[tilespmem:$0x8400] =	vst v63  }
0x64: {  	_ = 	snop  }
0x65: {  	[tilespmem:s30], [sflag:$0x1] =	stream.indirect_vreg.gather [hbm4b:s3+s2], $0x80, v3, vm0, $0xb8;
	[tilespmem:$0x8400] =	vst v63  }
0x66: {  	_ =	swait.ge [sflag:s31], $0x8000  }
0x67: {  	[sflag:s31] =	ssyncset.done $0x0  }
0x68: {  	[sflag:s31] =	ssyncadd.s32 $0xFFFF8000  }
0x69: {  	[hbm4b:s4+s2] =	stream.linear.scatter [tilespmem:s14], [sflag:$0x2], $0x8000, $0x38;
	[tilespmem:$0x8400] =	vst v63  }
0x6a: {  	_ =	swait.ge [sflag:s13], $0x8000  }
0x6b: {  	[sflag:s13] =	ssyncset.done $0x0  }
0x6c: {  	[sflag:s13] =	ssyncadd.s32 $0xFFFF8000  }
0x6d: {  	v3 =	vld [tilespmem:$0x80];
	_ =	sdelay $0x4  }
0x6e: {  	v8 =	vshll.u32 v3, $0x1  }
0x6f: {  	v3 =	vand.u32 $0x7, v3;
	v4 =	vand.u32 $0xFFFFFFF0, v8  }
0x70: {  	v3 =	vor.u32 v3, v4  }
0x71: {  	v4 =	vperm.xlane v3, v0;
	_ =	sdelay $0x1  }
0x72: {  	v3 =	vperm.xlane v3, v2;
	v4 =	vadd.s32 v1, v4;
	_ =	sdelay $0x1  }
0x73: {  	v3 =	vadd.s32 v1, v3;
	_ =	sdelay $0x2  }
0x74: {  	[tilespmem:s14], [sflag:$0x1] =	stream.indirect_vreg.gather [hbm4b:s3+s2], $0x80, v4, vm0, $0xb8;
	[tilespmem:$0x8400] =	vst v63  }
0x75: {  	_ = 	snop  }
0x76: {  	[tilespmem:s15], [sflag:$0x1] =	stream.indirect_vreg.gather [hbm4b:s3+s2], $0x80, v3, vm0, $0xb8;
	[tilespmem:$0x8400] =	vst v63  }
0x77: {  	v3 =	vld [tilespmem:$0x90];
	_ =	sdelay $0x4  }
0x78: {  	v9 =	vshll.u32 v3, $0x1  }
0x79: {  	v3 =	vand.u32 $0x7, v3;
	v4 =	vand.u32 $0xFFFFFFF0, v9  }
0x7a: {  	v3 =	vor.u32 v3, v4  }
0x7b: {  	v4 =	vperm.xlane v3, v0;
	_ =	sdelay $0x1  }
0x7c: {  	v3 =	vperm.xlane v3, v2;
	v4 =	vadd.s32 v1, v4;
	_ =	sdelay $0x1  }
0x7d: {  	v3 =	vadd.s32 v1, v3;
	_ =	sdelay $0x2  }
0x7e: {  	[tilespmem:s16], [sflag:$0x1] =	stream.indirect_vreg.gather [hbm4b:s3+s2], $0x80, v4, vm0, $0xb8;
	[tilespmem:$0x8400] =	vst v63  }
0x7f: {  	_ = 	snop  }
0x80: {  	[tilespmem:s17], [sflag:$0x1] =	stream.indirect_vreg.gather [hbm4b:s3+s2], $0x80, v3, vm0, $0xb8;
	[tilespmem:$0x8400] =	vst v63  }
0x81: {  	v3 =	vld [tilespmem:$0xA0];
	_ =	sdelay $0x4  }
0x82: {  	v10 =	vshll.u32 v3, $0x1  }
0x83: {  	v3 =	vand.u32 $0x7, v3;
	v4 =	vand.u32 $0xFFFFFFF0, v10  }
0x84: {  	v3 =	vor.u32 v3, v4  }
0x85: {  	v4 =	vperm.xlane v3, v0;
	_ =	sdelay $0x1  }
0x86: {  	v3 =	vperm.xlane v3, v2;
	v4 =	vadd.s32 v1, v4;
	_ =	sdelay $0x1  }
0x87: {  	v3 =	vadd.s32 v1, v3;
	_ =	sdelay $0x2  }
0x88: {  	[tilespmem:s18], [sflag:$0x1] =	stream.indirect_vreg.gather [hbm4b:s3+s2], $0x80, v4, vm0, $0xb8;
	[tilespmem:$0x8400] =	vst v63  }
0x89: {  	_ = 	snop  }
0x8a: {  	[tilespmem:s19], [sflag:$0x1] =	stream.indirect_vreg.gather [hbm4b:s3+s2], $0x80, v3, vm0, $0xb8;
	[tilespmem:$0x8400] =	vst v63  }
0x8b: {  	v3 =	vld [tilespmem:$0xB0];
	_ =	sdelay $0x4  }
0x8c: {  	v11 =	vshll.u32 v3, $0x1  }
0x8d: {  	v3 =	vand.u32 $0x7, v3;
	v4 =	vand.u32 $0xFFFFFFF0, v11  }
0x8e: {  	v3 =	vor.u32 v3, v4  }
0x8f: {  	v4 =	vperm.xlane v3, v0;
	_ =	sdelay $0x1  }
0x90: {  	v3 =	vperm.xlane v3, v2;
	v4 =	vadd.s32 v1, v4;
	_ =	sdelay $0x1  }
0x91: {  	v3 =	vadd.s32 v1, v3;
	_ =	sdelay $0x2  }
0x92: {  	[tilespmem:s20], [sflag:$0x1] =	stream.indirect_vreg.gather [hbm4b:s3+s2], $0x80, v4, vm0, $0xb8;
	[tilespmem:$0x8400] =	vst v63  }
0x93: {  	_ = 	snop  }
0x94: {  	[tilespmem:s21], [sflag:$0x1] =	stream.indirect_vreg.gather [hbm4b:s3+s2], $0x80, v3, vm0, $0xb8;
	[tilespmem:$0x8400] =	vst v63  }
0x95: {  	v3 =	vld [tilespmem:$0xC0];
	_ =	sdelay $0x4  }
0x96: {  	v12 =	vshll.u32 v3, $0x1  }
0x97: {  	v3 =	vand.u32 $0x7, v3;
	v4 =	vand.u32 $0xFFFFFFF0, v12  }
0x98: {  	v3 =	vor.u32 v3, v4  }
0x99: {  	v4 =	vperm.xlane v3, v0;
	_ =	sdelay $0x1  }
0x9a: {  	v3 =	vperm.xlane v3, v2;
	v4 =	vadd.s32 v1, v4;
	_ =	sdelay $0x1  }
0x9b: {  	v3 =	vadd.s32 v1, v3;
	_ =	sdelay $0x2  }
0x9c: {  	[tilespmem:s22], [sflag:$0x1] =	stream.indirect_vreg.gather [hbm4b:s3+s2], $0x80, v4, vm0, $0xb8;
	[tilespmem:$0x8400] =	vst v63  }
0x9d: {  	_ = 	snop  }
0x9e: {  	[tilespmem:s23], [sflag:$0x1] =	stream.indirect_vreg.gather [hbm4b:s3+s2], $0x80, v3, vm0, $0xb8;
	[tilespmem:$0x8400] =	vst v63  }
0x9f: {  	v3 =	vld [tilespmem:$0xD0];
	_ =	sdelay $0x4  }
0xa0: {  	v13 =	vshll.u32 v3, $0x1  }
0xa1: {  	v3 =	vand.u32 $0x7, v3;
	v4 =	vand.u32 $0xFFFFFFF0, v13  }
0xa2: {  	v3 =	vor.u32 v3, v4  }
0xa3: {  	v4 =	vperm.xlane v3, v0;
	_ =	sdelay $0x1  }
0xa4: {  	v3 =	vperm.xlane v3, v2;
	v4 =	vadd.s32 v1, v4;
	_ =	sdelay $0x1  }
0xa5: {  	v3 =	vadd.s32 v1, v3;
	_ =	sdelay $0x2  }
0xa6: {  	[tilespmem:s24], [sflag:$0x1] =	stream.indirect_vreg.gather [hbm4b:s3+s2], $0x80, v4, vm0, $0xb8;
	[tilespmem:$0x8400] =	vst v63  }
0xa7: {  	_ = 	snop  }
0xa8: {  	[tilespmem:s25], [sflag:$0x1] =	stream.indirect_vreg.gather [hbm4b:s3+s2], $0x80, v3, vm0, $0xb8;
	[tilespmem:$0x8400] =	vst v63  }
0xa9: {  	v3 =	vld [tilespmem:$0xE0];
	_ =	sdelay $0x4  }
0xaa: {  	v14 =	vshll.u32 v3, $0x1  }
0xab: {  	v3 =	vand.u32 $0x7, v3;
	v4 =	vand.u32 $0xFFFFFFF0, v14  }
0xac: {  	v3 =	vor.u32 v3, v4  }
0xad: {  	v4 =	vperm.xlane v3, v0;
	_ =	sdelay $0x1  }
0xae: {  	v3 =	vperm.xlane v3, v2;
	v4 =	vadd.s32 v1, v4;
	_ =	sdelay $0x1  }
0xaf: {  	v3 =	vadd.s32 v1, v3;
	_ =	sdelay $0x2  }
0xb0: {  	[tilespmem:s26], [sflag:$0x1] =	stream.indirect_vreg.gather [hbm4b:s3+s2], $0x80, v4, vm0, $0xb8;
	[tilespmem:$0x8400] =	vst v63  }
0xb1: {  	_ = 	snop  }
0xb2: {  	[tilespmem:s28], [sflag:$0x1] =	stream.indirect_vreg.gather [hbm4b:s3+s2], $0x80, v3, vm0, $0xb8;
	[tilespmem:$0x8400] =	vst v63  }
0xb3: {  	v3 =	vld [tilespmem:$0xF0];
	_ =	sdelay $0x4  }
0xb4: {  	v15 =	vshll.u32 v3, $0x1  }
0xb5: {  	v3 =	vand.u32 $0x7, v3;
	v4 =	vand.u32 $0xFFFFFFF0, v15  }
0xb6: {  	v3 =	vor.u32 v3, v4  }
0xb7: {  	v4 =	vperm.xlane v3, v0;
	_ =	sdelay $0x1  }
0xb8: {  	v3 =	vperm.xlane v3, v2;
	v4 =	vadd.s32 v1, v4;
	_ =	sdelay $0x1  }
0xb9: {  	v3 =	vadd.s32 v1, v3;
	_ =	sdelay $0x2  }
0xba: {  	[tilespmem:s29], [sflag:$0x1] =	stream.indirect_vreg.gather [hbm4b:s3+s2], $0x80, v4, vm0, $0xb8;
	[tilespmem:$0x8400] =	vst v63  }
0xbb: {  	_ = 	snop  }
0xbc: {  	[tilespmem:s30], [sflag:$0x1] =	stream.indirect_vreg.gather [hbm4b:s3+s2], $0x80, v3, vm0, $0xb8;
	[tilespmem:$0x8400] =	vst v63  }
0xbd: {  	_ =	swait.ge [sflag:s31], $0x8000  }
0xbe: {  	[sflag:s31] =	ssyncset.done $0x0  }
0xbf: {  	[sflag:s31] =	ssyncadd.s32 $0xFFFF8000  }
0xc0: {  	[hbm4b:s5+s2] =	stream.linear.scatter [tilespmem:s14], [sflag:$0x2], $0x8000, $0x38;
	[tilespmem:$0x8400] =	vst v63  }
0xc1: {  	_ =	swait.ge [sflag:s13], $0x8000  }
0xc2: {  	[sflag:s13] =	ssyncset.done $0x0  }
0xc3: {  	[sflag:s13] =	ssyncadd.s32 $0xFFFF8000  }
0xc4: {  	v3 =	vld [tilespmem:$0x100];
	_ =	sdelay $0x4  }
0xc5: {  	v16 =	vshll.u32 v3, $0x1  }
0xc6: {  	v3 =	vand.u32 $0x7, v3;
	v4 =	vand.u32 $0xFFFFFFF0, v16  }
0xc7: {  	v3 =	vor.u32 v3, v4  }
0xc8: {  	v4 =	vperm.xlane v3, v0;
	_ =	sdelay $0x1  }
0xc9: {  	v3 =	vperm.xlane v3, v2;
	v4 =	vadd.s32 v1, v4;
	_ =	sdelay $0x1  }
0xca: {  	v3 =	vadd.s32 v1, v3;
	_ =	sdelay $0x2  }
0xcb: {  	[tilespmem:s14], [sflag:$0x1] =	stream.indirect_vreg.gather [hbm4b:s3+s2], $0x80, v4, vm0, $0xb8;
	[tilespmem:$0x8400] =	vst v63  }
0xcc: {  	_ = 	snop  }
0xcd: {  	[tilespmem:s15], [sflag:$0x1] =	stream.indirect_vreg.gather [hbm4b:s3+s2], $0x80, v3, vm0, $0xb8;
	[tilespmem:$0x8400] =	vst v63  }
0xce: {  	v3 =	vld [tilespmem:$0x110];
	_ =	sdelay $0x4  }
0xcf: {  	v17 =	vshll.u32 v3, $0x1  }
0xd0: {  	v3 =	vand.u32 $0x7, v3;
	v4 =	vand.u32 $0xFFFFFFF0, v17  }
0xd1: {  	v3 =	vor.u32 v3, v4  }
0xd2: {  	v4 =	vperm.xlane v3, v0;
	_ =	sdelay $0x1  }
0xd3: {  	v3 =	vperm.xlane v3, v2;
	v4 =	vadd.s32 v1, v4;
	_ =	sdelay $0x1  }
0xd4: {  	v3 =	vadd.s32 v1, v3;
	_ =	sdelay $0x2  }
0xd5: {  	[tilespmem:s16], [sflag:$0x1] =	stream.indirect_vreg.gather [hbm4b:s3+s2], $0x80, v4, vm0, $0xb8;
	[tilespmem:$0x8400] =	vst v63  }
0xd6: {  	_ = 	snop  }
0xd7: {  	[tilespmem:s17], [sflag:$0x1] =	stream.indirect_vreg.gather [hbm4b:s3+s2], $0x80, v3, vm0, $0xb8;
	[tilespmem:$0x8400] =	vst v63  }
0xd8: {  	v3 =	vld [tilespmem:$0x120];
	_ =	sdelay $0x4  }
0xd9: {  	v18 =	vshll.u32 v3, $0x1  }
0xda: {  	v3 =	vand.u32 $0x7, v3;
	v4 =	vand.u32 $0xFFFFFFF0, v18  }
0xdb: {  	v3 =	vor.u32 v3, v4  }
0xdc: {  	v4 =	vperm.xlane v3, v0;
	_ =	sdelay $0x1  }
0xdd: {  	v3 =	vperm.xlane v3, v2;
	v4 =	vadd.s32 v1, v4;
	_ =	sdelay $0x1  }
0xde: {  	v3 =	vadd.s32 v1, v3;
	_ =	sdelay $0x2  }
0xdf: {  	[tilespmem:s18], [sflag:$0x1] =	stream.indirect_vreg.gather [hbm4b:s3+s2], $0x80, v4, vm0, $0xb8;
	[tilespmem:$0x8400] =	vst v63  }
0xe0: {  	_ = 	snop  }
0xe1: {  	[tilespmem:s19], [sflag:$0x1] =	stream.indirect_vreg.gather [hbm4b:s3+s2], $0x80, v3, vm0, $0xb8;
	[tilespmem:$0x8400] =	vst v63  }
0xe2: {  	v3 =	vld [tilespmem:$0x130];
	_ =	sdelay $0x4  }
0xe3: {  	v19 =	vshll.u32 v3, $0x1  }
0xe4: {  	v3 =	vand.u32 $0x7, v3;
	v4 =	vand.u32 $0xFFFFFFF0, v19  }
0xe5: {  	v3 =	vor.u32 v3, v4  }
0xe6: {  	v4 =	vperm.xlane v3, v0;
	_ =	sdelay $0x1  }
0xe7: {  	v3 =	vperm.xlane v3, v2;
	v4 =	vadd.s32 v1, v4;
	_ =	sdelay $0x1  }
0xe8: {  	v3 =	vadd.s32 v1, v3;
	_ =	sdelay $0x2  }
0xe9: {  	[tilespmem:s20], [sflag:$0x1] =	stream.indirect_vreg.gather [hbm4b:s3+s2], $0x80, v4, vm0, $0xb8;
	[tilespmem:$0x8400] =	vst v63  }
0xea: {  	_ = 	snop  }
0xeb: {  	[tilespmem:s21], [sflag:$0x1] =	stream.indirect_vreg.gather [hbm4b:s3+s2], $0x80, v3, vm0, $0xb8;
	[tilespmem:$0x8400] =	vst v63  }
0xec: {  	v3 =	vld [tilespmem:$0x140];
	_ =	sdelay $0x4  }
0xed: {  	v20 =	vshll.u32 v3, $0x1  }
0xee: {  	v3 =	vand.u32 $0x7, v3;
	v4 =	vand.u32 $0xFFFFFFF0, v20  }
0xef: {  	v3 =	vor.u32 v3, v4  }
0xf0: {  	v4 =	vperm.xlane v3, v0;
	_ =	sdelay $0x1  }
0xf1: {  	v3 =	vperm.xlane v3, v2;
	v4 =	vadd.s32 v1, v4;
	_ =	sdelay $0x1  }
0xf2: {  	v3 =	vadd.s32 v1, v3;
	_ =	sdelay $0x2  }
0xf3: {  	[tilespmem:s22], [sflag:$0x1] =	stream.indirect_vreg.gather [hbm4b:s3+s2], $0x80, v4, vm0, $0xb8;
	[tilespmem:$0x8400] =	vst v63  }
0xf4: {  	_ = 	snop  }
0xf5: {  	[tilespmem:s23], [sflag:$0x1] =	stream.indirect_vreg.gather [hbm4b:s3+s2], $0x80, v3, vm0, $0xb8;
	[tilespmem:$0x8400] =	vst v63  }
0xf6: {  	v3 =	vld [tilespmem:$0x150];
	_ =	sdelay $0x4  }
0xf7: {  	v21 =	vshll.u32 v3, $0x1  }
0xf8: {  	v3 =	vand.u32 $0x7, v3;
	v4 =	vand.u32 $0xFFFFFFF0, v21  }
0xf9: {  	v3 =	vor.u32 v3, v4  }
0xfa: {  	v4 =	vperm.xlane v3, v0;
	_ =	sdelay $0x1  }
0xfb: {  	v3 =	vperm.xlane v3, v2;
	v4 =	vadd.s32 v1, v4;
	_ =	sdelay $0x1  }
0xfc: {  	v3 =	vadd.s32 v1, v3;
	_ =	sdelay $0x2  }
0xfd: {  	[tilespmem:s24], [sflag:$0x1] =	stream.indirect_vreg.gather [hbm4b:s3+s2], $0x80, v4, vm0, $0xb8;
	[tilespmem:$0x8400] =	vst v63  }
0xfe: {  	_ = 	snop  }
0xff: {  	[tilespmem:s25], [sflag:$0x1] =	stream.indirect_vreg.gather [hbm4b:s3+s2], $0x80, v3, vm0, $0xb8;
	[tilespmem:$0x8400] =	vst v63  }
0x100: {  	v3 =	vld [tilespmem:$0x160];
	_ =	sdelay $0x4  }
0x101: {  	v22 =	vshll.u32 v3, $0x1  }
0x102: {  	v3 =	vand.u32 $0x7, v3;
	v4 =	vand.u32 $0xFFFFFFF0, v22  }
0x103: {  	v3 =	vor.u32 v3, v4  }
0x104: {  	v4 =	vperm.xlane v3, v0;
	_ =	sdelay $0x1  }
0x105: {  	v3 =	vperm.xlane v3, v2;
	v4 =	vadd.s32 v1, v4;
	_ =	sdelay $0x1  }
0x106: {  	v3 =	vadd.s32 v1, v3;
	_ =	sdelay $0x2  }
0x107: {  	[tilespmem:s26], [sflag:$0x1] =	stream.indirect_vreg.gather [hbm4b:s3+s2], $0x80, v4, vm0, $0xb8;
	[tilespmem:$0x8400] =	vst v63  }
0x108: {  	_ = 	snop  }
0x109: {  	[tilespmem:s28], [sflag:$0x1] =	stream.indirect_vreg.gather [hbm4b:s3+s2], $0x80, v3, vm0, $0xb8;
	[tilespmem:$0x8400] =	vst v63  }
0x10a: {  	v3 =	vld [tilespmem:$0x170];
	_ =	sdelay $0x4  }
0x10b: {  	v23 =	vshll.u32 v3, $0x1  }
0x10c: {  	v3 =	vand.u32 $0x7, v3;
	v4 =	vand.u32 $0xFFFFFFF0, v23  }
0x10d: {  	v3 =	vor.u32 v3, v4  }
0x10e: {  	v4 =	vperm.xlane v3, v0;
	_ =	sdelay $0x1  }
0x10f: {  	v3 =	vperm.xlane v3, v2;
	v4 =	vadd.s32 v1, v4;
	_ =	sdelay $0x1  }
0x110: {  	v3 =	vadd.s32 v1, v3;
	_ =	sdelay $0x2  }
0x111: {  	[tilespmem:s29], [sflag:$0x1] =	stream.indirect_vreg.gather [hbm4b:s3+s2], $0x80, v4, vm0, $0xb8;
	[tilespmem:$0x8400] =	vst v63  }
0x112: {  	_ = 	snop  }
0x113: {  	[tilespmem:s30], [sflag:$0x1] =	stream.indirect_vreg.gather [hbm4b:s3+s2], $0x80, v3, vm0, $0xb8;
	[tilespmem:$0x8400] =	vst v63  }
0x114: {  	_ =	swait.ge [sflag:s31], $0x8000  }
0x115: {  	[sflag:s31] =	ssyncset.done $0x0  }
0x116: {  	[sflag:s31] =	ssyncadd.s32 $0xFFFF8000  }
0x117: {  	[hbm4b:s6+s2] =	stream.linear.scatter [tilespmem:s14], [sflag:$0x2], $0x8000, $0x38;
	[tilespmem:$0x8400] =	vst v63  }
0x118: {  	_ =	swait.ge [sflag:s13], $0x8000  }
0x119: {  	[sflag:s13] =	ssyncset.done $0x0  }
0x11a: {  	[sflag:s13] =	ssyncadd.s32 $0xFFFF8000  }
0x11b: {  	v3 =	vld [tilespmem:$0x180];
	_ =	sdelay $0x4  }
0x11c: {  	v24 =	vshll.u32 v3, $0x1  }
0x11d: {  	v3 =	vand.u32 $0x7, v3;
	v4 =	vand.u32 $0xFFFFFFF0, v24  }
0x11e: {  	v3 =	vor.u32 v3, v4  }
0x11f: {  	v4 =	vperm.xlane v3, v0;
	_ =	sdelay $0x1  }
0x120: {  	v3 =	vperm.xlane v3, v2;
	v4 =	vadd.s32 v1, v4;
	_ =	sdelay $0x1  }
0x121: {  	v3 =	vadd.s32 v1, v3;
	_ =	sdelay $0x2  }
0x122: {  	[tilespmem:s14], [sflag:$0x1] =	stream.indirect_vreg.gather [hbm4b:s3+s2], $0x80, v4, vm0, $0xb8;
	[tilespmem:$0x8400] =	vst v63  }
0x123: {  	_ = 	snop  }
0x124: {  	[tilespmem:s15], [sflag:$0x1] =	stream.indirect_vreg.gather [hbm4b:s3+s2], $0x80, v3, vm0, $0xb8;
	[tilespmem:$0x8400] =	vst v63  }
0x125: {  	v3 =	vld [tilespmem:$0x190];
	_ =	sdelay $0x4  }
0x126: {  	v25 =	vshll.u32 v3, $0x1  }
0x127: {  	v3 =	vand.u32 $0x7, v3;
	v4 =	vand.u32 $0xFFFFFFF0, v25  }
0x128: {  	v3 =	vor.u32 v3, v4  }
0x129: {  	v4 =	vperm.xlane v3, v0;
	_ =	sdelay $0x1  }
0x12a: {  	v3 =	vperm.xlane v3, v2;
	v4 =	vadd.s32 v1, v4;
	_ =	sdelay $0x1  }
0x12b: {  	v3 =	vadd.s32 v1, v3;
	_ =	sdelay $0x2  }
0x12c: {  	[tilespmem:s16], [sflag:$0x1] =	stream.indirect_vreg.gather [hbm4b:s3+s2], $0x80, v4, vm0, $0xb8;
	[tilespmem:$0x8400] =	vst v63  }
0x12d: {  	_ = 	snop  }
0x12e: {  	[tilespmem:s17], [sflag:$0x1] =	stream.indirect_vreg.gather [hbm4b:s3+s2], $0x80, v3, vm0, $0xb8;
	[tilespmem:$0x8400] =	vst v63  }
0x12f: {  	v3 =	vld [tilespmem:$0x1A0];
	_ =	sdelay $0x4  }
0x130: {  	v26 =	vshll.u32 v3, $0x1  }
0x131: {  	v3 =	vand.u32 $0x7, v3;
	v4 =	vand.u32 $0xFFFFFFF0, v26  }
0x132: {  	v3 =	vor.u32 v3, v4  }
0x133: {  	v4 =	vperm.xlane v3, v0;
	_ =	sdelay $0x1  }
0x134: {  	v3 =	vperm.xlane v3, v2;
	v4 =	vadd.s32 v1, v4;
	_ =	sdelay $0x1  }
0x135: {  	v3 =	vadd.s32 v1, v3;
	_ =	sdelay $0x2  }
0x136: {  	[tilespmem:s18], [sflag:$0x1] =	stream.indirect_vreg.gather [hbm4b:s3+s2], $0x80, v4, vm0, $0xb8;
	[tilespmem:$0x8400] =	vst v63  }
0x137: {  	_ = 	snop  }
0x138: {  	[tilespmem:s19], [sflag:$0x1] =	stream.indirect_vreg.gather [hbm4b:s3+s2], $0x80, v3, vm0, $0xb8;
	[tilespmem:$0x8400] =	vst v63  }
0x139: {  	v3 =	vld [tilespmem:$0x1B0];
	_ =	sdelay $0x4  }
0x13a: {  	v27 =	vshll.u32 v3, $0x1  }
0x13b: {  	v3 =	vand.u32 $0x7, v3;
	v4 =	vand.u32 $0xFFFFFFF0, v27  }
0x13c: {  	v3 =	vor.u32 v3, v4  }
0x13d: {  	v4 =	vperm.xlane v3, v0;
	_ =	sdelay $0x1  }
0x13e: {  	v3 =	vperm.xlane v3, v2;
	v4 =	vadd.s32 v1, v4;
	_ =	sdelay $0x1  }
0x13f: {  	v3 =	vadd.s32 v1, v3;
	_ =	sdelay $0x2  }
0x140: {  	[tilespmem:s20], [sflag:$0x1] =	stream.indirect_vreg.gather [hbm4b:s3+s2], $0x80, v4, vm0, $0xb8;
	[tilespmem:$0x8400] =	vst v63  }
0x141: {  	_ = 	snop  }
0x142: {  	[tilespmem:s21], [sflag:$0x1] =	stream.indirect_vreg.gather [hbm4b:s3+s2], $0x80, v3, vm0, $0xb8;
	[tilespmem:$0x8400] =	vst v63  }
0x143: {  	v3 =	vld [tilespmem:$0x1C0];
	_ =	sdelay $0x4  }
0x144: {  	v28 =	vshll.u32 v3, $0x1  }
0x145: {  	v3 =	vand.u32 $0x7, v3;
	v4 =	vand.u32 $0xFFFFFFF0, v28  }
0x146: {  	v3 =	vor.u32 v3, v4  }
0x147: {  	v4 =	vperm.xlane v3, v0;
	_ =	sdelay $0x1  }
0x148: {  	v3 =	vperm.xlane v3, v2;
	v4 =	vadd.s32 v1, v4;
	_ =	sdelay $0x1  }
0x149: {  	v3 =	vadd.s32 v1, v3;
	_ =	sdelay $0x2  }
0x14a: {  	[tilespmem:s22], [sflag:$0x1] =	stream.indirect_vreg.gather [hbm4b:s3+s2], $0x80, v4, vm0, $0xb8;
	[tilespmem:$0x8400] =	vst v63  }
0x14b: {  	_ = 	snop  }
0x14c: {  	[tilespmem:s23], [sflag:$0x1] =	stream.indirect_vreg.gather [hbm4b:s3+s2], $0x80, v3, vm0, $0xb8;
	[tilespmem:$0x8400] =	vst v63  }
0x14d: {  	v3 =	vld [tilespmem:$0x1D0];
	_ =	sdelay $0x4  }
0x14e: {  	v29 =	vshll.u32 v3, $0x1  }
0x14f: {  	v3 =	vand.u32 $0x7, v3;
	v4 =	vand.u32 $0xFFFFFFF0, v29  }
0x150: {  	v3 =	vor.u32 v3, v4  }
0x151: {  	v4 =	vperm.xlane v3, v0;
	_ =	sdelay $0x1  }
0x152: {  	v3 =	vperm.xlane v3, v2;
	v4 =	vadd.s32 v1, v4;
	_ =	sdelay $0x1  }
0x153: {  	v3 =	vadd.s32 v1, v3;
	_ =	sdelay $0x2  }
0x154: {  	[tilespmem:s24], [sflag:$0x1] =	stream.indirect_vreg.gather [hbm4b:s3+s2], $0x80, v4, vm0, $0xb8;
	[tilespmem:$0x8400] =	vst v63  }
0x155: {  	_ = 	snop  }
0x156: {  	[tilespmem:s25], [sflag:$0x1] =	stream.indirect_vreg.gather [hbm4b:s3+s2], $0x80, v3, vm0, $0xb8;
	[tilespmem:$0x8400] =	vst v63  }
0x157: {  	v3 =	vld [tilespmem:$0x1E0];
	_ =	sdelay $0x4  }
0x158: {  	v30 =	vshll.u32 v3, $0x1  }
0x159: {  	v3 =	vand.u32 $0x7, v3;
	v4 =	vand.u32 $0xFFFFFFF0, v30  }
0x15a: {  	v3 =	vor.u32 v3, v4  }
0x15b: {  	v4 =	vperm.xlane v3, v0;
	_ =	sdelay $0x1  }
0x15c: {  	v3 =	vperm.xlane v3, v2;
	v4 =	vadd.s32 v1, v4;
	_ =	sdelay $0x1  }
0x15d: {  	v3 =	vadd.s32 v1, v3;
	_ =	sdelay $0x2  }
0x15e: {  	[tilespmem:s26], [sflag:$0x1] =	stream.indirect_vreg.gather [hbm4b:s3+s2], $0x80, v4, vm0, $0xb8;
	[tilespmem:$0x8400] =	vst v63  }
0x15f: {  	_ = 	snop  }
0x160: {  	[tilespmem:s28], [sflag:$0x1] =	stream.indirect_vreg.gather [hbm4b:s3+s2], $0x80, v3, vm0, $0xb8;
	[tilespmem:$0x8400] =	vst v63  }
0x161: {  	v3 =	vld [tilespmem:$0x1F0];
	_ =	sdelay $0x4  }
0x162: {  	v31 =	vshll.u32 v3, $0x1  }
0x163: {  	v3 =	vand.u32 $0x7, v3;
	v4 =	vand.u32 $0xFFFFFFF0, v31  }
0x164: {  	v3 =	vor.u32 v3, v4  }
0x165: {  	v4 =	vperm.xlane v3, v0;
	_ =	sdelay $0x1  }
0x166: {  	v3 =	vperm.xlane v3, v2;
	v4 =	vadd.s32 v1, v4;
	_ =	sdelay $0x1  }
0x167: {  	v3 =	vadd.s32 v1, v3;
	_ =	sdelay $0x2  }
0x168: {  	[tilespmem:s29], [sflag:$0x1] =	stream.indirect_vreg.gather [hbm4b:s3+s2], $0x80, v4, vm0, $0xb8;
	[tilespmem:$0x8400] =	vst v63  }
0x169: {  	_ = 	snop  }
0x16a: {  	[tilespmem:s30], [sflag:$0x1] =	stream.indirect_vreg.gather [hbm4b:s3+s2], $0x80, v3, vm0, $0xb8;
	[tilespmem:$0x8400] =	vst v63  }
0x16b: {  	_ =	swait.ge [sflag:s31], $0x8000  }
0x16c: {  	[sflag:s31] =	ssyncset.done $0x0  }
0x16d: {  	[sflag:s31] =	ssyncadd.s32 $0xFFFF8000  }
0x16e: {  	[hbm4b:s7+s2] =	stream.linear.scatter [tilespmem:s14], [sflag:$0x2], $0x8000, $0x38;
	[tilespmem:$0x8400] =	vst v63  }
0x16f: {  	_ =	swait.ge [sflag:s13], $0x8000  }
0x170: {  	[sflag:s13] =	ssyncset.done $0x0  }
0x171: {  	[sflag:s13] =	ssyncadd.s32 $0xFFFF8000  }
0x172: {  	v3 =	vld [tilespmem:$0x200];
	_ =	sdelay $0x4  }
0x173: {  	v32 =	vshll.u32 v3, $0x1  }
0x174: {  	v3 =	vand.u32 $0x7, v3;
	v4 =	vand.u32 $0xFFFFFFF0, v32  }
0x175: {  	v3 =	vor.u32 v3, v4  }
0x176: {  	v4 =	vperm.xlane v3, v0;
	_ =	sdelay $0x1  }
0x177: {  	v3 =	vperm.xlane v3, v2;
	v4 =	vadd.s32 v1, v4;
	_ =	sdelay $0x1  }
0x178: {  	v3 =	vadd.s32 v1, v3;
	_ =	sdelay $0x2  }
0x179: {  	[tilespmem:s14], [sflag:$0x1] =	stream.indirect_vreg.gather [hbm4b:s3+s2], $0x80, v4, vm0, $0xb8;
	[tilespmem:$0x8400] =	vst v63  }
0x17a: {  	_ = 	snop  }
0x17b: {  	[tilespmem:s15], [sflag:$0x1] =	stream.indirect_vreg.gather [hbm4b:s3+s2], $0x80, v3, vm0, $0xb8;
	[tilespmem:$0x8400] =	vst v63  }
0x17c: {  	v3 =	vld [tilespmem:$0x210];
	_ =	sdelay $0x4  }
0x17d: {  	v33 =	vshll.u32 v3, $0x1  }
0x17e: {  	v3 =	vand.u32 $0x7, v3;
	v4 =	vand.u32 $0xFFFFFFF0, v33  }
0x17f: {  	v3 =	vor.u32 v3, v4  }
0x180: {  	v4 =	vperm.xlane v3, v0;
	_ =	sdelay $0x1  }
0x181: {  	v3 =	vperm.xlane v3, v2;
	v4 =	vadd.s32 v1, v4;
	_ =	sdelay $0x1  }
0x182: {  	v3 =	vadd.s32 v1, v3;
	_ =	sdelay $0x2  }
0x183: {  	[tilespmem:s16], [sflag:$0x1] =	stream.indirect_vreg.gather [hbm4b:s3+s2], $0x80, v4, vm0, $0xb8;
	[tilespmem:$0x8400] =	vst v63  }
0x184: {  	_ = 	snop  }
0x185: {  	[tilespmem:s17], [sflag:$0x1] =	stream.indirect_vreg.gather [hbm4b:s3+s2], $0x80, v3, vm0, $0xb8;
	[tilespmem:$0x8400] =	vst v63  }
0x186: {  	v3 =	vld [tilespmem:$0x220];
	_ =	sdelay $0x4  }
0x187: {  	v34 =	vshll.u32 v3, $0x1  }
0x188: {  	v3 =	vand.u32 $0x7, v3;
	v4 =	vand.u32 $0xFFFFFFF0, v34  }
0x189: {  	v3 =	vor.u32 v3, v4  }
0x18a: {  	v4 =	vperm.xlane v3, v0;
	_ =	sdelay $0x1  }
0x18b: {  	v3 =	vperm.xlane v3, v2;
	v4 =	vadd.s32 v1, v4;
	_ =	sdelay $0x1  }
0x18c: {  	v3 =	vadd.s32 v1, v3;
	_ =	sdelay $0x2  }
0x18d: {  	[tilespmem:s18], [sflag:$0x1] =	stream.indirect_vreg.gather [hbm4b:s3+s2], $0x80, v4, vm0, $0xb8;
	[tilespmem:$0x8400] =	vst v63  }
0x18e: {  	_ = 	snop  }
0x18f: {  	[tilespmem:s19], [sflag:$0x1] =	stream.indirect_vreg.gather [hbm4b:s3+s2], $0x80, v3, vm0, $0xb8;
	[tilespmem:$0x8400] =	vst v63  }
0x190: {  	v3 =	vld [tilespmem:$0x230];
	_ =	sdelay $0x4  }
0x191: {  	v35 =	vshll.u32 v3, $0x1  }
0x192: {  	v3 =	vand.u32 $0x7, v3;
	v4 =	vand.u32 $0xFFFFFFF0, v35  }
0x193: {  	v3 =	vor.u32 v3, v4  }
0x194: {  	v4 =	vperm.xlane v3, v0;
	_ =	sdelay $0x1  }
0x195: {  	v3 =	vperm.xlane v3, v2;
	v4 =	vadd.s32 v1, v4;
	_ =	sdelay $0x1  }
0x196: {  	v3 =	vadd.s32 v1, v3;
	_ =	sdelay $0x2  }
0x197: {  	[tilespmem:s20], [sflag:$0x1] =	stream.indirect_vreg.gather [hbm4b:s3+s2], $0x80, v4, vm0, $0xb8;
	[tilespmem:$0x8400] =	vst v63  }
0x198: {  	_ = 	snop  }
0x199: {  	[tilespmem:s21], [sflag:$0x1] =	stream.indirect_vreg.gather [hbm4b:s3+s2], $0x80, v3, vm0, $0xb8;
	[tilespmem:$0x8400] =	vst v63  }
0x19a: {  	v3 =	vld [tilespmem:$0x240];
	_ =	sdelay $0x4  }
0x19b: {  	v36 =	vshll.u32 v3, $0x1  }
0x19c: {  	v3 =	vand.u32 $0x7, v3;
	v4 =	vand.u32 $0xFFFFFFF0, v36  }
0x19d: {  	v3 =	vor.u32 v3, v4  }
0x19e: {  	v4 =	vperm.xlane v3, v0;
	_ =	sdelay $0x1  }
0x19f: {  	v3 =	vperm.xlane v3, v2;
	v4 =	vadd.s32 v1, v4;
	_ =	sdelay $0x1  }
0x1a0: {  	v3 =	vadd.s32 v1, v3;
	_ =	sdelay $0x2  }
0x1a1: {  	[tilespmem:s22], [sflag:$0x1] =	stream.indirect_vreg.gather [hbm4b:s3+s2], $0x80, v4, vm0, $0xb8;
	[tilespmem:$0x8400] =	vst v63  }
0x1a2: {  	_ = 	snop  }
0x1a3: {  	[tilespmem:s23], [sflag:$0x1] =	stream.indirect_vreg.gather [hbm4b:s3+s2], $0x80, v3, vm0, $0xb8;
	[tilespmem:$0x8400] =	vst v63  }
0x1a4: {  	v3 =	vld [tilespmem:$0x250];
	_ =	sdelay $0x4  }
0x1a5: {  	v37 =	vshll.u32 v3, $0x1  }
0x1a6: {  	v3 =	vand.u32 $0x7, v3;
	v4 =	vand.u32 $0xFFFFFFF0, v37  }
0x1a7: {  	v3 =	vor.u32 v3, v4  }
0x1a8: {  	v4 =	vperm.xlane v3, v0;
	_ =	sdelay $0x1  }
0x1a9: {  	v3 =	vperm.xlane v3, v2;
	v4 =	vadd.s32 v1, v4;
	_ =	sdelay $0x1  }
0x1aa: {  	v3 =	vadd.s32 v1, v3;
	_ =	sdelay $0x2  }
0x1ab: {  	[tilespmem:s24], [sflag:$0x1] =	stream.indirect_vreg.gather [hbm4b:s3+s2], $0x80, v4, vm0, $0xb8;
	[tilespmem:$0x8400] =	vst v63  }
0x1ac: {  	_ = 	snop  }
0x1ad: {  	[tilespmem:s25], [sflag:$0x1] =	stream.indirect_vreg.gather [hbm4b:s3+s2], $0x80, v3, vm0, $0xb8;
	[tilespmem:$0x8400] =	vst v63  }
0x1ae: {  	v3 =	vld [tilespmem:$0x260];
	_ =	sdelay $0x4  }
0x1af: {  	v38 =	vshll.u32 v3, $0x1  }
0x1b0: {  	v3 =	vand.u32 $0x7, v3;
	v4 =	vand.u32 $0xFFFFFFF0, v38  }
0x1b1: {  	v3 =	vor.u32 v3, v4  }
0x1b2: {  	v4 =	vperm.xlane v3, v0;
	_ =	sdelay $0x1  }
0x1b3: {  	v3 =	vperm.xlane v3, v2;
	v4 =	vadd.s32 v1, v4;
	_ =	sdelay $0x1  }
0x1b4: {  	v3 =	vadd.s32 v1, v3;
	_ =	sdelay $0x2  }
0x1b5: {  	[tilespmem:s26], [sflag:$0x1] =	stream.indirect_vreg.gather [hbm4b:s3+s2], $0x80, v4, vm0, $0xb8;
	[tilespmem:$0x8400] =	vst v63  }
0x1b6: {  	_ = 	snop  }
0x1b7: {  	[tilespmem:s28], [sflag:$0x1] =	stream.indirect_vreg.gather [hbm4b:s3+s2], $0x80, v3, vm0, $0xb8;
	[tilespmem:$0x8400] =	vst v63  }
0x1b8: {  	v3 =	vld [tilespmem:$0x270];
	_ =	sdelay $0x4  }
0x1b9: {  	v39 =	vshll.u32 v3, $0x1  }
0x1ba: {  	v3 =	vand.u32 $0x7, v3;
	v4 =	vand.u32 $0xFFFFFFF0, v39  }
0x1bb: {  	v3 =	vor.u32 v3, v4  }
0x1bc: {  	v4 =	vperm.xlane v3, v0;
	_ =	sdelay $0x1  }
0x1bd: {  	v3 =	vperm.xlane v3, v2;
	v4 =	vadd.s32 v1, v4;
	_ =	sdelay $0x1  }
0x1be: {  	v3 =	vadd.s32 v1, v3;
	_ =	sdelay $0x2  }
0x1bf: {  	[tilespmem:s29], [sflag:$0x1] =	stream.indirect_vreg.gather [hbm4b:s3+s2], $0x80, v4, vm0, $0xb8;
	[tilespmem:$0x8400] =	vst v63  }
0x1c0: {  	_ = 	snop  }
0x1c1: {  	[tilespmem:s30], [sflag:$0x1] =	stream.indirect_vreg.gather [hbm4b:s3+s2], $0x80, v3, vm0, $0xb8;
	[tilespmem:$0x8400] =	vst v63  }
0x1c2: {  	_ =	swait.ge [sflag:s31], $0x8000  }
0x1c3: {  	[sflag:s31] =	ssyncset.done $0x0  }
0x1c4: {  	[sflag:s31] =	ssyncadd.s32 $0xFFFF8000  }
0x1c5: {  	[hbm4b:s8+s2] =	stream.linear.scatter [tilespmem:s14], [sflag:$0x2], $0x8000, $0x38;
	[tilespmem:$0x8400] =	vst v63  }
0x1c6: {  	_ =	swait.ge [sflag:s13], $0x8000  }
0x1c7: {  	[sflag:s13] =	ssyncset.done $0x0  }
0x1c8: {  	[sflag:s13] =	ssyncadd.s32 $0xFFFF8000  }
0x1c9: {  	v3 =	vld [tilespmem:$0x280];
	_ =	sdelay $0x4  }
0x1ca: {  	v40 =	vshll.u32 v3, $0x1  }
0x1cb: {  	v3 =	vand.u32 $0x7, v3;
	v4 =	vand.u32 $0xFFFFFFF0, v40  }
0x1cc: {  	v3 =	vor.u32 v3, v4  }
0x1cd: {  	v4 =	vperm.xlane v3, v0;
	_ =	sdelay $0x1  }
0x1ce: {  	v3 =	vperm.xlane v3, v2;
	v4 =	vadd.s32 v1, v4;
	_ =	sdelay $0x1  }
0x1cf: {  	v3 =	vadd.s32 v1, v3;
	_ =	sdelay $0x2  }
0x1d0: {  	[tilespmem:s14], [sflag:$0x1] =	stream.indirect_vreg.gather [hbm4b:s3+s2], $0x80, v4, vm0, $0xb8;
	[tilespmem:$0x8400] =	vst v63  }
0x1d1: {  	_ = 	snop  }
0x1d2: {  	[tilespmem:s15], [sflag:$0x1] =	stream.indirect_vreg.gather [hbm4b:s3+s2], $0x80, v3, vm0, $0xb8;
	[tilespmem:$0x8400] =	vst v63  }
0x1d3: {  	v3 =	vld [tilespmem:$0x290];
	_ =	sdelay $0x4  }
0x1d4: {  	v41 =	vshll.u32 v3, $0x1  }
0x1d5: {  	v3 =	vand.u32 $0x7, v3;
	v4 =	vand.u32 $0xFFFFFFF0, v41  }
0x1d6: {  	v3 =	vor.u32 v3, v4  }
0x1d7: {  	v4 =	vperm.xlane v3, v0;
	_ =	sdelay $0x1  }
0x1d8: {  	v3 =	vperm.xlane v3, v2;
	v4 =	vadd.s32 v1, v4;
	_ =	sdelay $0x1  }
0x1d9: {  	v3 =	vadd.s32 v1, v3;
	_ =	sdelay $0x2  }
0x1da: {  	[tilespmem:s16], [sflag:$0x1] =	stream.indirect_vreg.gather [hbm4b:s3+s2], $0x80, v4, vm0, $0xb8;
	[tilespmem:$0x8400] =	vst v63  }
0x1db: {  	_ = 	snop  }
0x1dc: {  	[tilespmem:s17], [sflag:$0x1] =	stream.indirect_vreg.gather [hbm4b:s3+s2], $0x80, v3, vm0, $0xb8;
	[tilespmem:$0x8400] =	vst v63  }
0x1dd: {  	v3 =	vld [tilespmem:$0x2A0];
	_ =	sdelay $0x4  }
0x1de: {  	v42 =	vshll.u32 v3, $0x1  }
0x1df: {  	v3 =	vand.u32 $0x7, v3;
	v4 =	vand.u32 $0xFFFFFFF0, v42  }
0x1e0: {  	v3 =	vor.u32 v3, v4  }
0x1e1: {  	v4 =	vperm.xlane v3, v0;
	_ =	sdelay $0x1  }
0x1e2: {  	v3 =	vperm.xlane v3, v2;
	v4 =	vadd.s32 v1, v4;
	_ =	sdelay $0x1  }
0x1e3: {  	v3 =	vadd.s32 v1, v3;
	_ =	sdelay $0x2  }
0x1e4: {  	[tilespmem:s18], [sflag:$0x1] =	stream.indirect_vreg.gather [hbm4b:s3+s2], $0x80, v4, vm0, $0xb8;
	[tilespmem:$0x8400] =	vst v63  }
0x1e5: {  	_ = 	snop  }
0x1e6: {  	[tilespmem:s19], [sflag:$0x1] =	stream.indirect_vreg.gather [hbm4b:s3+s2], $0x80, v3, vm0, $0xb8;
	[tilespmem:$0x8400] =	vst v63  }
0x1e7: {  	v3 =	vld [tilespmem:$0x2B0];
	_ =	sdelay $0x4  }
0x1e8: {  	v43 =	vshll.u32 v3, $0x1  }
0x1e9: {  	v3 =	vand.u32 $0x7, v3;
	v4 =	vand.u32 $0xFFFFFFF0, v43  }
0x1ea: {  	v3 =	vor.u32 v3, v4  }
0x1eb: {  	v4 =	vperm.xlane v3, v0;
	_ =	sdelay $0x1  }
0x1ec: {  	v3 =	vperm.xlane v3, v2;
	v4 =	vadd.s32 v1, v4;
	_ =	sdelay $0x1  }
0x1ed: {  	v3 =	vadd.s32 v1, v3;
	_ =	sdelay $0x2  }
0x1ee: {  	[tilespmem:s20], [sflag:$0x1] =	stream.indirect_vreg.gather [hbm4b:s3+s2], $0x80, v4, vm0, $0xb8;
	[tilespmem:$0x8400] =	vst v63  }
0x1ef: {  	_ = 	snop  }
0x1f0: {  	[tilespmem:s21], [sflag:$0x1] =	stream.indirect_vreg.gather [hbm4b:s3+s2], $0x80, v3, vm0, $0xb8;
	[tilespmem:$0x8400] =	vst v63  }
0x1f1: {  	v3 =	vld [tilespmem:$0x2C0];
	_ =	sdelay $0x4  }
0x1f2: {  	v44 =	vshll.u32 v3, $0x1  }
0x1f3: {  	v3 =	vand.u32 $0x7, v3;
	v4 =	vand.u32 $0xFFFFFFF0, v44  }
0x1f4: {  	v3 =	vor.u32 v3, v4  }
0x1f5: {  	v4 =	vperm.xlane v3, v0;
	_ =	sdelay $0x1  }
0x1f6: {  	v3 =	vperm.xlane v3, v2;
	v4 =	vadd.s32 v1, v4;
	_ =	sdelay $0x1  }
0x1f7: {  	v3 =	vadd.s32 v1, v3;
	_ =	sdelay $0x2  }
0x1f8: {  	[tilespmem:s22], [sflag:$0x1] =	stream.indirect_vreg.gather [hbm4b:s3+s2], $0x80, v4, vm0, $0xb8;
	[tilespmem:$0x8400] =	vst v63  }
0x1f9: {  	_ = 	snop  }
0x1fa: {  	[tilespmem:s23], [sflag:$0x1] =	stream.indirect_vreg.gather [hbm4b:s3+s2], $0x80, v3, vm0, $0xb8;
	[tilespmem:$0x8400] =	vst v63  }
0x1fb: {  	v3 =	vld [tilespmem:$0x2D0];
	_ =	sdelay $0x4  }
0x1fc: {  	v45 =	vshll.u32 v3, $0x1  }
0x1fd: {  	v3 =	vand.u32 $0x7, v3;
	v4 =	vand.u32 $0xFFFFFFF0, v45  }
0x1fe: {  	v3 =	vor.u32 v3, v4  }
0x1ff: {  	v4 =	vperm.xlane v3, v0;
	_ =	sdelay $0x1  }
0x200: {  	v3 =	vperm.xlane v3, v2;
	v4 =	vadd.s32 v1, v4;
	_ =	sdelay $0x1  }
0x201: {  	v3 =	vadd.s32 v1, v3;
	_ =	sdelay $0x2  }
0x202: {  	[tilespmem:s24], [sflag:$0x1] =	stream.indirect_vreg.gather [hbm4b:s3+s2], $0x80, v4, vm0, $0xb8;
	[tilespmem:$0x8400] =	vst v63  }
0x203: {  	_ = 	snop  }
0x204: {  	[tilespmem:s25], [sflag:$0x1] =	stream.indirect_vreg.gather [hbm4b:s3+s2], $0x80, v3, vm0, $0xb8;
	[tilespmem:$0x8400] =	vst v63  }
0x205: {  	v3 =	vld [tilespmem:$0x2E0];
	_ =	sdelay $0x4  }
0x206: {  	v46 =	vshll.u32 v3, $0x1  }
0x207: {  	v3 =	vand.u32 $0x7, v3;
	v4 =	vand.u32 $0xFFFFFFF0, v46  }
0x208: {  	v3 =	vor.u32 v3, v4  }
0x209: {  	v4 =	vperm.xlane v3, v0;
	_ =	sdelay $0x1  }
0x20a: {  	v3 =	vperm.xlane v3, v2;
	v4 =	vadd.s32 v1, v4;
	_ =	sdelay $0x1  }
0x20b: {  	v3 =	vadd.s32 v1, v3;
	_ =	sdelay $0x2  }
0x20c: {  	[tilespmem:s26], [sflag:$0x1] =	stream.indirect_vreg.gather [hbm4b:s3+s2], $0x80, v4, vm0, $0xb8;
	[tilespmem:$0x8400] =	vst v63  }
0x20d: {  	_ = 	snop  }
0x20e: {  	[tilespmem:s28], [sflag:$0x1] =	stream.indirect_vreg.gather [hbm4b:s3+s2], $0x80, v3, vm0, $0xb8;
	[tilespmem:$0x8400] =	vst v63  }
0x20f: {  	v3 =	vld [tilespmem:$0x2F0];
	_ =	sdelay $0x4  }
0x210: {  	v47 =	vshll.u32 v3, $0x1  }
0x211: {  	v3 =	vand.u32 $0x7, v3;
	v4 =	vand.u32 $0xFFFFFFF0, v47  }
0x212: {  	v3 =	vor.u32 v3, v4  }
0x213: {  	v4 =	vperm.xlane v3, v0;
	_ =	sdelay $0x1  }
0x214: {  	v3 =	vperm.xlane v3, v2;
	v4 =	vadd.s32 v1, v4;
	_ =	sdelay $0x1  }
0x215: {  	v3 =	vadd.s32 v1, v3;
	_ =	sdelay $0x2  }
0x216: {  	[tilespmem:s29], [sflag:$0x1] =	stream.indirect_vreg.gather [hbm4b:s3+s2], $0x80, v4, vm0, $0xb8;
	[tilespmem:$0x8400] =	vst v63  }
0x217: {  	_ = 	snop  }
0x218: {  	[tilespmem:s30], [sflag:$0x1] =	stream.indirect_vreg.gather [hbm4b:s3+s2], $0x80, v3, vm0, $0xb8;
	[tilespmem:$0x8400] =	vst v63  }
0x219: {  	_ =	swait.ge [sflag:s31], $0x8000  }
0x21a: {  	[sflag:s31] =	ssyncset.done $0x0  }
0x21b: {  	[sflag:s31] =	ssyncadd.s32 $0xFFFF8000  }
0x21c: {  	[hbm4b:s9+s2] =	stream.linear.scatter [tilespmem:s14], [sflag:$0x2], $0x8000, $0x38;
	[tilespmem:$0x8400] =	vst v63  }
0x21d: {  	_ =	swait.ge [sflag:s13], $0x8000  }
0x21e: {  	[sflag:s13] =	ssyncset.done $0x0  }
0x21f: {  	[sflag:s13] =	ssyncadd.s32 $0xFFFF8000  }
0x220: {  	v3 =	vld [tilespmem:$0x300];
	_ =	sdelay $0x4  }
0x221: {  	v48 =	vshll.u32 v3, $0x1  }
0x222: {  	v3 =	vand.u32 $0x7, v3;
	v4 =	vand.u32 $0xFFFFFFF0, v48  }
0x223: {  	v3 =	vor.u32 v3, v4  }
0x224: {  	v4 =	vperm.xlane v3, v0;
	_ =	sdelay $0x1  }
0x225: {  	v3 =	vperm.xlane v3, v2;
	v4 =	vadd.s32 v1, v4;
	_ =	sdelay $0x1  }
0x226: {  	v3 =	vadd.s32 v1, v3;
	_ =	sdelay $0x2  }
0x227: {  	[tilespmem:s14], [sflag:$0x1] =	stream.indirect_vreg.gather [hbm4b:s3+s2], $0x80, v4, vm0, $0xb8;
	[tilespmem:$0x8400] =	vst v63  }
0x228: {  	_ = 	snop  }
0x229: {  	[tilespmem:s15], [sflag:$0x1] =	stream.indirect_vreg.gather [hbm4b:s3+s2], $0x80, v3, vm0, $0xb8;
	[tilespmem:$0x8400] =	vst v63  }
0x22a: {  	v3 =	vld [tilespmem:$0x310];
	_ =	sdelay $0x4  }
0x22b: {  	v49 =	vshll.u32 v3, $0x1  }
0x22c: {  	v3 =	vand.u32 $0x7, v3;
	v4 =	vand.u32 $0xFFFFFFF0, v49  }
0x22d: {  	v3 =	vor.u32 v3, v4  }
0x22e: {  	v4 =	vperm.xlane v3, v0;
	_ =	sdelay $0x1  }
0x22f: {  	v3 =	vperm.xlane v3, v2;
	v4 =	vadd.s32 v1, v4;
	_ =	sdelay $0x1  }
0x230: {  	v3 =	vadd.s32 v1, v3;
	_ =	sdelay $0x2  }
0x231: {  	[tilespmem:s16], [sflag:$0x1] =	stream.indirect_vreg.gather [hbm4b:s3+s2], $0x80, v4, vm0, $0xb8;
	[tilespmem:$0x8400] =	vst v63  }
0x232: {  	_ = 	snop  }
0x233: {  	[tilespmem:s17], [sflag:$0x1] =	stream.indirect_vreg.gather [hbm4b:s3+s2], $0x80, v3, vm0, $0xb8;
	[tilespmem:$0x8400] =	vst v63  }
0x234: {  	v3 =	vld [tilespmem:$0x320];
	_ =	sdelay $0x4  }
0x235: {  	v50 =	vshll.u32 v3, $0x1  }
0x236: {  	v3 =	vand.u32 $0x7, v3;
	v4 =	vand.u32 $0xFFFFFFF0, v50  }
0x237: {  	v3 =	vor.u32 v3, v4  }
0x238: {  	v4 =	vperm.xlane v3, v0;
	_ =	sdelay $0x1  }
0x239: {  	v3 =	vperm.xlane v3, v2;
	v4 =	vadd.s32 v1, v4;
	_ =	sdelay $0x1  }
0x23a: {  	v3 =	vadd.s32 v1, v3;
	_ =	sdelay $0x2  }
0x23b: {  	[tilespmem:s18], [sflag:$0x1] =	stream.indirect_vreg.gather [hbm4b:s3+s2], $0x80, v4, vm0, $0xb8;
	[tilespmem:$0x8400] =	vst v63  }
0x23c: {  	_ = 	snop  }
0x23d: {  	[tilespmem:s19], [sflag:$0x1] =	stream.indirect_vreg.gather [hbm4b:s3+s2], $0x80, v3, vm0, $0xb8;
	[tilespmem:$0x8400] =	vst v63  }
0x23e: {  	v3 =	vld [tilespmem:$0x330];
	_ =	sdelay $0x4  }
0x23f: {  	v51 =	vshll.u32 v3, $0x1  }
0x240: {  	v3 =	vand.u32 $0x7, v3;
	v4 =	vand.u32 $0xFFFFFFF0, v51  }
0x241: {  	v3 =	vor.u32 v3, v4  }
0x242: {  	v4 =	vperm.xlane v3, v0;
	_ =	sdelay $0x1  }
0x243: {  	v3 =	vperm.xlane v3, v2;
	v4 =	vadd.s32 v1, v4;
	_ =	sdelay $0x1  }
0x244: {  	v3 =	vadd.s32 v1, v3;
	_ =	sdelay $0x2  }
0x245: {  	[tilespmem:s20], [sflag:$0x1] =	stream.indirect_vreg.gather [hbm4b:s3+s2], $0x80, v4, vm0, $0xb8;
	[tilespmem:$0x8400] =	vst v63  }
0x246: {  	_ = 	snop  }
0x247: {  	[tilespmem:s21], [sflag:$0x1] =	stream.indirect_vreg.gather [hbm4b:s3+s2], $0x80, v3, vm0, $0xb8;
	[tilespmem:$0x8400] =	vst v63  }
0x248: {  	v3 =	vld [tilespmem:$0x340];
	_ =	sdelay $0x4  }
0x249: {  	v52 =	vshll.u32 v3, $0x1  }
0x24a: {  	v3 =	vand.u32 $0x7, v3;
	v4 =	vand.u32 $0xFFFFFFF0, v52  }
0x24b: {  	v3 =	vor.u32 v3, v4  }
0x24c: {  	v4 =	vperm.xlane v3, v0;
	_ =	sdelay $0x1  }
0x24d: {  	v3 =	vperm.xlane v3, v2;
	v4 =	vadd.s32 v1, v4;
	_ =	sdelay $0x1  }
0x24e: {  	v3 =	vadd.s32 v1, v3;
	_ =	sdelay $0x2  }
0x24f: {  	[tilespmem:s22], [sflag:$0x1] =	stream.indirect_vreg.gather [hbm4b:s3+s2], $0x80, v4, vm0, $0xb8;
	[tilespmem:$0x8400] =	vst v63  }
0x250: {  	_ = 	snop  }
0x251: {  	[tilespmem:s23], [sflag:$0x1] =	stream.indirect_vreg.gather [hbm4b:s3+s2], $0x80, v3, vm0, $0xb8;
	[tilespmem:$0x8400] =	vst v63  }
0x252: {  	v3 =	vld [tilespmem:$0x350];
	_ =	sdelay $0x4  }
0x253: {  	v53 =	vshll.u32 v3, $0x1  }
0x254: {  	v3 =	vand.u32 $0x7, v3;
	v4 =	vand.u32 $0xFFFFFFF0, v53  }
0x255: {  	v3 =	vor.u32 v3, v4  }
0x256: {  	v4 =	vperm.xlane v3, v0;
	_ =	sdelay $0x1  }
0x257: {  	v3 =	vperm.xlane v3, v2;
	v4 =	vadd.s32 v1, v4;
	_ =	sdelay $0x1  }
0x258: {  	v3 =	vadd.s32 v1, v3;
	_ =	sdelay $0x2  }
0x259: {  	[tilespmem:s24], [sflag:$0x1] =	stream.indirect_vreg.gather [hbm4b:s3+s2], $0x80, v4, vm0, $0xb8;
	[tilespmem:$0x8400] =	vst v63  }
0x25a: {  	_ = 	snop  }
0x25b: {  	[tilespmem:s25], [sflag:$0x1] =	stream.indirect_vreg.gather [hbm4b:s3+s2], $0x80, v3, vm0, $0xb8;
	[tilespmem:$0x8400] =	vst v63  }
0x25c: {  	v3 =	vld [tilespmem:$0x360];
	_ =	sdelay $0x4  }
0x25d: {  	v54 =	vshll.u32 v3, $0x1  }
0x25e: {  	v3 =	vand.u32 $0x7, v3;
	v4 =	vand.u32 $0xFFFFFFF0, v54  }
0x25f: {  	v3 =	vor.u32 v3, v4  }
0x260: {  	v4 =	vperm.xlane v3, v0;
	_ =	sdelay $0x1  }
0x261: {  	v3 =	vperm.xlane v3, v2;
	v4 =	vadd.s32 v1, v4;
	_ =	sdelay $0x1  }
0x262: {  	v3 =	vadd.s32 v1, v3;
	_ =	sdelay $0x2  }
0x263: {  	[tilespmem:s26], [sflag:$0x1] =	stream.indirect_vreg.gather [hbm4b:s3+s2], $0x80, v4, vm0, $0xb8;
	[tilespmem:$0x8400] =	vst v63  }
0x264: {  	_ = 	snop  }
0x265: {  	[tilespmem:s28], [sflag:$0x1] =	stream.indirect_vreg.gather [hbm4b:s3+s2], $0x80, v3, vm0, $0xb8;
	[tilespmem:$0x8400] =	vst v63  }
0x266: {  	v3 =	vld [tilespmem:$0x370];
	_ =	sdelay $0x4  }
0x267: {  	v55 =	vshll.u32 v3, $0x1  }
0x268: {  	v3 =	vand.u32 $0x7, v3;
	v4 =	vand.u32 $0xFFFFFFF0, v55  }
0x269: {  	v3 =	vor.u32 v3, v4  }
0x26a: {  	v4 =	vperm.xlane v3, v0;
	_ =	sdelay $0x1  }
0x26b: {  	v3 =	vperm.xlane v3, v2;
	v4 =	vadd.s32 v1, v4;
	_ =	sdelay $0x1  }
0x26c: {  	v3 =	vadd.s32 v1, v3;
	_ =	sdelay $0x2  }
0x26d: {  	[tilespmem:s29], [sflag:$0x1] =	stream.indirect_vreg.gather [hbm4b:s3+s2], $0x80, v4, vm0, $0xb8;
	[tilespmem:$0x8400] =	vst v63  }
0x26e: {  	_ = 	snop  }
0x26f: {  	[tilespmem:s30], [sflag:$0x1] =	stream.indirect_vreg.gather [hbm4b:s3+s2], $0x80, v3, vm0, $0xb8;
	[tilespmem:$0x8400] =	vst v63  }
0x270: {  	_ =	swait.ge [sflag:s31], $0x8000  }
0x271: {  	[sflag:s31] =	ssyncset.done $0x0  }
0x272: {  	[sflag:s31] =	ssyncadd.s32 $0xFFFF8000  }
0x273: {  	[hbm4b:s10+s2] =	stream.linear.scatter [tilespmem:s14], [sflag:$0x2], $0x8000, $0x38;
	[tilespmem:$0x8400] =	vst v63  }
0x274: {  	_ =	swait.ge [sflag:s13], $0x8000  }
0x275: {  	[sflag:s13] =	ssyncset.done $0x0  }
0x276: {  	[sflag:s13] =	ssyncadd.s32 $0xFFFF8000  }
0x277: {  	v3 =	vld [tilespmem:$0x380];
	_ =	sdelay $0x4  }
0x278: {  	v56 =	vshll.u32 v3, $0x1  }
0x279: {  	v3 =	vand.u32 $0x7, v3;
	v4 =	vand.u32 $0xFFFFFFF0, v56  }
0x27a: {  	v3 =	vor.u32 v3, v4  }
0x27b: {  	v4 =	vperm.xlane v3, v0;
	_ =	sdelay $0x1  }
0x27c: {  	v3 =	vperm.xlane v3, v2;
	v4 =	vadd.s32 v1, v4;
	_ =	sdelay $0x1  }
0x27d: {  	v3 =	vadd.s32 v1, v3;
	_ =	sdelay $0x2  }
0x27e: {  	[tilespmem:s14], [sflag:$0x1] =	stream.indirect_vreg.gather [hbm4b:s3+s2], $0x80, v4, vm0, $0xb8;
	[tilespmem:$0x8400] =	vst v63  }
0x27f: {  	_ = 	snop  }
0x280: {  	[tilespmem:s15], [sflag:$0x1] =	stream.indirect_vreg.gather [hbm4b:s3+s2], $0x80, v3, vm0, $0xb8;
	[tilespmem:$0x8400] =	vst v63  }
0x281: {  	v3 =	vld [tilespmem:$0x390];
	_ =	sdelay $0x4  }
0x282: {  	v57 =	vshll.u32 v3, $0x1  }
0x283: {  	v3 =	vand.u32 $0x7, v3;
	v4 =	vand.u32 $0xFFFFFFF0, v57  }
0x284: {  	v3 =	vor.u32 v3, v4  }
0x285: {  	v4 =	vperm.xlane v3, v0;
	_ =	sdelay $0x1  }
0x286: {  	v3 =	vperm.xlane v3, v2;
	v4 =	vadd.s32 v1, v4;
	_ =	sdelay $0x1  }
0x287: {  	v3 =	vadd.s32 v1, v3;
	_ =	sdelay $0x2  }
0x288: {  	[tilespmem:s16], [sflag:$0x1] =	stream.indirect_vreg.gather [hbm4b:s3+s2], $0x80, v4, vm0, $0xb8;
	[tilespmem:$0x8400] =	vst v63  }
0x289: {  	_ = 	snop  }
0x28a: {  	[tilespmem:s17], [sflag:$0x1] =	stream.indirect_vreg.gather [hbm4b:s3+s2], $0x80, v3, vm0, $0xb8;
	[tilespmem:$0x8400] =	vst v63  }
0x28b: {  	v3 =	vld [tilespmem:$0x3A0];
	_ =	sdelay $0x4  }
0x28c: {  	v58 =	vshll.u32 v3, $0x1  }
0x28d: {  	v3 =	vand.u32 $0x7, v3;
	v4 =	vand.u32 $0xFFFFFFF0, v58  }
0x28e: {  	v3 =	vor.u32 v3, v4  }
0x28f: {  	v4 =	vperm.xlane v3, v0;
	_ =	sdelay $0x1  }
0x290: {  	v3 =	vperm.xlane v3, v2;
	v4 =	vadd.s32 v1, v4;
	_ =	sdelay $0x1  }
0x291: {  	v3 =	vadd.s32 v1, v3;
	_ =	sdelay $0x2  }
0x292: {  	[tilespmem:s18], [sflag:$0x1] =	stream.indirect_vreg.gather [hbm4b:s3+s2], $0x80, v4, vm0, $0xb8;
	[tilespmem:$0x8400] =	vst v63  }
0x293: {  	_ = 	snop  }
0x294: {  	[tilespmem:s19], [sflag:$0x1] =	stream.indirect_vreg.gather [hbm4b:s3+s2], $0x80, v3, vm0, $0xb8;
	[tilespmem:$0x8400] =	vst v63  }
0x295: {  	v3 =	vld [tilespmem:$0x3B0];
	_ =	sdelay $0x4  }
0x296: {  	v59 =	vshll.u32 v3, $0x1  }
0x297: {  	v3 =	vand.u32 $0x7, v3;
	v4 =	vand.u32 $0xFFFFFFF0, v59  }
0x298: {  	v3 =	vor.u32 v3, v4  }
0x299: {  	v4 =	vperm.xlane v3, v0;
	_ =	sdelay $0x1  }
0x29a: {  	v3 =	vperm.xlane v3, v2;
	v4 =	vadd.s32 v1, v4;
	_ =	sdelay $0x1  }
0x29b: {  	v3 =	vadd.s32 v1, v3;
	_ =	sdelay $0x2  }
0x29c: {  	[tilespmem:s20], [sflag:$0x1] =	stream.indirect_vreg.gather [hbm4b:s3+s2], $0x80, v4, vm0, $0xb8;
	[tilespmem:$0x8400] =	vst v63  }
0x29d: {  	_ = 	snop  }
0x29e: {  	[tilespmem:s21], [sflag:$0x1] =	stream.indirect_vreg.gather [hbm4b:s3+s2], $0x80, v3, vm0, $0xb8;
	[tilespmem:$0x8400] =	vst v63  }
0x29f: {  	v3 =	vld [tilespmem:$0x3C0];
	_ =	sdelay $0x4  }
0x2a0: {  	v60 =	vshll.u32 v3, $0x1  }
0x2a1: {  	v3 =	vand.u32 $0x7, v3;
	v4 =	vand.u32 $0xFFFFFFF0, v60  }
0x2a2: {  	v3 =	vor.u32 v3, v4  }
0x2a3: {  	v4 =	vperm.xlane v3, v0;
	_ =	sdelay $0x1  }
0x2a4: {  	v3 =	vperm.xlane v3, v2;
	v4 =	vadd.s32 v1, v4;
	_ =	sdelay $0x1  }
0x2a5: {  	v3 =	vadd.s32 v1, v3;
	_ =	sdelay $0x2  }
0x2a6: {  	[tilespmem:s22], [sflag:$0x1] =	stream.indirect_vreg.gather [hbm4b:s3+s2], $0x80, v4, vm0, $0xb8;
	[tilespmem:$0x8400] =	vst v63  }
0x2a7: {  	_ = 	snop  }
0x2a8: {  	[tilespmem:s23], [sflag:$0x1] =	stream.indirect_vreg.gather [hbm4b:s3+s2], $0x80, v3, vm0, $0xb8;
	[tilespmem:$0x8400] =	vst v63  }
0x2a9: {  	v3 =	vld [tilespmem:$0x3D0];
	_ =	sdelay $0x4  }
0x2aa: {  	v61 =	vshll.u32 v3, $0x1  }
0x2ab: {  	v3 =	vand.u32 $0x7, v3;
	v4 =	vand.u32 $0xFFFFFFF0, v61  }
0x2ac: {  	v3 =	vor.u32 v3, v4  }
0x2ad: {  	v4 =	vperm.xlane v3, v0;
	_ =	sdelay $0x1  }
0x2ae: {  	v3 =	vperm.xlane v3, v2;
	v4 =	vadd.s32 v1, v4;
	_ =	sdelay $0x1  }
0x2af: {  	v3 =	vadd.s32 v1, v3;
	_ =	sdelay $0x2  }
0x2b0: {  	[tilespmem:s24], [sflag:$0x1] =	stream.indirect_vreg.gather [hbm4b:s3+s2], $0x80, v4, vm0, $0xb8;
	[tilespmem:$0x8400] =	vst v63  }
0x2b1: {  	_ = 	snop  }
0x2b2: {  	[tilespmem:s25], [sflag:$0x1] =	stream.indirect_vreg.gather [hbm4b:s3+s2], $0x80, v3, vm0, $0xb8;
	[tilespmem:$0x8400] =	vst v63  }
0x2b3: {  	v3 =	vld [tilespmem:$0x3E0];
	_ =	sdelay $0x4  }
0x2b4: {  	v62 =	vshll.u32 v3, $0x1  }
0x2b5: {  	v3 =	vand.u32 $0x7, v3;
	v4 =	vand.u32 $0xFFFFFFF0, v62  }
0x2b6: {  	v3 =	vor.u32 v3, v4  }
0x2b7: {  	v4 =	vperm.xlane v3, v0;
	_ =	sdelay $0x1  }
0x2b8: {  	v3 =	vperm.xlane v3, v2;
	v4 =	vadd.s32 v1, v4;
	_ =	sdelay $0x1  }
0x2b9: {  	v3 =	vadd.s32 v1, v3;
	_ =	sdelay $0x2  }
0x2ba: {  	[tilespmem:s26], [sflag:$0x1] =	stream.indirect_vreg.gather [hbm4b:s3+s2], $0x80, v4, vm0, $0xb8;
	[tilespmem:$0x8400] =	vst v63  }
0x2bb: {  	_ = 	snop  }
0x2bc: {  	[tilespmem:s28], [sflag:$0x1] =	stream.indirect_vreg.gather [hbm4b:s3+s2], $0x80, v3, vm0, $0xb8;
	[tilespmem:$0x8400] =	vst v63  }
0x2bd: {  	v3 =	vld [tilespmem:$0x3F0];
	_ =	sdelay $0x4  }
0x2be: {  	v63 =	vshll.u32 v3, $0x1  }
0x2bf: {  	v3 =	vand.u32 $0x7, v3;
	v4 =	vand.u32 $0xFFFFFFF0, v63  }
0x2c0: {  	v3 =	vor.u32 v3, v4  }
0x2c1: {  	v4 =	vperm.xlane v3, v0;
	_ =	sdelay $0x1  }
0x2c2: {  	v3 =	vperm.xlane v3, v2;
	v4 =	vadd.s32 v1, v4;
	_ =	sdelay $0x1  }
0x2c3: {  	v3 =	vadd.s32 v1, v3;
	_ =	sdelay $0x2  }
0x2c4: {  	[tilespmem:s29], [sflag:$0x1] =	stream.indirect_vreg.gather [hbm4b:s3+s2], $0x80, v4, vm0, $0xb8;
	[tilespmem:$0x8400] =	vst v63  }
0x2c5: {  	_ = 	snop  }
0x2c6: {  	[tilespmem:s30], [sflag:$0x1] =	stream.indirect_vreg.gather [hbm4b:s3+s2], $0x80, v3, vm0, $0xb8;
	[tilespmem:$0x8400] =	vst v63  }
0x2c7: {  	_ =	swait.ge [sflag:s31], $0x8000  }
0x2c8: {  	p0 =	sne.s32 s12, $0x1;
	[sflag:s31] =	ssyncset.done $0x0  }
.Ltmp0:
0x2c9: {  	[sflag:s31] =	ssyncadd.s32 $0xFFFF8000;
	(pc) =	sbr.rel @p0 .LBB2_1-.Ltmp0, $4  }
0x2ca: {  	[hbm4b:s11+s2] =	stream.linear.scatter [tilespmem:s14], [sflag:$0x2], $0x8000, $0x38;
	[tilespmem:$0x8400] =	vst v63  }
0x2cb: {  	_ =	swait.ge [sflag:s13], $0x8000  }
0x2cc: {  	[sflag:s13] =	ssyncset.done $0x0  }
0x2cd: {  	s12 =	sadd.s32 $0xFFFFFFFF, s12;
	[sflag:s13] =	ssyncadd.s32 $0xFFFF8000  }
0x2ce: {  	_ =	sfence.sel $0x180000  }
0x2cf: {  	[bflag:$0x0] =	sbarrier.arrive $0xFFFF  }
0x2d0: {  	_ =	strace $0x9000004A  }
0x2d1: {  	[bflag:$0x2] =	sbarrier.arrive $0xFFFF  }
0x2d2: {  	p0 =	sne.s32 s1, $0x0;
	s0 =	rddreg [dreg:$0x2]  }
0x2d3: {  	s0 =	sadd.s32 @!p0 $0x100000, s0  }
0x2d4: {  	[sflag:s0] =	ssyncadd.tile.s32 @!p0 $0x1;
	_ =	shalt  }
.Lfunc_end2:
_tile_overlayer_lowered:
.L_overlay_start_2:
0x2d5: {  	(tag) =	ssettag $0x2  }
0x2d6: {  	s0 =	rddreg [dreg:$0x0];
	s2 =	stileid.u32  }
0x2d7: {  	s1 =	rddreg [dreg:$0x1];
	p0 =	sne.s32 s2, $0x0  }
0x2d8: {  	s3 =	rddreg [dreg:$0x2];
	[bflag:$0x3] =	sbarrier.arrive $0xFFFF;
	s2 =	simm.s32 @!p0 $0x1C02  }
0x2d9: {  	[timem:s3], [sflag:s2] =	dma.local @!p0 [hbm:s0], s1  }
0x2da: {  	s0 =	simm.s32 @!p0 $0x2  }
0x2db: {  	_ =	swait.ge @!p0 [sflag:s0], s1  }
0x2dc: {  	s1 =	ssub.s32 @!p0 $0x0, s1;
	[sflag:s0] =	ssyncset.done @!p0 $0x0  }
0x2dd: {  	[sflag:s0] =	ssyncadd.s32 @!p0 s1  }
0x2de: {  	[bflag:$0x3] =	sbarrier.arrive $0xFFFF  }
0x2df: {  	_ =	shalt  }

</sc_bundles>
